<compile_context>
chip_gen: v7x
topology: tpu7x:2x2x1
jax: 0.10.2.dev20260603
libtpu: 0.0.44.dev20260713+nightly
codegen_flags: <defaults>
</compile_context>

<pallas_src>
import functools

import jax
import jax.numpy as jnp
from jax import lax
from jax.experimental import pallas as pl
import jax.experimental.pallas.tpu as pltpu
from jax.experimental.pallas import tpu_sc as plsc

RES = 4
L_PTS = 10
L_DIR = 4
HID = 32
E = 64
TSZ = 256
TSZ_LOG = 8

NC, NS, LANES = 2, 16, 16
NW = NC * NS


def _worker_id():
    return lax.axis_index("s") * NC + lax.axis_index("c")


def _vox_from_xyz(xx, yy, zz):
    def q(v):
        return jnp.minimum(jnp.maximum((v + 1.0) * (0.5 * RES), 0.0),
                           RES - 1.0).astype(jnp.int32)
    return q(xx) * (RES * RES) + q(yy) * RES + q(zz)


def _make_hist(N):
    CH = N // NW
    VPW = CH // LANES
    mesh = plsc.VectorSubcoreMesh(core_axis_name="c", subcore_axis_name="s",
                                  num_cores=NC, num_subcores=NS)

    @functools.partial(
        pl.kernel, mesh=mesh,
        compiler_params=pltpu.CompilerParams(use_tc_tiling_on_sc=False, needs_layout_passes=False),
        out_type=jax.ShapeDtypeStruct((NW * E,), jnp.int32),
        scratch_types=[
            pltpu.VMEM((CH,), jnp.float32),
            pltpu.VMEM((CH,), jnp.float32),
            pltpu.VMEM((CH,), jnp.float32),
            pltpu.VMEM((CH,), jnp.int32),
            pltpu.VMEM((E,), jnp.int32),
        ],
    )
    def hist_kernel(x_hbm, y_hbm, z_hbm, hist_hbm, xv, yv, zv, voxv, histv):
        wid = _worker_id()
        base = wid * CH
        pltpu.sync_copy(x_hbm.at[pl.ds(base, CH)], xv)
        pltpu.sync_copy(y_hbm.at[pl.ds(base, CH)], yv)
        pltpu.sync_copy(z_hbm.at[pl.ds(base, CH)], zv)

        def vox_body(j, _):
            sl = pl.ds(j * LANES, LANES)
            voxv[sl] = _vox_from_xyz(xv[sl], yv[sl], zv[sl])
            return 0
        lax.fori_loop(0, VPW, vox_body, 0)

        def b_body(b, bvec):
            def j_body(j, cnt):
                m = voxv[pl.ds(j * LANES, LANES)] == bvec
                return cnt + jnp.sum(m.astype(jnp.int32))
            cnt = lax.fori_loop(0, VPW, j_body, jnp.int32(0))
            plsc.store_scatter(histv, [bvec],
                               jnp.broadcast_to(cnt, (LANES,)))
            return bvec + 1
        lax.fori_loop(0, E, b_body, jnp.zeros((LANES,), jnp.int32))
        pltpu.sync_copy(histv, hist_hbm.at[pl.ds(base // CH * E, E)])

    return hist_kernel


def _make_route(N, n_pad, tiles):
    CH = N // NW
    VPW = CH // LANES
    KCH = CH // 128
    TV = tiles // LANES
    mesh = plsc.VectorSubcoreMesh(core_axis_name="c", subcore_axis_name="s",
                                  num_cores=NC, num_subcores=NS)

    @functools.partial(
        pl.kernel, mesh=mesh,
        compiler_params=pltpu.CompilerParams(use_tc_tiling_on_sc=False, needs_layout_passes=False),
        out_type=[
            jax.ShapeDtypeStruct((n_pad, 8), jnp.float32),
            jax.ShapeDtypeStruct((N,), jnp.int32),
            jax.ShapeDtypeStruct((tiles,), jnp.int32),
            jax.ShapeDtypeStruct((LANES,), jnp.int32),
        ],
        scratch_types=[
            pltpu.VMEM((CH,), jnp.float32),
            pltpu.VMEM((CH,), jnp.float32),
            pltpu.VMEM((CH,), jnp.float32),
            pltpu.VMEM((CH,), jnp.int32),
            pltpu.VMEM((CH, 8), jnp.float32),
            pltpu.VMEM((NW * E,), jnp.int32),
            pltpu.VMEM((E,), jnp.int32),
            pltpu.VMEM((E,), jnp.int32),
            pltpu.VMEM((E,), jnp.int32),
            pltpu.VMEM((E,), jnp.int32),
            pltpu.VMEM((E,), jnp.int32),
            pltpu.VMEM((KCH, 128), jnp.int32),
            pltpu.VMEM((tiles,), jnp.int32),
            pltpu.VMEM((LANES,), jnp.int32),
            pltpu.SemaphoreType.DMA,
        ],
    )
    def route_kernel(x_hbm, y_hbm, z_hbm, comb_hbm, hist_hbm,
                     sorted_hbm, pos_hbm, te_hbm, used_hbm,
                     xv, yv, zv, voxv, combv, histv,
                     totv, segv, tstartv, pstartv, priorv,
                     pos3, tev, usedv, sem):
        wid = _worker_id()
        base = wid * CH
        pltpu.sync_copy(x_hbm.at[pl.ds(base, CH)], xv)
        pltpu.sync_copy(y_hbm.at[pl.ds(base, CH)], yv)
        pltpu.sync_copy(z_hbm.at[pl.ds(base, CH)], zv)
        pltpu.sync_copy(comb_hbm.at[pl.ds(base, CH)], combv)
        pltpu.sync_copy(hist_hbm, histv)

        def vox_body(j, _):
            sl = pl.ds(j * LANES, LANES)
            voxv[sl] = _vox_from_xyz(xv[sl], yv[sl], zv[sl])
            return 0
        lax.fori_loop(0, VPW, vox_body, 0)

        for k in range(E // LANES):
            sl = pl.ds(k * LANES, LANES)

            def tot_body(w, acc):
                return acc + histv[pl.ds(w * E + k * LANES, LANES)]
            totv[sl] = lax.fori_loop(0, NW, tot_body,
                                     jnp.zeros((LANES,), jnp.int32))
            priorv[sl] = lax.fori_loop(0, wid, tot_body,
                                       jnp.zeros((LANES,), jnp.int32))

        carry = jnp.int32(0)
        for k in range(E // LANES):
            sl = pl.ds(k * LANES, LANES)
            seg = (totv[sl] + (TSZ - 1)) >> TSZ_LOG
            segv[sl] = seg
            incl = plsc.cumsum(seg)
            tstartv[sl] = incl - seg + carry
            pstartv[sl] = (incl - seg + carry) * TSZ
            carry = carry + jnp.sum(seg)

        def b_body(b, bvec):
            bucket_base = (plsc.load_gather(pstartv, [bvec])
                           + plsc.load_gather(priorv, [bvec]))

            def j_body(j, run):
                r = j // (128 // LANES)
                sl = pl.ds((j % (128 // LANES)) * LANES, LANES)
                m = voxv[pl.ds(j * LANES, LANES)] == bvec
                mi = m.astype(jnp.int32)
                excl = plsc.cumsum(mi) - mi
                pos3[r, sl] = jnp.where(m, bucket_base + (excl + run),
                                        pos3[r, sl])
                return run + jnp.sum(mi)
            lax.fori_loop(0, VPW, j_body, jnp.int32(0))
            return bvec + 1
        lax.fori_loop(0, E, b_body, jnp.zeros((LANES,), jnp.int32))

        for k in range(KCH):
            pltpu.sync_copy(pos3.at[k], pos_hbm.at[pl.ds(base + k * 128, 128)])
        for k in range(KCH):
            pltpu.async_copy(combv.at[pl.ds(k * 128, 128)],
                             sorted_hbm.at[pos3.at[k]], sem).wait()

        @pl.when(wid == 0)
        def _te():
            def t_body(tk, tbase):
                tvec = lax.iota(jnp.int32, LANES) + tbase

                def b2_body(b, carry2):
                    cnt, bvec = carry2
                    g = plsc.load_gather(tstartv, [bvec])
                    return (cnt + (g <= tvec).astype(jnp.int32), bvec + 1)
                cnt, _ = lax.fori_loop(
                    0, E, b2_body,
                    (jnp.zeros((LANES,), jnp.int32),
                     jnp.zeros((LANES,), jnp.int32)))
                tev[pl.ds(tk * LANES, LANES)] = cnt - 1
                return tbase + LANES
            lax.fori_loop(0, TV, t_body, jnp.zeros((LANES,), jnp.int32))
            last = jnp.full((LANES,), E - 1, jnp.int32)
            usedv[...] = (plsc.load_gather(tstartv, [last])
                          + plsc.load_gather(segv, [last]))
            pltpu.sync_copy(tev, te_hbm)
            pltpu.sync_copy(usedv, used_hbm)

    return route_kernel


def _make_unsort(N, n_pad):
    CH = N // NW
    KCH = CH // 128
    mesh = plsc.VectorSubcoreMesh(core_axis_name="c", subcore_axis_name="s",
                                  num_cores=NC, num_subcores=NS)

    @functools.partial(
        pl.kernel, mesh=mesh,
        compiler_params=pltpu.CompilerParams(use_tc_tiling_on_sc=False, needs_layout_passes=False),
        out_type=jax.ShapeDtypeStruct((N, 8), jnp.float32),
        scratch_types=[
            pltpu.VMEM((KCH, 128), jnp.int32),
            pltpu.VMEM((CH, 8), jnp.float32),
            pltpu.SemaphoreType.DMA,
        ],
    )
    def unsort_kernel(rows_hbm, pos_hbm, final_hbm, pos3, rowsv, sem):
        wid = _worker_id()
        base = wid * CH
        for k in range(KCH):
            pltpu.sync_copy(pos_hbm.at[pl.ds(base + k * 128, 128)],
                            pos3.at[k])
        for k in range(KCH):
            pltpu.async_copy(rows_hbm.at[pos3.at[k]],
                             rowsv.at[pl.ds(k * 128, 128)], sem).wait()
        pltpu.sync_copy(rowsv, final_hbm.at[pl.ds(base, CH)])

    return unsort_kernel


GRP = 4


def _mlp_one(rt, sxb, cxb, sdb, cdb, w32, w16, w8, bias, wsr, bsr):
    dot = lambda a, b: jnp.dot(a, b, preferred_element_type=jnp.float32)
    h = jax.nn.relu(dot(w8[0], rt) + dot(w32[0], sxb)
                    + dot(w32[1], cxb) + bias[0])
    h = jax.nn.relu(dot(w32[2], h) + bias[1])
    sig = dot(wsr[0:1], h) + bsr[0:1]
    feat = dot(w32[3], h) + bias[2]
    h2 = jax.nn.relu(dot(w32[4], feat) + dot(w8[1], rt)
                     + dot(w16[0], sdb) + dot(w16[1], cdb) + bias[3])
    rgb = dot(wsr[1:4], h2) + bsr[1:4]
    return jnp.concatenate(
        [rgb, sig, jnp.zeros((4, rt.shape[1]), jnp.float32)], axis=0)


def _mlp_kernel(te_ref, used_ref, rows_ref, fp_ref, fd_ref, *refs):
    out_ref = refs[-1]
    t = pl.program_id(0)
    fp = fp_ref[...]
    fd = fd_ref[...]

    @pl.when(t * GRP < used_ref[0])
    def _compute():
        rows = rows_ref[...]
        hdot = lambda a, b: jnp.dot(a, b, preferred_element_type=jnp.float32,
                                    precision=jax.lax.Precision.HIGHEST)
        xb = hdot(fp, rows)
        db = hdot(fd, rows)
        sxb, cxb = jnp.sin(xb), jnp.cos(xb)
        sdb, cdb = jnp.sin(db), jnp.cos(db)
        for g in range(GRP):
            w32, w16, w8, bias, wsr, bsr = refs[6 * g:6 * g + 6]
            sl = slice(g * TSZ, (g + 1) * TSZ)
            out_ref[:, sl] = _mlp_one(
                rows[:, sl], sxb[:, sl], cxb[:, sl], sdb[:, sl], cdb[:, sl],
                w32[0], w16[0], w8[0], bias[0], wsr[0], bsr[0])


def _grouped_mlp(sorted_t, te, used, consts, weights):
    n_pad = sorted_t.shape[1]
    tiles = n_pad // TSZ
    steps = tiles // GRP

    blk = pl.BlockSpec((8, GRP * TSZ), lambda t, te_r, used_r: (0, t))
    cst = lambda a: pl.BlockSpec(a.shape, lambda t, te_r, used_r: (0,) * a.ndim)

    def per_e(a, g):
        nd = a.ndim - 1
        return pl.BlockSpec(
            (1,) + a.shape[1:],
            lambda t, te_r, used_r, g=g, nd=nd: (te_r[t * GRP + g],) + (0,) * nd)

    in_specs = [blk] + [cst(a) for a in consts]
    args = [te, used, sorted_t] + list(consts)
    for g in range(GRP):
        in_specs += [per_e(a, g) for a in weights]
        args += list(weights)

    grid_spec = pltpu.PrefetchScalarGridSpec(
        num_scalar_prefetch=2,
        grid=(steps,),
        in_specs=in_specs,
        out_specs=blk,
    )
    return pl.pallas_call(
        _mlp_kernel,
        grid_spec=grid_spec,
        out_shape=jax.ShapeDtypeStruct((8, n_pad), jnp.float32),
    )(*args)


def kernel(pts, viewdirs, W1, b1, W2, b2, Wf, bf, Ws, bs, Wv, bv, Wr, br):
    N_rays, N_samp, _ = pts.shape
    N = N_rays * N_samp
    pts_flat = pts.reshape(N, 3)
    dirs_flat = jnp.broadcast_to(viewdirs[:, None, :], (N_rays, N_samp, 3)).reshape(N, 3)

    tiles = N // TSZ + E
    n_pad = tiles * TSZ

    x = pts_flat[:, 0]
    y = pts_flat[:, 1]
    z = pts_flat[:, 2]
    comb = jnp.concatenate(
        [pts_flat, dirs_flat, jnp.zeros((N, 2), jnp.float32)], axis=1)

    hist = _make_hist(N)(x, y, z)
    sorted_tab, pos, te, used = _make_route(N, n_pad, tiles)(
        x, y, z, comb, hist)

    pad = lambda a, w: jnp.pad(a, ((0, 0), (0, 0), (0, w - a.shape[2])))
    W1t = jnp.swapaxes(W1, 1, 2)
    sin_rows = jnp.array([3 + 6 * l + i for l in range(L_PTS)
                          for i in range(3)], jnp.int32)
    cos_rows = sin_rows + 3
    W1x = pad(W1t[:, :, 0:3], 8)
    W1s = pad(W1t[:, :, sin_rows], 32)
    W1c = pad(W1t[:, :, cos_rows], 32)
    Wvt = jnp.swapaxes(Wv, 1, 2)
    dsin_rows = jnp.array([3 + 6 * l + i for l in range(L_DIR)
                           for i in range(3)], jnp.int32) + HID
    dcos_rows = dsin_rows + 3
    Wvf = Wvt[:, :, 0:HID]
    Wvx = jnp.pad(Wvt[:, :, HID:HID + 3],
                  ((0, 0), (0, 0), (3, 2)))
    Wvs = pad(Wvt[:, :, dsin_rows], 16)
    Wvc = pad(Wvt[:, :, dcos_rows], 16)
    W2t = jnp.swapaxes(W2, 1, 2)
    Wft = jnp.swapaxes(Wf, 1, 2)
    Wst = jnp.swapaxes(Ws, 1, 2)
    Wrt = jnp.swapaxes(Wr, 1, 2)
    b1c = b1[:, :, None]
    b2c = b2[:, :, None]
    bfc = bf[:, :, None]
    bsc = bs[:, :, None]
    bvc = bv[:, :, None]
    brc = br[:, :, None]

    fp = jnp.pad(jnp.kron(2.0 ** jnp.arange(L_PTS, dtype=jnp.float32)[:, None],
                          jnp.eye(3, dtype=jnp.float32)),
                 ((0, 2), (0, 5)))
    fd = jnp.pad(jnp.kron(2.0 ** jnp.arange(L_DIR, dtype=jnp.float32)[:, None],
                          jnp.eye(3, dtype=jnp.float32)),
                 ((0, 4), (3, 2)))

    w32 = jnp.stack([W1s, W1c, W2t, Wft, Wvf], axis=1)
    w16 = jnp.stack([Wvs, Wvc], axis=1)
    w8 = jnp.stack([W1x, Wvx], axis=1)
    bias = jnp.stack([b1c, b2c, bfc, bvc], axis=1)
    wsr = jnp.concatenate([Wst, Wrt], axis=1)
    bsr = jnp.concatenate([bsc, brc], axis=1)

    consts = [fp, fd]
    weights = [w32, w16, w8, bias, wsr, bsr]
    out_t = _grouped_mlp(sorted_tab.T, te, used, consts, weights)

    final = _make_unsort(N, n_pad)(out_t.T, pos)

    rgb = final[:, 0:3].reshape(N_rays, N_samp, 3)
    sigma = final[:, 3:4].reshape(N_rays, N_samp, 1)
    return rgb, sigma

# --- scband reference (transcript-rebuilt; emitter-appended) ---
"""Pipeline reference for scband-network-20151986553470 (READ-ONLY COPY).

The authoritative reference and input builder live on the scoring server;
editing this copy changes nothing except your own understanding.
"""

import jax, jax.numpy as jnp
import numpy as np

E = 64          # 4x4x4 voxel grid of expert MLPs
RES = 4
WID = 32        # hidden width
L_PTS = 10      # xyz PE freqs -> 3 + 3*2*10 = 63
L_DIR = 4       # dir PE freqs -> 3 + 3*2*4 = 27
N_RAYS = 512
N_SAMP = 32


def pe(x, L):
    freqs = 2.0 ** jnp.arange(L, dtype=x.dtype)
    xb = x[..., None, :] * freqs[:, None]            # [..., L, 3]
    enc = jnp.concatenate([jnp.sin(xb), jnp.cos(xb)], axis=-1)  # [..., L, 6]
    enc = enc.reshape(x.shape[:-1] + (L * 6,))
    return jnp.concatenate([x, enc], axis=-1)


def setup_inputs(seed: int = 0):
    key = jax.random.key(seed)
    ks = jax.random.split(key, 16)
    pts = jax.random.uniform(ks[0], (N_RAYS, N_SAMP, 3), minval=-1.0, maxval=1.0, dtype=jnp.float32)
    vd = jax.random.normal(ks[1], (N_RAYS, 3), dtype=jnp.float32)
    viewdirs = vd / (jnp.linalg.norm(vd, axis=-1, keepdims=True) + 1e-8)
    s = 0.1
    W1 = jax.random.normal(ks[2], (E, 63, WID), dtype=jnp.float32) * s
    b1 = jnp.zeros((E, WID), dtype=jnp.float32)
    W2 = jax.random.normal(ks[3], (E, WID, WID), dtype=jnp.float32) * s
    b2 = jnp.zeros((E, WID), dtype=jnp.float32)
    Wf = jax.random.normal(ks[4], (E, WID, WID), dtype=jnp.float32) * s
    bf = jnp.zeros((E, WID), dtype=jnp.float32)
    Ws = jax.random.normal(ks[5], (E, WID, 1), dtype=jnp.float32) * s
    bs = jnp.zeros((E, 1), dtype=jnp.float32)
    Wv = jax.random.normal(ks[6], (E, 27 + WID, WID), dtype=jnp.float32) * s
    bv = jnp.zeros((E, WID), dtype=jnp.float32)
    Wr = jax.random.normal(ks[7], (E, WID, 3), dtype=jnp.float32) * s
    br = jnp.zeros((E, 3), dtype=jnp.float32)
    return dict(pts=pts, viewdirs=viewdirs, W1=W1, b1=b1, W2=W2, b2=b2,
                Wf=Wf, bf=bf, Ws=Ws, bs=bs, Wv=Wv, bv=bv, Wr=Wr, br=br)


def reference(pts, viewdirs, W1, b1, W2, b2, Wf, bf, Ws, bs, Wv, bv, Wr, br):
    N_rays, N_samples, _ = pts.shape
    pts_flat = pts.reshape(-1, 3)
    dirs_flat = jnp.broadcast_to(viewdirs[:, None, :], (N_rays, N_samples, 3)).reshape(-1, 3)

    # voxel routing: _get_index + flat index (aabb = [-1,1]^3, grid 4x4x4)
    norm = (pts_flat - (-1.0)) / 2.0
    scaled = norm * RES
    clamped = jnp.clip(scaled, 0.0, RES - 1.0)
    idx3 = clamped.astype(jnp.int32)
    flat = idx3[:, 0] * (RES * RES) + idx3[:, 1] * RES + idx3[:, 2]   # [N]

    emb_p = pe(pts_flat, L_PTS)    # [N, 63]
    emb_d = pe(dirs_flat, L_DIR)   # [N, 27]

    # per-point expert weight gather == dispatching each point to its voxel MLP
    h = jax.nn.relu(jnp.einsum('ni,nio->no', emb_p, W1[flat]) + b1[flat])
    h = jax.nn.relu(jnp.einsum('ni,nio->no', h, W2[flat]) + b2[flat])
    sigma = jnp.einsum('ni,nio->no', h, Ws[flat]) + bs[flat]
    feat = jnp.einsum('ni,nio->no', h, Wf[flat]) + bf[flat]
    h2 = jnp.concatenate([feat, emb_d], axis=-1)
    h2 = jax.nn.relu(jnp.einsum('ni,nio->no', h2, Wv[flat]) + bv[flat])
    rgb = jnp.einsum('ni,nio->no', h2, Wr[flat]) + br[flat]

    rgb = rgb.reshape(N_rays, N_samples, 3)
    sigma = sigma.reshape(N_rays, N_samples, 1)
    return rgb, sigma

if __name__ == "__main__":
    import jax
    _d = setup_inputs()
    print(jax.jit(kernel)(*tuple(_d.values())))

</pallas_src>

<mosaic_0001>
#map = affine_map<(d0, d1) -> (0, 0)>
#map1 = affine_map<(d0, d1) -> (0)>
module attributes {stable_mosaic.version = 14 : i64} {
  func.func @unsort_kernel(%arg0: i32, %arg1: i32, %arg2: memref<32768x8xf32, #tpu.memory_space<hbm>>, %arg3: memref<16384xi32, #tpu.memory_space<hbm>>, %arg4: memref<16384x8xf32, #tpu.memory_space<hbm>>, %arg5: memref<4x128xi32, #tpu.memory_space<vmem>>, %arg6: memref<512x8xf32, #tpu.memory_space<vmem>>, %arg7: memref<!tpu.dma_semaphore, #tpu.memory_space<semaphore_mem>>) attributes {dimension_semantics = [#tpu.dimension_semantics<core_parallel>, #tpu.dimension_semantics<subcore_parallel>], iteration_bounds = array<i64: 2, 16>, scalar_prefetch = 0 : i64, scratch_operands = 3 : i64, tpu.core_type = #tpu.core_type<sc_vector_subcore>, window_params = [{transform_indices = #map}, {transform_indices = #map1}, {transform_indices = #map}]} {
    %mul3A = arith.constant 2 : i32
    %mul3A_0 = arith.muli %arg1, %mul3A : i32
    %add3A = arith.addi %mul3A_0, %arg0 : i32
    %mul3A_1 = arith.constant 512 : i32
    %mul3A_2 = arith.muli %add3A, %mul3A_1 : i32
    %add3A_3 = arith.constant 0 : i32
    %add3A_4 = arith.addi %mul3A_2, %add3A_3 : i32
    %run_scoped3A = arith.constant 0 : i32
    "tpu.region"() ({
      %run_scoped3A_92 = tpu.sem_alloc : memref<!tpu.dma_semaphore, #tpu.memory_space<semaphore_mem>>
      %dma_start3A_93 = arith.constant 0 : i32
      %dma_start3A_94 = tpu.memref_slice %arg5[%run_scoped3A, %dma_start3A_93] : memref<4x128xi32, #tpu.memory_space<vmem>> -> memref<1x128xi32, #tpu.memory_space<vmem>>
      %dma_start3A_95 = tpu.memref_squeeze %dma_start3A_94 : memref<1x128xi32, #tpu.memory_space<vmem>> -> memref<128xi32, #tpu.memory_space<vmem>>
      %dma_start3A_96 = tpu.memref_slice %arg3[%add3A_4] : memref<16384xi32, #tpu.memory_space<hbm>> -> memref<128xi32, #tpu.memory_space<hbm>>
      %dma_start3A_97 = arith.constant 0 : i32
      %dma_start3A_98 = tpu.memref_slice %arg5[%run_scoped3A, %dma_start3A_97] : memref<4x128xi32, #tpu.memory_space<vmem>> -> memref<1x128xi32, #tpu.memory_space<vmem>>
      %dma_start3A_99 = tpu.memref_squeeze %dma_start3A_98 : memref<1x128xi32, #tpu.memory_space<vmem>> -> memref<128xi32, #tpu.memory_space<vmem>>
      %dma_start3A_100 = tpu.memref_slice %arg3[%add3A_4] : memref<16384xi32, #tpu.memory_space<hbm>> -> memref<128xi32, #tpu.memory_space<hbm>>
      tpu.enqueue_dma source(%dma_start3A_100 : memref<128xi32, #tpu.memory_space<hbm>>) target(%dma_start3A_99 : memref<128xi32, #tpu.memory_space<vmem>>) target_semaphore(%run_scoped3A_92 : memref<!tpu.dma_semaphore, #tpu.memory_space<semaphore_mem>>)
      %dma_wait3A_101 = arith.constant 0 : i32
      %dma_wait3A_102 = tpu.memref_slice %arg5[%run_scoped3A, %dma_wait3A_101] : memref<4x128xi32, #tpu.memory_space<vmem>> -> memref<1x128xi32, #tpu.memory_space<vmem>>
      %dma_wait3A_103 = tpu.memref_squeeze %dma_wait3A_102 : memref<1x128xi32, #tpu.memory_space<vmem>> -> memref<128xi32, #tpu.memory_space<vmem>>
      %dma_wait3A_104 = tpu.memref_slice %arg3[%add3A_4] : memref<16384xi32, #tpu.memory_space<hbm>> -> memref<128xi32, #tpu.memory_space<hbm>>
      %dma_wait3A_105 = arith.constant 0 : i32
      %dma_wait3A_106 = tpu.memref_slice %arg5[%run_scoped3A, %dma_wait3A_105] : memref<4x128xi32, #tpu.memory_space<vmem>> -> memref<1x128xi32, #tpu.memory_space<vmem>>
      %dma_wait3A_107 = tpu.memref_squeeze %dma_wait3A_106 : memref<1x128xi32, #tpu.memory_space<vmem>> -> memref<128xi32, #tpu.memory_space<vmem>>
      %dma_wait3A_108 = tpu.memref_slice %arg3[%add3A_4] : memref<16384xi32, #tpu.memory_space<hbm>> -> memref<128xi32, #tpu.memory_space<hbm>>
      tpu.wait_dma2 semaphore(%run_scoped3A_92 : memref<!tpu.dma_semaphore, #tpu.memory_space<semaphore_mem>>) src(%dma_wait3A_108 : memref<128xi32, #tpu.memory_space<hbm>>) dst(%dma_wait3A_107 : memref<128xi32, #tpu.memory_space<vmem>>)
      tpu.yield
    }) : () -> ()
    %add3A_5 = arith.constant 128 : i32
    %add3A_6 = arith.addi %mul3A_2, %add3A_5 : i32
    %run_scoped3A_7 = arith.constant 1 : i32
    "tpu.region"() ({
      %run_scoped3A_92 = tpu.sem_alloc : memref<!tpu.dma_semaphore, #tpu.memory_space<semaphore_mem>>
      %dma_start3A_93 = arith.constant 0 : i32
      %dma_start3A_94 = tpu.memref_slice %arg5[%run_scoped3A_7, %dma_start3A_93] : memref<4x128xi32, #tpu.memory_space<vmem>> -> memref<1x128xi32, #tpu.memory_space<vmem>>
      %dma_start3A_95 = tpu.memref_squeeze %dma_start3A_94 : memref<1x128xi32, #tpu.memory_space<vmem>> -> memref<128xi32, #tpu.memory_space<vmem>>
      %dma_start3A_96 = tpu.memref_slice %arg3[%add3A_6] : memref<16384xi32, #tpu.memory_space<hbm>> -> memref<128xi32, #tpu.memory_space<hbm>>
      %dma_start3A_97 = arith.constant 0 : i32
      %dma_start3A_98 = tpu.memref_slice %arg5[%run_scoped3A_7, %dma_start3A_97] : memref<4x128xi32, #tpu.memory_space<vmem>> -> memref<1x128xi32, #tpu.memory_space<vmem>>
      %dma_start3A_99 = tpu.memref_squeeze %dma_start3A_98 : memref<1x128xi32, #tpu.memory_space<vmem>> -> memref<128xi32, #tpu.memory_space<vmem>>
      %dma_start3A_100 = tpu.memref_slice %arg3[%add3A_6] : memref<16384xi32, #tpu.memory_space<hbm>> -> memref<128xi32, #tpu.memory_space<hbm>>
      tpu.enqueue_dma source(%dma_start3A_100 : memref<128xi32, #tpu.memory_space<hbm>>) target(%dma_start3A_99 : memref<128xi32, #tpu.memory_space<vmem>>) target_semaphore(%run_scoped3A_92 : memref<!tpu.dma_semaphore, #tpu.memory_space<semaphore_mem>>)
      %dma_wait3A_101 = arith.constant 0 : i32
      %dma_wait3A_102 = tpu.memref_slice %arg5[%run_scoped3A_7, %dma_wait3A_101] : memref<4x128xi32, #tpu.memory_space<vmem>> -> memref<1x128xi32, #tpu.memory_space<vmem>>
      %dma_wait3A_103 = tpu.memref_squeeze %dma_wait3A_102 : memref<1x128xi32, #tpu.memory_space<vmem>> -> memref<128xi32, #tpu.memory_space<vmem>>
      %dma_wait3A_104 = tpu.memref_slice %arg3[%add3A_6] : memref<16384xi32, #tpu.memory_space<hbm>> -> memref<128xi32, #tpu.memory_space<hbm>>
      %dma_wait3A_105 = arith.constant 0 : i32
      %dma_wait3A_106 = tpu.memref_slice %arg5[%run_scoped3A_7, %dma_wait3A_105] : memref<4x128xi32, #tpu.memory_space<vmem>> -> memref<1x128xi32, #tpu.memory_space<vmem>>
      %dma_wait3A_107 = tpu.memref_squeeze %dma_wait3A_106 : memref<1x128xi32, #tpu.memory_space<vmem>> -> memref<128xi32, #tpu.memory_space<vmem>>
      %dma_wait3A_108 = tpu.memref_slice %arg3[%add3A_6] : memref<16384xi32, #tpu.memory_space<hbm>> -> memref<128xi32, #tpu.memory_space<hbm>>
      tpu.wait_dma2 semaphore(%run_scoped3A_92 : memref<!tpu.dma_semaphore, #tpu.memory_space<semaphore_mem>>) src(%dma_wait3A_108 : memref<128xi32, #tpu.memory_space<hbm>>) dst(%dma_wait3A_107 : memref<128xi32, #tpu.memory_space<vmem>>)
      tpu.yield
    }) : () -> ()
    %add3A_8 = arith.constant 256 : i32
    %add3A_9 = arith.addi %mul3A_2, %add3A_8 : i32
    %run_scoped3A_10 = arith.constant 2 : i32
    "tpu.region"() ({
      %run_scoped3A_92 = tpu.sem_alloc : memref<!tpu.dma_semaphore, #tpu.memory_space<semaphore_mem>>
      %dma_start3A_93 = arith.constant 0 : i32
      %dma_start3A_94 = tpu.memref_slice %arg5[%run_scoped3A_10, %dma_start3A_93] : memref<4x128xi32, #tpu.memory_space<vmem>> -> memref<1x128xi32, #tpu.memory_space<vmem>>
      %dma_start3A_95 = tpu.memref_squeeze %dma_start3A_94 : memref<1x128xi32, #tpu.memory_space<vmem>> -> memref<128xi32, #tpu.memory_space<vmem>>
      %dma_start3A_96 = tpu.memref_slice %arg3[%add3A_9] : memref<16384xi32, #tpu.memory_space<hbm>> -> memref<128xi32, #tpu.memory_space<hbm>>
      %dma_start3A_97 = arith.constant 0 : i32
      %dma_start3A_98 = tpu.memref_slice %arg5[%run_scoped3A_10, %dma_start3A_97] : memref<4x128xi32, #tpu.memory_space<vmem>> -> memref<1x128xi32, #tpu.memory_space<vmem>>
      %dma_start3A_99 = tpu.memref_squeeze %dma_start3A_98 : memref<1x128xi32, #tpu.memory_space<vmem>> -> memref<128xi32, #tpu.memory_space<vmem>>
      %dma_start3A_100 = tpu.memref_slice %arg3[%add3A_9] : memref<16384xi32, #tpu.memory_space<hbm>> -> memref<128xi32, #tpu.memory_space<hbm>>
      tpu.enqueue_dma source(%dma_start3A_100 : memref<128xi32, #tpu.memory_space<hbm>>) target(%dma_start3A_99 : memref<128xi32, #tpu.memory_space<vmem>>) target_semaphore(%run_scoped3A_92 : memref<!tpu.dma_semaphore, #tpu.memory_space<semaphore_mem>>)
      %dma_wait3A_101 = arith.constant 0 : i32
      %dma_wait3A_102 = tpu.memref_slice %arg5[%run_scoped3A_10, %dma_wait3A_101] : memref<4x128xi32, #tpu.memory_space<vmem>> -> memref<1x128xi32, #tpu.memory_space<vmem>>
      %dma_wait3A_103 = tpu.memref_squeeze %dma_wait3A_102 : memref<1x128xi32, #tpu.memory_space<vmem>> -> memref<128xi32, #tpu.memory_space<vmem>>
      %dma_wait3A_104 = tpu.memref_slice %arg3[%add3A_9] : memref<16384xi32, #tpu.memory_space<hbm>> -> memref<128xi32, #tpu.memory_space<hbm>>
      %dma_wait3A_105 = arith.constant 0 : i32
      %dma_wait3A_106 = tpu.memref_slice %arg5[%run_scoped3A_10, %dma_wait3A_105] : memref<4x128xi32, #tpu.memory_space<vmem>> -> memref<1x128xi32, #tpu.memory_space<vmem>>
      %dma_wait3A_107 = tpu.memref_squeeze %dma_wait3A_106 : memref<1x128xi32, #tpu.memory_space<vmem>> -> memref<128xi32, #tpu.memory_space<vmem>>
      %dma_wait3A_108 = tpu.memref_slice %arg3[%add3A_9] : memref<16384xi32, #tpu.memory_space<hbm>> -> memref<128xi32, #tpu.memory_space<hbm>>
      tpu.wait_dma2 semaphore(%run_scoped3A_92 : memref<!tpu.dma_semaphore, #tpu.memory_space<semaphore_mem>>) src(%dma_wait3A_108 : memref<128xi32, #tpu.memory_space<hbm>>) dst(%dma_wait3A_107 : memref<128xi32, #tpu.memory_space<vmem>>)
      tpu.yield
    }) : () -> ()
    %add3A_11 = arith.constant 384 : i32
    %add3A_12 = arith.addi %mul3A_2, %add3A_11 : i32
    %run_scoped3A_13 = arith.constant 3 : i32
    "tpu.region"() ({
      %run_scoped3A_92 = tpu.sem_alloc : memref<!tpu.dma_semaphore, #tpu.memory_space<semaphore_mem>>
      %dma_start3A_93 = arith.constant 0 : i32
      %dma_start3A_94 = tpu.memref_slice %arg5[%run_scoped3A_13, %dma_start3A_93] : memref<4x128xi32, #tpu.memory_space<vmem>> -> memref<1x128xi32, #tpu.memory_space<vmem>>
      %dma_start3A_95 = tpu.memref_squeeze %dma_start3A_94 : memref<1x128xi32, #tpu.memory_space<vmem>> -> memref<128xi32, #tpu.memory_space<vmem>>
      %dma_start3A_96 = tpu.memref_slice %arg3[%add3A_12] : memref<16384xi32, #tpu.memory_space<hbm>> -> memref<128xi32, #tpu.memory_space<hbm>>
      %dma_start3A_97 = arith.constant 0 : i32
      %dma_start3A_98 = tpu.memref_slice %arg5[%run_scoped3A_13, %dma_start3A_97] : memref<4x128xi32, #tpu.memory_space<vmem>> -> memref<1x128xi32, #tpu.memory_space<vmem>>
      %dma_start3A_99 = tpu.memref_squeeze %dma_start3A_98 : memref<1x128xi32, #tpu.memory_space<vmem>> -> memref<128xi32, #tpu.memory_space<vmem>>
      %dma_start3A_100 = tpu.memref_slice %arg3[%add3A_12] : memref<16384xi32, #tpu.memory_space<hbm>> -> memref<128xi32, #tpu.memory_space<hbm>>
      tpu.enqueue_dma source(%dma_start3A_100 : memref<128xi32, #tpu.memory_space<hbm>>) target(%dma_start3A_99 : memref<128xi32, #tpu.memory_space<vmem>>) target_semaphore(%run_scoped3A_92 : memref<!tpu.dma_semaphore, #tpu.memory_space<semaphore_mem>>)
      %dma_wait3A_101 = arith.constant 0 : i32
      %dma_wait3A_102 = tpu.memref_slice %arg5[%run_scoped3A_13, %dma_wait3A_101] : memref<4x128xi32, #tpu.memory_space<vmem>> -> memref<1x128xi32, #tpu.memory_space<vmem>>
      %dma_wait3A_103 = tpu.memref_squeeze %dma_wait3A_102 : memref<1x128xi32, #tpu.memory_space<vmem>> -> memref<128xi32, #tpu.memory_space<vmem>>
      %dma_wait3A_104 = tpu.memref_slice %arg3[%add3A_12] : memref<16384xi32, #tpu.memory_space<hbm>> -> memref<128xi32, #tpu.memory_space<hbm>>
      %dma_wait3A_105 = arith.constant 0 : i32
      %dma_wait3A_106 = tpu.memref_slice %arg5[%run_scoped3A_13, %dma_wait3A_105] : memref<4x128xi32, #tpu.memory_space<vmem>> -> memref<1x128xi32, #tpu.memory_space<vmem>>
      %dma_wait3A_107 = tpu.memref_squeeze %dma_wait3A_106 : memref<1x128xi32, #tpu.memory_space<vmem>> -> memref<128xi32, #tpu.memory_space<vmem>>
      %dma_wait3A_108 = tpu.memref_slice %arg3[%add3A_12] : memref<16384xi32, #tpu.memory_space<hbm>> -> memref<128xi32, #tpu.memory_space<hbm>>
      tpu.wait_dma2 semaphore(%run_scoped3A_92 : memref<!tpu.dma_semaphore, #tpu.memory_space<semaphore_mem>>) src(%dma_wait3A_108 : memref<128xi32, #tpu.memory_space<hbm>>) dst(%dma_wait3A_107 : memref<128xi32, #tpu.memory_space<vmem>>)
      tpu.yield
    }) : () -> ()
    %dma_start3A = arith.constant 0 : i32
    %dma_start3A_14 = arith.constant 0 : i32
    %dma_start3A_15 = arith.constant 0 : i32
    %dma_start3A_16 = tpu.memref_slice %arg6[%dma_start3A_14, %dma_start3A_15] : memref<512x8xf32, #tpu.memory_space<vmem>> -> memref<128x8xf32, #tpu.memory_space<vmem>>
    %dma_start3A_17 = arith.constant 0 : i32
    %dma_start3A_18 = tpu.memref_slice %arg5[%dma_start3A, %dma_start3A_17] : memref<4x128xi32, #tpu.memory_space<vmem>> -> memref<1x128xi32, #tpu.memory_space<vmem>>
    %dma_start3A_19 = tpu.memref_squeeze %dma_start3A_18 : memref<1x128xi32, #tpu.memory_space<vmem>> -> memref<128xi32, #tpu.memory_space<vmem>>
    %dma_start3A_20 = arith.constant 0 : i32
    %dma_start3A_21 = arith.constant 0 : i32
    %dma_start3A_22 = tpu.memref_slice %arg2[%dma_start3A_20, %dma_start3A_21] : memref<32768x8xf32, #tpu.memory_space<hbm>> -> memref<32768x8xf32, #tpu.memory_space<hbm>>
    tpu.enqueue_indirect_dma source(%dma_start3A_22 : memref<32768x8xf32, #tpu.memory_space<hbm>>) target(%dma_start3A_16 : memref<128x8xf32, #tpu.memory_space<vmem>>) offsets(%dma_start3A_19 : memref<128xi32, #tpu.memory_space<vmem>>) semaphore(%arg7 : memref<!tpu.dma_semaphore, #tpu.memory_space<semaphore_mem>>)
    %dma_wait3A = arith.constant 0 : i32
    %dma_wait3A_23 = arith.constant 0 : i32
    %dma_wait3A_24 = arith.constant 0 : i32
    %dma_wait3A_25 = tpu.memref_slice %arg6[%dma_wait3A_23, %dma_wait3A_24] : memref<512x8xf32, #tpu.memory_space<vmem>> -> memref<128x8xf32, #tpu.memory_space<vmem>>
    %dma_wait3A_26 = arith.constant 0 : i32
    %dma_wait3A_27 = tpu.memref_slice %arg5[%dma_wait3A, %dma_wait3A_26] : memref<4x128xi32, #tpu.memory_space<vmem>> -> memref<1x128xi32, #tpu.memory_space<vmem>>
    %dma_wait3A_28 = tpu.memref_squeeze %dma_wait3A_27 : memref<1x128xi32, #tpu.memory_space<vmem>> -> memref<128xi32, #tpu.memory_space<vmem>>
    %dma_wait3A_29 = arith.constant 0 : i32
    %dma_wait3A_30 = arith.constant 0 : i32
    %dma_wait3A_31 = tpu.memref_slice %arg2[%dma_wait3A_29, %dma_wait3A_30] : memref<32768x8xf32, #tpu.memory_space<hbm>> -> memref<32768x8xf32, #tpu.memory_space<hbm>>
    tpu.wait_indirect_dma semaphore(%arg7 : memref<!tpu.dma_semaphore, #tpu.memory_space<semaphore_mem>>) src(%dma_wait3A_31 : memref<32768x8xf32, #tpu.memory_space<hbm>>) dst(%dma_wait3A_25 : memref<128x8xf32, #tpu.memory_space<vmem>>)
    %dma_start3A_32 = arith.constant 1 : i32
    %dma_start3A_33 = arith.constant 128 : i32
    %dma_start3A_34 = arith.constant 0 : i32
    %dma_start3A_35 = tpu.memref_slice %arg6[%dma_start3A_33, %dma_start3A_34] : memref<512x8xf32, #tpu.memory_space<vmem>> -> memref<128x8xf32, #tpu.memory_space<vmem>>
    %dma_start3A_36 = arith.constant 0 : i32
    %dma_start3A_37 = tpu.memref_slice %arg5[%dma_start3A_32, %dma_start3A_36] : memref<4x128xi32, #tpu.memory_space<vmem>> -> memref<1x128xi32, #tpu.memory_space<vmem>>
    %dma_start3A_38 = tpu.memref_squeeze %dma_start3A_37 : memref<1x128xi32, #tpu.memory_space<vmem>> -> memref<128xi32, #tpu.memory_space<vmem>>
    %dma_start3A_39 = arith.constant 0 : i32
    %dma_start3A_40 = arith.constant 0 : i32
    %dma_start3A_41 = tpu.memref_slice %arg2[%dma_start3A_39, %dma_start3A_40] : memref<32768x8xf32, #tpu.memory_space<hbm>> -> memref<32768x8xf32, #tpu.memory_space<hbm>>
    tpu.enqueue_indirect_dma source(%dma_start3A_41 : memref<32768x8xf32, #tpu.memory_space<hbm>>) target(%dma_start3A_35 : memref<128x8xf32, #tpu.memory_space<vmem>>) offsets(%dma_start3A_38 : memref<128xi32, #tpu.memory_space<vmem>>) semaphore(%arg7 : memref<!tpu.dma_semaphore, #tpu.memory_space<semaphore_mem>>)
    %dma_wait3A_42 = arith.constant 1 : i32
    %dma_wait3A_43 = arith.constant 128 : i32
    %dma_wait3A_44 = arith.constant 0 : i32
    %dma_wait3A_45 = tpu.memref_slice %arg6[%dma_wait3A_43, %dma_wait3A_44] : memref<512x8xf32, #tpu.memory_space<vmem>> -> memref<128x8xf32, #tpu.memory_space<vmem>>
    %dma_wait3A_46 = arith.constant 0 : i32
    %dma_wait3A_47 = tpu.memref_slice %arg5[%dma_wait3A_42, %dma_wait3A_46] : memref<4x128xi32, #tpu.memory_space<vmem>> -> memref<1x128xi32, #tpu.memory_space<vmem>>
    %dma_wait3A_48 = tpu.memref_squeeze %dma_wait3A_47 : memref<1x128xi32, #tpu.memory_space<vmem>> -> memref<128xi32, #tpu.memory_space<vmem>>
    %dma_wait3A_49 = arith.constant 0 : i32
    %dma_wait3A_50 = arith.constant 0 : i32
    %dma_wait3A_51 = tpu.memref_slice %arg2[%dma_wait3A_49, %dma_wait3A_50] : memref<32768x8xf32, #tpu.memory_space<hbm>> -> memref<32768x8xf32, #tpu.memory_space<hbm>>
    tpu.wait_indirect_dma semaphore(%arg7 : memref<!tpu.dma_semaphore, #tpu.memory_space<semaphore_mem>>) src(%dma_wait3A_51 : memref<32768x8xf32, #tpu.memory_space<hbm>>) dst(%dma_wait3A_45 : memref<128x8xf32, #tpu.memory_space<vmem>>)
    %dma_start3A_52 = arith.constant 2 : i32
    %dma_start3A_53 = arith.constant 256 : i32
    %dma_start3A_54 = arith.constant 0 : i32
    %dma_start3A_55 = tpu.memref_slice %arg6[%dma_start3A_53, %dma_start3A_54] : memref<512x8xf32, #tpu.memory_space<vmem>> -> memref<128x8xf32, #tpu.memory_space<vmem>>
    %dma_start3A_56 = arith.constant 0 : i32
    %dma_start3A_57 = tpu.memref_slice %arg5[%dma_start3A_52, %dma_start3A_56] : memref<4x128xi32, #tpu.memory_space<vmem>> -> memref<1x128xi32, #tpu.memory_space<vmem>>
    %dma_start3A_58 = tpu.memref_squeeze %dma_start3A_57 : memref<1x128xi32, #tpu.memory_space<vmem>> -> memref<128xi32, #tpu.memory_space<vmem>>
    %dma_start3A_59 = arith.constant 0 : i32
    %dma_start3A_60 = arith.constant 0 : i32
    %dma_start3A_61 = tpu.memref_slice %arg2[%dma_start3A_59, %dma_start3A_60] : memref<32768x8xf32, #tpu.memory_space<hbm>> -> memref<32768x8xf32, #tpu.memory_space<hbm>>
    tpu.enqueue_indirect_dma source(%dma_start3A_61 : memref<32768x8xf32, #tpu.memory_space<hbm>>) target(%dma_start3A_55 : memref<128x8xf32, #tpu.memory_space<vmem>>) offsets(%dma_start3A_58 : memref<128xi32, #tpu.memory_space<vmem>>) semaphore(%arg7 : memref<!tpu.dma_semaphore, #tpu.memory_space<semaphore_mem>>)
    %dma_wait3A_62 = arith.constant 2 : i32
    %dma_wait3A_63 = arith.constant 256 : i32
    %dma_wait3A_64 = arith.constant 0 : i32
    %dma_wait3A_65 = tpu.memref_slice %arg6[%dma_wait3A_63, %dma_wait3A_64] : memref<512x8xf32, #tpu.memory_space<vmem>> -> memref<128x8xf32, #tpu.memory_space<vmem>>
    %dma_wait3A_66 = arith.constant 0 : i32
    %dma_wait3A_67 = tpu.memref_slice %arg5[%dma_wait3A_62, %dma_wait3A_66] : memref<4x128xi32, #tpu.memory_space<vmem>> -> memref<1x128xi32, #tpu.memory_space<vmem>>
    %dma_wait3A_68 = tpu.memref_squeeze %dma_wait3A_67 : memref<1x128xi32, #tpu.memory_space<vmem>> -> memref<128xi32, #tpu.memory_space<vmem>>
    %dma_wait3A_69 = arith.constant 0 : i32
    %dma_wait3A_70 = arith.constant 0 : i32
    %dma_wait3A_71 = tpu.memref_slice %arg2[%dma_wait3A_69, %dma_wait3A_70] : memref<32768x8xf32, #tpu.memory_space<hbm>> -> memref<32768x8xf32, #tpu.memory_space<hbm>>
    tpu.wait_indirect_dma semaphore(%arg7 : memref<!tpu.dma_semaphore, #tpu.memory_space<semaphore_mem>>) src(%dma_wait3A_71 : memref<32768x8xf32, #tpu.memory_space<hbm>>) dst(%dma_wait3A_65 : memref<128x8xf32, #tpu.memory_space<vmem>>)
    %dma_start3A_72 = arith.constant 3 : i32
    %dma_start3A_73 = arith.constant 384 : i32
    %dma_start3A_74 = arith.constant 0 : i32
    %dma_start3A_75 = tpu.memref_slice %arg6[%dma_start3A_73, %dma_start3A_74] : memref<512x8xf32, #tpu.memory_space<vmem>> -> memref<128x8xf32, #tpu.memory_space<vmem>>
    %dma_start3A_76 = arith.constant 0 : i32
    %dma_start3A_77 = tpu.memref_slice %arg5[%dma_start3A_72, %dma_start3A_76] : memref<4x128xi32, #tpu.memory_space<vmem>> -> memref<1x128xi32, #tpu.memory_space<vmem>>
    %dma_start3A_78 = tpu.memref_squeeze %dma_start3A_77 : memref<1x128xi32, #tpu.memory_space<vmem>> -> memref<128xi32, #tpu.memory_space<vmem>>
    %dma_start3A_79 = arith.constant 0 : i32
    %dma_start3A_80 = arith.constant 0 : i32
    %dma_start3A_81 = tpu.memref_slice %arg2[%dma_start3A_79, %dma_start3A_80] : memref<32768x8xf32, #tpu.memory_space<hbm>> -> memref<32768x8xf32, #tpu.memory_space<hbm>>
    tpu.enqueue_indirect_dma source(%dma_start3A_81 : memref<32768x8xf32, #tpu.memory_space<hbm>>) target(%dma_start3A_75 : memref<128x8xf32, #tpu.memory_space<vmem>>) offsets(%dma_start3A_78 : memref<128xi32, #tpu.memory_space<vmem>>) semaphore(%arg7 : memref<!tpu.dma_semaphore, #tpu.memory_space<semaphore_mem>>)
    %dma_wait3A_82 = arith.constant 3 : i32
    %dma_wait3A_83 = arith.constant 384 : i32
    %dma_wait3A_84 = arith.constant 0 : i32
    %dma_wait3A_85 = tpu.memref_slice %arg6[%dma_wait3A_83, %dma_wait3A_84] : memref<512x8xf32, #tpu.memory_space<vmem>> -> memref<128x8xf32, #tpu.memory_space<vmem>>
    %dma_wait3A_86 = arith.constant 0 : i32
    %dma_wait3A_87 = tpu.memref_slice %arg5[%dma_wait3A_82, %dma_wait3A_86] : memref<4x128xi32, #tpu.memory_space<vmem>> -> memref<1x128xi32, #tpu.memory_space<vmem>>
    %dma_wait3A_88 = tpu.memref_squeeze %dma_wait3A_87 : memref<1x128xi32, #tpu.memory_space<vmem>> -> memref<128xi32, #tpu.memory_space<vmem>>
    %dma_wait3A_89 = arith.constant 0 : i32
    %dma_wait3A_90 = arith.constant 0 : i32
    %dma_wait3A_91 = tpu.memref_slice %arg2[%dma_wait3A_89, %dma_wait3A_90] : memref<32768x8xf32, #tpu.memory_space<hbm>> -> memref<32768x8xf32, #tpu.memory_space<hbm>>
    tpu.wait_indirect_dma semaphore(%arg7 : memref<!tpu.dma_semaphore, #tpu.memory_space<semaphore_mem>>) src(%dma_wait3A_91 : memref<32768x8xf32, #tpu.memory_space<hbm>>) dst(%dma_wait3A_85 : memref<128x8xf32, #tpu.memory_space<vmem>>)
    "tpu.region"() ({
      %run_scoped3A_92 = tpu.sem_alloc : memref<!tpu.dma_semaphore, #tpu.memory_space<semaphore_mem>>
      %dma_start3A_93 = arith.constant 0 : i32
      %dma_start3A_94 = tpu.memref_slice %arg4[%mul3A_2, %dma_start3A_93] : memref<16384x8xf32, #tpu.memory_space<hbm>> -> memref<512x8xf32, #tpu.memory_space<hbm>>
      %dma_start3A_95 = arith.constant 0 : i32
      %dma_start3A_96 = tpu.memref_slice %arg4[%mul3A_2, %dma_start3A_95] : memref<16384x8xf32, #tpu.memory_space<hbm>> -> memref<512x8xf32, #tpu.memory_space<hbm>>
      tpu.enqueue_dma source(%arg6 : memref<512x8xf32, #tpu.memory_space<vmem>>) target(%dma_start3A_96 : memref<512x8xf32, #tpu.memory_space<hbm>>) target_semaphore(%run_scoped3A_92 : memref<!tpu.dma_semaphore, #tpu.memory_space<semaphore_mem>>)
      %dma_wait3A_97 = arith.constant 0 : i32
      %dma_wait3A_98 = tpu.memref_slice %arg4[%mul3A_2, %dma_wait3A_97] : memref<16384x8xf32, #tpu.memory_space<hbm>> -> memref<512x8xf32, #tpu.memory_space<hbm>>
      %dma_wait3A_99 = arith.constant 0 : i32
      %dma_wait3A_100 = tpu.memref_slice %arg4[%mul3A_2, %dma_wait3A_99] : memref<16384x8xf32, #tpu.memory_space<hbm>> -> memref<512x8xf32, #tpu.memory_space<hbm>>
      tpu.wait_dma2 semaphore(%run_scoped3A_92 : memref<!tpu.dma_semaphore, #tpu.memory_space<semaphore_mem>>) src(%arg6 : memref<512x8xf32, #tpu.memory_space<vmem>>) dst(%dma_wait3A_100 : memref<512x8xf32, #tpu.memory_space<hbm>>)
      tpu.yield
    }) : () -> ()
    return
  }
}

#map = affine_map<(d0, d1) -> (0)>
module attributes {stable_mosaic.version = 14 : i64} {
  func.func @hist_kernel(%arg0: i32, %arg1: i32, %arg2: memref<16384xf32, #tpu.memory_space<hbm>>, %arg3: memref<16384xf32, #tpu.memory_space<hbm>>, %arg4: memref<16384xf32, #tpu.memory_space<hbm>>, %arg5: memref<2048xi32, #tpu.memory_space<hbm>>, %arg6: memref<512xf32, #tpu.memory_space<vmem>>, %arg7: memref<512xf32, #tpu.memory_space<vmem>>, %arg8: memref<512xf32, #tpu.memory_space<vmem>>, %arg9: memref<512xi32, #tpu.memory_space<vmem>>, %arg10: memref<64xi32, #tpu.memory_space<vmem>>) attributes {dimension_semantics = [#tpu.dimension_semantics<core_parallel>, #tpu.dimension_semantics<subcore_parallel>], iteration_bounds = array<i64: 2, 16>, scalar_prefetch = 0 : i64, scratch_operands = 5 : i64, tpu.core_type = #tpu.core_type<sc_vector_subcore>, window_params = [{transform_indices = #map}, {transform_indices = #map}, {transform_indices = #map}, {transform_indices = #map}]} {
    %mul3A = arith.constant 2 : i32
    %mul3A_0 = arith.muli %arg1, %mul3A : i32
    %add3A = arith.addi %mul3A_0, %arg0 : i32
    %mul3A_1 = arith.constant 512 : i32
    %mul3A_2 = arith.muli %add3A, %mul3A_1 : i32
    "tpu.region"() ({
      %run_scoped3A = tpu.sem_alloc : memref<!tpu.dma_semaphore, #tpu.memory_space<semaphore_mem>>
      %dma_start3A = tpu.memref_slice %arg2[%mul3A_2] : memref<16384xf32, #tpu.memory_space<hbm>> -> memref<512xf32, #tpu.memory_space<hbm>>
      %dma_start3A_34 = tpu.memref_slice %arg2[%mul3A_2] : memref<16384xf32, #tpu.memory_space<hbm>> -> memref<512xf32, #tpu.memory_space<hbm>>
      tpu.enqueue_dma source(%dma_start3A_34 : memref<512xf32, #tpu.memory_space<hbm>>) target(%arg6 : memref<512xf32, #tpu.memory_space<vmem>>) target_semaphore(%run_scoped3A : memref<!tpu.dma_semaphore, #tpu.memory_space<semaphore_mem>>)
      %dma_wait3A = tpu.memref_slice %arg2[%mul3A_2] : memref<16384xf32, #tpu.memory_space<hbm>> -> memref<512xf32, #tpu.memory_space<hbm>>
      %dma_wait3A_35 = tpu.memref_slice %arg2[%mul3A_2] : memref<16384xf32, #tpu.memory_space<hbm>> -> memref<512xf32, #tpu.memory_space<hbm>>
      tpu.wait_dma2 semaphore(%run_scoped3A : memref<!tpu.dma_semaphore, #tpu.memory_space<semaphore_mem>>) src(%dma_wait3A_35 : memref<512xf32, #tpu.memory_space<hbm>>) dst(%arg6 : memref<512xf32, #tpu.memory_space<vmem>>)
      tpu.yield
    }) : () -> ()
    "tpu.region"() ({
      %run_scoped3A = tpu.sem_alloc : memref<!tpu.dma_semaphore, #tpu.memory_space<semaphore_mem>>
      %dma_start3A = tpu.memref_slice %arg3[%mul3A_2] : memref<16384xf32, #tpu.memory_space<hbm>> -> memref<512xf32, #tpu.memory_space<hbm>>
      %dma_start3A_34 = tpu.memref_slice %arg3[%mul3A_2] : memref<16384xf32, #tpu.memory_space<hbm>> -> memref<512xf32, #tpu.memory_space<hbm>>
      tpu.enqueue_dma source(%dma_start3A_34 : memref<512xf32, #tpu.memory_space<hbm>>) target(%arg7 : memref<512xf32, #tpu.memory_space<vmem>>) target_semaphore(%run_scoped3A : memref<!tpu.dma_semaphore, #tpu.memory_space<semaphore_mem>>)
      %dma_wait3A = tpu.memref_slice %arg3[%mul3A_2] : memref<16384xf32, #tpu.memory_space<hbm>> -> memref<512xf32, #tpu.memory_space<hbm>>
      %dma_wait3A_35 = tpu.memref_slice %arg3[%mul3A_2] : memref<16384xf32, #tpu.memory_space<hbm>> -> memref<512xf32, #tpu.memory_space<hbm>>
      tpu.wait_dma2 semaphore(%run_scoped3A : memref<!tpu.dma_semaphore, #tpu.memory_space<semaphore_mem>>) src(%dma_wait3A_35 : memref<512xf32, #tpu.memory_space<hbm>>) dst(%arg7 : memref<512xf32, #tpu.memory_space<vmem>>)
      tpu.yield
    }) : () -> ()
    "tpu.region"() ({
      %run_scoped3A = tpu.sem_alloc : memref<!tpu.dma_semaphore, #tpu.memory_space<semaphore_mem>>
      %dma_start3A = tpu.memref_slice %arg4[%mul3A_2] : memref<16384xf32, #tpu.memory_space<hbm>> -> memref<512xf32, #tpu.memory_space<hbm>>
      %dma_start3A_34 = tpu.memref_slice %arg4[%mul3A_2] : memref<16384xf32, #tpu.memory_space<hbm>> -> memref<512xf32, #tpu.memory_space<hbm>>
      tpu.enqueue_dma source(%dma_start3A_34 : memref<512xf32, #tpu.memory_space<hbm>>) target(%arg8 : memref<512xf32, #tpu.memory_space<vmem>>) target_semaphore(%run_scoped3A : memref<!tpu.dma_semaphore, #tpu.memory_space<semaphore_mem>>)
      %dma_wait3A = tpu.memref_slice %arg4[%mul3A_2] : memref<16384xf32, #tpu.memory_space<hbm>> -> memref<512xf32, #tpu.memory_space<hbm>>
      %dma_wait3A_35 = tpu.memref_slice %arg4[%mul3A_2] : memref<16384xf32, #tpu.memory_space<hbm>> -> memref<512xf32, #tpu.memory_space<hbm>>
      tpu.wait_dma2 semaphore(%run_scoped3A : memref<!tpu.dma_semaphore, #tpu.memory_space<semaphore_mem>>) src(%dma_wait3A_35 : memref<512xf32, #tpu.memory_space<hbm>>) dst(%arg8 : memref<512xf32, #tpu.memory_space<vmem>>)
      tpu.yield
    }) : () -> ()
    %scan3A = arith.constant 0 : i32
    %scan3A_3 = arith.constant 0 : i32
    %scan3A_4 = arith.constant 32 : i32
    %scan3A_5 = arith.addi %scan3A_3, %scan3A_4 : i32
    %scan3A_6 = arith.constant 1 : i32
    %scan3A_7 = scf.for %scan3A_34 = %scan3A_3 to %scan3A_5 step %scan3A_6 iter_args(%scan3A_35 = %scan3A) -> (i32)  : i32 {
      %mul3A_36 = arith.constant 16 : i32
      %mul3A_37 = arith.muli %scan3A_34, %mul3A_36 : i32
      %get3A = arith.index_cast %mul3A_37 : i32 to index
      %get3A_38 = tpu.vector_load %arg6[%get3A] {strides = array<i32>} : memref<512xf32, #tpu.memory_space<vmem>>, vector<16xf32>,
      %get3A_39 = arith.index_cast %mul3A_37 : i32 to index
      %get3A_40 = tpu.vector_load %arg7[%get3A_39] {strides = array<i32>} : memref<512xf32, #tpu.memory_space<vmem>>, vector<16xf32>,
      %get3A_41 = arith.index_cast %mul3A_37 : i32 to index
      %get3A_42 = tpu.vector_load %arg8[%get3A_41] {strides = array<i32>} : memref<512xf32, #tpu.memory_space<vmem>>, vector<16xf32>,
      %add3A_43 = arith.constant 1.000000e+00 : f32
      %add3A_44 = vector.broadcast %add3A_43 : f32 to vector<16xf32>
      %add3A_45 = arith.addf %get3A_38, %add3A_44 : vector<16xf32>
      %mul3A_46 = arith.constant 2.000000e+00 : f32
      %mul3A_47 = vector.broadcast %mul3A_46 : f32 to vector<16xf32>
      %mul3A_48 = arith.mulf %add3A_45, %mul3A_47 : vector<16xf32>
      %max3A = arith.constant 0.000000e+00 : f32
      %max3A_49 = vector.broadcast %max3A : f32 to vector<16xf32>
      %max3A_50 = arith.maximumf %mul3A_48, %max3A_49 : vector<16xf32>
      %min3A = arith.constant 3.000000e+00 : f32
      %min3A_51 = vector.broadcast %min3A : f32 to vector<16xf32>
      %min3A_52 = arith.minimumf %max3A_50, %min3A_51 : vector<16xf32>
      %convert_element_type3A = arith.fptosi %min3A_52 : vector<16xf32> to vector<16xi32>
      %mul3A_53 = arith.constant 16 : i32
      %mul3A_54 = vector.broadcast %mul3A_53 : i32 to vector<16xi32>
      %mul3A_55 = arith.muli %convert_element_type3A, %mul3A_54 : vector<16xi32>
      %add3A_56 = arith.constant 1.000000e+00 : f32
      %add3A_57 = vector.broadcast %add3A_56 : f32 to vector<16xf32>
      %add3A_58 = arith.addf %get3A_40, %add3A_57 : vector<16xf32>
      %mul3A_59 = arith.constant 2.000000e+00 : f32
      %mul3A_60 = vector.broadcast %mul3A_59 : f32 to vector<16xf32>
      %mul3A_61 = arith.mulf %add3A_58, %mul3A_60 : vector<16xf32>
      %max3A_62 = arith.constant 0.000000e+00 : f32
      %max3A_63 = vector.broadcast %max3A_62 : f32 to vector<16xf32>
      %max3A_64 = arith.maximumf %mul3A_61, %max3A_63 : vector<16xf32>
      %min3A_65 = arith.constant 3.000000e+00 : f32
      %min3A_66 = vector.broadcast %min3A_65 : f32 to vector<16xf32>
      %min3A_67 = arith.minimumf %max3A_64, %min3A_66 : vector<16xf32>
      %convert_element_type3A_68 = arith.fptosi %min3A_67 : vector<16xf32> to vector<16xi32>
      %mul3A_69 = arith.constant 4 : i32
      %mul3A_70 = vector.broadcast %mul3A_69 : i32 to vector<16xi32>
      %mul3A_71 = arith.muli %convert_element_type3A_68, %mul3A_70 : vector<16xi32>
      %add3A_72 = arith.addi %mul3A_55, %mul3A_71 : vector<16xi32>
      %add3A_73 = arith.constant 1.000000e+00 : f32
      %add3A_74 = vector.broadcast %add3A_73 : f32 to vector<16xf32>
      %add3A_75 = arith.addf %get3A_42, %add3A_74 : vector<16xf32>
      %mul3A_76 = arith.constant 2.000000e+00 : f32
      %mul3A_77 = vector.broadcast %mul3A_76 : f32 to vector<16xf32>
      %mul3A_78 = arith.mulf %add3A_75, %mul3A_77 : vector<16xf32>
      %max3A_79 = arith.constant 0.000000e+00 : f32
      %max3A_80 = vector.broadcast %max3A_79 : f32 to vector<16xf32>
      %max3A_81 = arith.maximumf %mul3A_78, %max3A_80 : vector<16xf32>
      %min3A_82 = arith.constant 3.000000e+00 : f32
      %min3A_83 = vector.broadcast %min3A_82 : f32 to vector<16xf32>
      %min3A_84 = arith.minimumf %max3A_81, %min3A_83 : vector<16xf32>
      %convert_element_type3A_85 = arith.fptosi %min3A_84 : vector<16xf32> to vector<16xi32>
      %add3A_86 = arith.addi %add3A_72, %convert_element_type3A_85 : vector<16xi32>
      %swap3A = arith.index_cast %mul3A_37 : i32 to index
      %swap3A_87 = tpu.vector_load %arg9[%swap3A] {strides = array<i32>} : memref<512xi32, #tpu.memory_space<vmem>>, vector<16xi32>,
      tpu.vector_store %arg9[%swap3A], %add3A_86 {strides = array<i32>} : memref<512xi32, #tpu.memory_space<vmem>>, vector<16xi32>,
      %scan3A_88 = arith.constant 0 : i32
      scf.yield %scan3A_88 : i32
    }
    %scan3A_8 = arith.constant 32 : i32
    %broadcast_in_dim3A = arith.constant 0 : i32
    %broadcast_in_dim3A_9 = vector.broadcast %broadcast_in_dim3A : i32 to vector<16xi32>
    %scan3A_10 = arith.constant 0 : i32
    %scan3A_11 = arith.constant 64 : i32
    %scan3A_12 = arith.addi %scan3A_10, %scan3A_11 : i32
    %scan3A_13 = arith.constant 1 : i32
    %scan3A_14 = scf.for %scan3A_34 = %scan3A_10 to %scan3A_12 step %scan3A_13 iter_args(%scan3A_35 = %broadcast_in_dim3A_9) -> (vector<16xi32>)  : i32 {
      %scan3A_36 = arith.constant 0 : i32
      %scan3A_37 = arith.constant 0 : i32
      %scan3A_38 = arith.constant 32 : i32
      %scan3A_39 = arith.addi %scan3A_37, %scan3A_38 : i32
      %scan3A_40 = arith.constant 1 : i32
      %scan3A_41 = scf.for %scan3A_47 = %scan3A_37 to %scan3A_39 step %scan3A_40 iter_args(%scan3A_48 = %scan3A_36) -> (i32)  : i32 {
        %mul3A_49 = arith.constant 16 : i32
        %mul3A_50 = arith.muli %scan3A_47, %mul3A_49 : i32
        %get3A = arith.index_cast %mul3A_50 : i32 to index
        %get3A_51 = tpu.vector_load %arg9[%get3A] {strides = array<i32>} : memref<512xi32, #tpu.memory_space<vmem>>, vector<16xi32>,
        %eq3A = arith.cmpi eq, %get3A_51, %scan3A_35 : vector<16xi32>
        %convert_element_type3A = arith.extui %eq3A : vector<16xi1> to vector<16xi32>
        %reduce_sum3A = arith.constant true
        %reduce_sum3A_52 = vector.broadcast %reduce_sum3A : i1 to vector<16xi1>
        %reduce_sum3A_53 = tpu.scan <sum>, %convert_element_type3A masked %reduce_sum3A_52 : vector<16xi32>, vector<16xi1> -> vector<16xi32>
        %reduce_sum3A_54 = vector.extract %reduce_sum3A_53[15] : i32 from vector<16xi32>
        %add3A_55 = arith.addi %scan3A_48, %reduce_sum3A_54 : i32
        scf.yield %add3A_55 : i32
      }
      %scan3A_42 = arith.constant 32 : i32
      %broadcast_in_dim3A_43 = vector.broadcast %scan3A_41 : i32 to vector<16xi32>
      tpu.vector_store_idx %arg10[%scan3A_35], %broadcast_in_dim3A_43 : memref<64xi32, #tpu.memory_space<vmem>>[vector<16xi32>], vector<16xi32>,
      %add3A_44 = arith.constant 1 : i32
      %add3A_45 = vector.broadcast %add3A_44 : i32 to vector<16xi32>
      %add3A_46 = arith.addi %scan3A_35, %add3A_45 : vector<16xi32>
      scf.yield %add3A_46 : vector<16xi32>
    }
    %scan3A_15 = arith.constant 64 : i32
    %jit3A = arith.constant 512 : i32
    %div3A = arith.divsi %mul3A_2, %jit3A : i32
    %sign3A = arith.constant 0 : i32
    %sign3A_16 = arith.cmpi sgt, %mul3A_2, %sign3A : i32
    %sign3A_17 = arith.extui %sign3A_16 : i1 to i32
    %sign3A_18 = arith.constant 0 : i32
    %sign3A_19 = arith.cmpi slt, %mul3A_2, %sign3A_18 : i32
    %sign3A_20 = arith.extui %sign3A_19 : i1 to i32
    %sign3A_21 = arith.subi %sign3A_17, %sign3A_20 : i32
    %sign3A_22 = arith.constant 0 : i32
    %sign3A_23 = arith.cmpi sgt, %jit3A, %sign3A_22 : i32
    %sign3A_24 = arith.extui %sign3A_23 : i1 to i32
    %sign3A_25 = arith.constant 0 : i32
    %sign3A_26 = arith.cmpi slt, %jit3A, %sign3A_25 : i32
    %sign3A_27 = arith.extui %sign3A_26 : i1 to i32
    %sign3A_28 = arith.subi %sign3A_24, %sign3A_27 : i32
    %ne3A = arith.cmpi ne, %sign3A_21, %sign3A_28 : i32
    %rem3A = arith.remsi %mul3A_2, %jit3A : i32
    %ne3A_29 = arith.constant 0 : i32
    %ne3A_30 = arith.cmpi ne, %rem3A, %ne3A_29 : i32
    %and3A = arith.andi %ne3A, %ne3A_30 : i1
    %sub3A = arith.constant 1 : i32
    %sub3A_31 = arith.subi %div3A, %sub3A : i32
    %select_n3A = arith.select %and3A, %sub3A_31, %div3A : i32
    %mul3A_32 = arith.constant 64 : i32
    %mul3A_33 = arith.muli %select_n3A, %mul3A_32 : i32
    "tpu.region"() ({
      %run_scoped3A = tpu.sem_alloc : memref<!tpu.dma_semaphore, #tpu.memory_space<semaphore_mem>>
      %dma_start3A = tpu.memref_slice %arg5[%mul3A_33] : memref<2048xi32, #tpu.memory_space<hbm>> -> memref<64xi32, #tpu.memory_space<hbm>>
      %dma_start3A_34 = tpu.memref_slice %arg5[%mul3A_33] : memref<2048xi32, #tpu.memory_space<hbm>> -> memref<64xi32, #tpu.memory_space<hbm>>
      tpu.enqueue_dma source(%arg10 : memref<64xi32, #tpu.memory_space<vmem>>) target(%dma_start3A_34 : memref<64xi32, #tpu.memory_space<hbm>>) target_semaphore(%run_scoped3A : memref<!tpu.dma_semaphore, #tpu.memory_space<semaphore_mem>>)
      %dma_wait3A = tpu.memref_slice %arg5[%mul3A_33] : memref<2048xi32, #tpu.memory_space<hbm>> -> memref<64xi32, #tpu.memory_space<hbm>>
      %dma_wait3A_35 = tpu.memref_slice %arg5[%mul3A_33] : memref<2048xi32, #tpu.memory_space<hbm>> -> memref<64xi32, #tpu.memory_space<hbm>>
      tpu.wait_dma2 semaphore(%run_scoped3A : memref<!tpu.dma_semaphore, #tpu.memory_space<semaphore_mem>>) src(%arg10 : memref<64xi32, #tpu.memory_space<vmem>>) dst(%dma_wait3A_35 : memref<64xi32, #tpu.memory_space<hbm>>)
      tpu.yield
    }) : () -> ()
    return
  }
}

#map = affine_map<(d0, d1) -> (0)>
#map1 = affine_map<(d0, d1) -> (0, 0)>
module attributes {stable_mosaic.version = 14 : i64} {
  func.func @route_kernel(%arg0: i32, %arg1: i32, %arg2: memref<16384xf32, #tpu.memory_space<hbm>>, %arg3: memref<16384xf32, #tpu.memory_space<hbm>>, %arg4: memref<16384xf32, #tpu.memory_space<hbm>>, %arg5: memref<16384x8xf32, #tpu.memory_space<hbm>>, %arg6: memref<2048xi32, #tpu.memory_space<hbm>>, %arg7: memref<32768x8xf32, #tpu.memory_space<hbm>>, %arg8: memref<16384xi32, #tpu.memory_space<hbm>>, %arg9: memref<128xi32, #tpu.memory_space<hbm>>, %arg10: memref<16xi32, #tpu.memory_space<hbm>>, %arg11: memref<512xf32, #tpu.memory_space<vmem>>, %arg12: memref<512xf32, #tpu.memory_space<vmem>>, %arg13: memref<512xf32, #tpu.memory_space<vmem>>, %arg14: memref<512xi32, #tpu.memory_space<vmem>>, %arg15: memref<512x8xf32, #tpu.memory_space<vmem>>, %arg16: memref<2048xi32, #tpu.memory_space<vmem>>, %arg17: memref<64xi32, #tpu.memory_space<vmem>>, %arg18: memref<64xi32, #tpu.memory_space<vmem>>, %arg19: memref<64xi32, #tpu.memory_space<vmem>>, %arg20: memref<64xi32, #tpu.memory_space<vmem>>, %arg21: memref<64xi32, #tpu.memory_space<vmem>>, %arg22: memref<4x128xi32, #tpu.memory_space<vmem>>, %arg23: memref<128xi32, #tpu.memory_space<vmem>>, %arg24: memref<16xi32, #tpu.memory_space<vmem>>, %arg25: memref<!tpu.dma_semaphore, #tpu.memory_space<semaphore_mem>>) attributes {dimension_semantics = [#tpu.dimension_semantics<core_parallel>, #tpu.dimension_semantics<subcore_parallel>], iteration_bounds = array<i64: 2, 16>, scalar_prefetch = 0 : i64, scratch_operands = 15 : i64, tpu.core_type = #tpu.core_type<sc_vector_subcore>, window_params = [{transform_indices = #map}, {transform_indices = #map}, {transform_indices = #map}, {transform_indices = #map1}, {transform_indices = #map}, {transform_indices = #map1}, {transform_indices = #map}, {transform_indices = #map}, {transform_indices = #map}]} {
    %mul3A = arith.constant 2 : i32
    %mul3A_0 = arith.muli %arg1, %mul3A : i32
    %add3A = arith.addi %mul3A_0, %arg0 : i32
    %mul3A_1 = arith.constant 512 : i32
    %mul3A_2 = arith.muli %add3A, %mul3A_1 : i32
    "tpu.region"() ({
      %run_scoped3A_327 = tpu.sem_alloc : memref<!tpu.dma_semaphore, #tpu.memory_space<semaphore_mem>>
      %dma_start3A_328 = tpu.memref_slice %arg2[%mul3A_2] : memref<16384xf32, #tpu.memory_space<hbm>> -> memref<512xf32, #tpu.memory_space<hbm>>
      %dma_start3A_329 = tpu.memref_slice %arg2[%mul3A_2] : memref<16384xf32, #tpu.memory_space<hbm>> -> memref<512xf32, #tpu.memory_space<hbm>>
      tpu.enqueue_dma source(%dma_start3A_329 : memref<512xf32, #tpu.memory_space<hbm>>) target(%arg11 : memref<512xf32, #tpu.memory_space<vmem>>) target_semaphore(%run_scoped3A_327 : memref<!tpu.dma_semaphore, #tpu.memory_space<semaphore_mem>>)
      %dma_wait3A_330 = tpu.memref_slice %arg2[%mul3A_2] : memref<16384xf32, #tpu.memory_space<hbm>> -> memref<512xf32, #tpu.memory_space<hbm>>
      %dma_wait3A_331 = tpu.memref_slice %arg2[%mul3A_2] : memref<16384xf32, #tpu.memory_space<hbm>> -> memref<512xf32, #tpu.memory_space<hbm>>
      tpu.wait_dma2 semaphore(%run_scoped3A_327 : memref<!tpu.dma_semaphore, #tpu.memory_space<semaphore_mem>>) src(%dma_wait3A_331 : memref<512xf32, #tpu.memory_space<hbm>>) dst(%arg11 : memref<512xf32, #tpu.memory_space<vmem>>)
      tpu.yield
    }) : () -> ()
    "tpu.region"() ({
      %run_scoped3A_327 = tpu.sem_alloc : memref<!tpu.dma_semaphore, #tpu.memory_space<semaphore_mem>>
      %dma_start3A_328 = tpu.memref_slice %arg3[%mul3A_2] : memref<16384xf32, #tpu.memory_space<hbm>> -> memref<512xf32, #tpu.memory_space<hbm>>
      %dma_start3A_329 = tpu.memref_slice %arg3[%mul3A_2] : memref<16384xf32, #tpu.memory_space<hbm>> -> memref<512xf32, #tpu.memory_space<hbm>>
      tpu.enqueue_dma source(%dma_start3A_329 : memref<512xf32, #tpu.memory_space<hbm>>) target(%arg12 : memref<512xf32, #tpu.memory_space<vmem>>) target_semaphore(%run_scoped3A_327 : memref<!tpu.dma_semaphore, #tpu.memory_space<semaphore_mem>>)
      %dma_wait3A_330 = tpu.memref_slice %arg3[%mul3A_2] : memref<16384xf32, #tpu.memory_space<hbm>> -> memref<512xf32, #tpu.memory_space<hbm>>
      %dma_wait3A_331 = tpu.memref_slice %arg3[%mul3A_2] : memref<16384xf32, #tpu.memory_space<hbm>> -> memref<512xf32, #tpu.memory_space<hbm>>
      tpu.wait_dma2 semaphore(%run_scoped3A_327 : memref<!tpu.dma_semaphore, #tpu.memory_space<semaphore_mem>>) src(%dma_wait3A_331 : memref<512xf32, #tpu.memory_space<hbm>>) dst(%arg12 : memref<512xf32, #tpu.memory_space<vmem>>)
      tpu.yield
    }) : () -> ()
    "tpu.region"() ({
      %run_scoped3A_327 = tpu.sem_alloc : memref<!tpu.dma_semaphore, #tpu.memory_space<semaphore_mem>>
      %dma_start3A_328 = tpu.memref_slice %arg4[%mul3A_2] : memref<16384xf32, #tpu.memory_space<hbm>> -> memref<512xf32, #tpu.memory_space<hbm>>
      %dma_start3A_329 = tpu.memref_slice %arg4[%mul3A_2] : memref<16384xf32, #tpu.memory_space<hbm>> -> memref<512xf32, #tpu.memory_space<hbm>>
      tpu.enqueue_dma source(%dma_start3A_329 : memref<512xf32, #tpu.memory_space<hbm>>) target(%arg13 : memref<512xf32, #tpu.memory_space<vmem>>) target_semaphore(%run_scoped3A_327 : memref<!tpu.dma_semaphore, #tpu.memory_space<semaphore_mem>>)
      %dma_wait3A_330 = tpu.memref_slice %arg4[%mul3A_2] : memref<16384xf32, #tpu.memory_space<hbm>> -> memref<512xf32, #tpu.memory_space<hbm>>
      %dma_wait3A_331 = tpu.memref_slice %arg4[%mul3A_2] : memref<16384xf32, #tpu.memory_space<hbm>> -> memref<512xf32, #tpu.memory_space<hbm>>
      tpu.wait_dma2 semaphore(%run_scoped3A_327 : memref<!tpu.dma_semaphore, #tpu.memory_space<semaphore_mem>>) src(%dma_wait3A_331 : memref<512xf32, #tpu.memory_space<hbm>>) dst(%arg13 : memref<512xf32, #tpu.memory_space<vmem>>)
      tpu.yield
    }) : () -> ()
    "tpu.region"() ({
      %run_scoped3A_327 = tpu.sem_alloc : memref<!tpu.dma_semaphore, #tpu.memory_space<semaphore_mem>>
      %dma_start3A_328 = arith.constant 0 : i32
      %dma_start3A_329 = tpu.memref_slice %arg5[%mul3A_2, %dma_start3A_328] : memref<16384x8xf32, #tpu.memory_space<hbm>> -> memref<512x8xf32, #tpu.memory_space<hbm>>
      %dma_start3A_330 = arith.constant 0 : i32
      %dma_start3A_331 = tpu.memref_slice %arg5[%mul3A_2, %dma_start3A_330] : memref<16384x8xf32, #tpu.memory_space<hbm>> -> memref<512x8xf32, #tpu.memory_space<hbm>>
      tpu.enqueue_dma source(%dma_start3A_331 : memref<512x8xf32, #tpu.memory_space<hbm>>) target(%arg15 : memref<512x8xf32, #tpu.memory_space<vmem>>) target_semaphore(%run_scoped3A_327 : memref<!tpu.dma_semaphore, #tpu.memory_space<semaphore_mem>>)
      %dma_wait3A_332 = arith.constant 0 : i32
      %dma_wait3A_333 = tpu.memref_slice %arg5[%mul3A_2, %dma_wait3A_332] : memref<16384x8xf32, #tpu.memory_space<hbm>> -> memref<512x8xf32, #tpu.memory_space<hbm>>
      %dma_wait3A_334 = arith.constant 0 : i32
      %dma_wait3A_335 = tpu.memref_slice %arg5[%mul3A_2, %dma_wait3A_334] : memref<16384x8xf32, #tpu.memory_space<hbm>> -> memref<512x8xf32, #tpu.memory_space<hbm>>
      tpu.wait_dma2 semaphore(%run_scoped3A_327 : memref<!tpu.dma_semaphore, #tpu.memory_space<semaphore_mem>>) src(%dma_wait3A_335 : memref<512x8xf32, #tpu.memory_space<hbm>>) dst(%arg15 : memref<512x8xf32, #tpu.memory_space<vmem>>)
      tpu.yield
    }) : () -> ()
    "tpu.region"() ({
      %run_scoped3A_327 = tpu.sem_alloc : memref<!tpu.dma_semaphore, #tpu.memory_space<semaphore_mem>>
      tpu.enqueue_dma source(%arg6 : memref<2048xi32, #tpu.memory_space<hbm>>) target(%arg16 : memref<2048xi32, #tpu.memory_space<vmem>>) target_semaphore(%run_scoped3A_327 : memref<!tpu.dma_semaphore, #tpu.memory_space<semaphore_mem>>)
      tpu.wait_dma2 semaphore(%run_scoped3A_327 : memref<!tpu.dma_semaphore, #tpu.memory_space<semaphore_mem>>) src(%arg6 : memref<2048xi32, #tpu.memory_space<hbm>>) dst(%arg16 : memref<2048xi32, #tpu.memory_space<vmem>>)
      tpu.yield
    }) : () -> ()
    %scan3A = arith.constant 0 : i32
    %scan3A_3 = arith.constant 0 : i32
    %scan3A_4 = arith.constant 32 : i32
    %scan3A_5 = arith.addi %scan3A_3, %scan3A_4 : i32
    %scan3A_6 = arith.constant 1 : i32
    %scan3A_7 = scf.for %scan3A_327 = %scan3A_3 to %scan3A_5 step %scan3A_6 iter_args(%scan3A_328 = %scan3A) -> (i32)  : i32 {
      %mul3A_329 = arith.constant 16 : i32
      %mul3A_330 = arith.muli %scan3A_327, %mul3A_329 : i32
      %get3A_331 = arith.index_cast %mul3A_330 : i32 to index
      %get3A_332 = tpu.vector_load %arg11[%get3A_331] {strides = array<i32>} : memref<512xf32, #tpu.memory_space<vmem>>, vector<16xf32>,
      %get3A_333 = arith.index_cast %mul3A_330 : i32 to index
      %get3A_334 = tpu.vector_load %arg12[%get3A_333] {strides = array<i32>} : memref<512xf32, #tpu.memory_space<vmem>>, vector<16xf32>,
      %get3A_335 = arith.index_cast %mul3A_330 : i32 to index
      %get3A_336 = tpu.vector_load %arg13[%get3A_335] {strides = array<i32>} : memref<512xf32, #tpu.memory_space<vmem>>, vector<16xf32>,
      %add3A_337 = arith.constant 1.000000e+00 : f32
      %add3A_338 = vector.broadcast %add3A_337 : f32 to vector<16xf32>
      %add3A_339 = arith.addf %get3A_332, %add3A_338 : vector<16xf32>
      %mul3A_340 = arith.constant 2.000000e+00 : f32
      %mul3A_341 = vector.broadcast %mul3A_340 : f32 to vector<16xf32>
      %mul3A_342 = arith.mulf %add3A_339, %mul3A_341 : vector<16xf32>
      %max3A = arith.constant 0.000000e+00 : f32
      %max3A_343 = vector.broadcast %max3A : f32 to vector<16xf32>
      %max3A_344 = arith.maximumf %mul3A_342, %max3A_343 : vector<16xf32>
      %min3A = arith.constant 3.000000e+00 : f32
      %min3A_345 = vector.broadcast %min3A : f32 to vector<16xf32>
      %min3A_346 = arith.minimumf %max3A_344, %min3A_345 : vector<16xf32>
      %convert_element_type3A_347 = arith.fptosi %min3A_346 : vector<16xf32> to vector<16xi32>
      %mul3A_348 = arith.constant 16 : i32
      %mul3A_349 = vector.broadcast %mul3A_348 : i32 to vector<16xi32>
      %mul3A_350 = arith.muli %convert_element_type3A_347, %mul3A_349 : vector<16xi32>
      %add3A_351 = arith.constant 1.000000e+00 : f32
      %add3A_352 = vector.broadcast %add3A_351 : f32 to vector<16xf32>
      %add3A_353 = arith.addf %get3A_334, %add3A_352 : vector<16xf32>
      %mul3A_354 = arith.constant 2.000000e+00 : f32
      %mul3A_355 = vector.broadcast %mul3A_354 : f32 to vector<16xf32>
      %mul3A_356 = arith.mulf %add3A_353, %mul3A_355 : vector<16xf32>
      %max3A_357 = arith.constant 0.000000e+00 : f32
      %max3A_358 = vector.broadcast %max3A_357 : f32 to vector<16xf32>
      %max3A_359 = arith.maximumf %mul3A_356, %max3A_358 : vector<16xf32>
      %min3A_360 = arith.constant 3.000000e+00 : f32
      %min3A_361 = vector.broadcast %min3A_360 : f32 to vector<16xf32>
      %min3A_362 = arith.minimumf %max3A_359, %min3A_361 : vector<16xf32>
      %convert_element_type3A_363 = arith.fptosi %min3A_362 : vector<16xf32> to vector<16xi32>
      %mul3A_364 = arith.constant 4 : i32
      %mul3A_365 = vector.broadcast %mul3A_364 : i32 to vector<16xi32>
      %mul3A_366 = arith.muli %convert_element_type3A_363, %mul3A_365 : vector<16xi32>
      %add3A_367 = arith.addi %mul3A_350, %mul3A_366 : vector<16xi32>
      %add3A_368 = arith.constant 1.000000e+00 : f32
      %add3A_369 = vector.broadcast %add3A_368 : f32 to vector<16xf32>
      %add3A_370 = arith.addf %get3A_336, %add3A_369 : vector<16xf32>
      %mul3A_371 = arith.constant 2.000000e+00 : f32
      %mul3A_372 = vector.broadcast %mul3A_371 : f32 to vector<16xf32>
      %mul3A_373 = arith.mulf %add3A_370, %mul3A_372 : vector<16xf32>
      %max3A_374 = arith.constant 0.000000e+00 : f32
      %max3A_375 = vector.broadcast %max3A_374 : f32 to vector<16xf32>
      %max3A_376 = arith.maximumf %mul3A_373, %max3A_375 : vector<16xf32>
      %min3A_377 = arith.constant 3.000000e+00 : f32
      %min3A_378 = vector.broadcast %min3A_377 : f32 to vector<16xf32>
      %min3A_379 = arith.minimumf %max3A_376, %min3A_378 : vector<16xf32>
      %convert_element_type3A_380 = arith.fptosi %min3A_379 : vector<16xf32> to vector<16xi32>
      %add3A_381 = arith.addi %add3A_367, %convert_element_type3A_380 : vector<16xi32>
      %swap3A_382 = arith.index_cast %mul3A_330 : i32 to index
      %swap3A_383 = tpu.vector_load %arg14[%swap3A_382] {strides = array<i32>} : memref<512xi32, #tpu.memory_space<vmem>>, vector<16xi32>,
      tpu.vector_store %arg14[%swap3A_382], %add3A_381 {strides = array<i32>} : memref<512xi32, #tpu.memory_space<vmem>>, vector<16xi32>,
      %scan3A_384 = arith.constant 0 : i32
      scf.yield %scan3A_384 : i32
    }
    %scan3A_8 = arith.constant 32 : i32
    %broadcast_in_dim3A = arith.constant 0 : i32
    %broadcast_in_dim3A_9 = vector.broadcast %broadcast_in_dim3A : i32 to vector<16xi32>
    %scan3A_10 = arith.constant 0 : i32
    %scan3A_11 = arith.constant 32 : i32
    %scan3A_12 = arith.addi %scan3A_10, %scan3A_11 : i32
    %scan3A_13 = arith.constant 1 : i32
    %scan3A_14 = scf.for %scan3A_327 = %scan3A_10 to %scan3A_12 step %scan3A_13 iter_args(%scan3A_328 = %broadcast_in_dim3A_9) -> (vector<16xi32>)  : i32 {
      %mul3A_329 = arith.constant 64 : i32
      %mul3A_330 = arith.muli %scan3A_327, %mul3A_329 : i32
      %add3A_331 = arith.constant 0 : i32
      %add3A_332 = arith.addi %mul3A_330, %add3A_331 : i32
      %get3A_333 = arith.index_cast %add3A_332 : i32 to index
      %get3A_334 = tpu.vector_load %arg16[%get3A_333] {strides = array<i32>} : memref<2048xi32, #tpu.memory_space<vmem>>, vector<16xi32>,
      %add3A_335 = arith.addi %scan3A_328, %get3A_334 : vector<16xi32>
      scf.yield %add3A_335 : vector<16xi32>
    }
    %scan3A_15 = arith.constant 32 : i32
    %swap3A = arith.constant 0 : index
    %swap3A_16 = tpu.vector_load %arg17[%swap3A] {strides = array<i32>} : memref<64xi32, #tpu.memory_space<vmem>>, vector<16xi32>,
    tpu.vector_store %arg17[%swap3A], %scan3A_14 {strides = array<i32>} : memref<64xi32, #tpu.memory_space<vmem>>, vector<16xi32>,
    %broadcast_in_dim3A_17 = arith.constant 0 : i32
    %broadcast_in_dim3A_18 = vector.broadcast %broadcast_in_dim3A_17 : i32 to vector<16xi32>
    %while3A = arith.constant 0 : i32
    %while3A_19 = arith.subi %add3A, %while3A : i32
    %while3A_20 = arith.addi %while3A, %while3A_19 : i32
    %while3A_21 = arith.constant 1 : i32
    %while3A_22 = arith.divsi %while3A_19, %while3A_21 : i32
    %while3A_23 = arith.muli %while3A_22, %while3A_21 : i32
    %while3A_24 = arith.addi %while3A, %while3A_23 : i32
    %while3A_25 = arith.constant 1 : i32
    %while3A_26 = scf.for %while3A_327 = %while3A to %while3A_24 step %while3A_25 iter_args(%while3A_328 = %broadcast_in_dim3A_18) -> (vector<16xi32>)  : i32 {
      %mul3A_329 = arith.constant 64 : i32
      %mul3A_330 = arith.muli %while3A_327, %mul3A_329 : i32
      %add3A_331 = arith.constant 0 : i32
      %add3A_332 = arith.addi %mul3A_330, %add3A_331 : i32
      %get3A_333 = arith.index_cast %add3A_332 : i32 to index
      %get3A_334 = tpu.vector_load %arg16[%get3A_333] {strides = array<i32>} : memref<2048xi32, #tpu.memory_space<vmem>>, vector<16xi32>,
      %add3A_335 = arith.addi %while3A_328, %get3A_334 : vector<16xi32>
      scf.yield %add3A_335 : vector<16xi32>
    }
    %while3A_27 = arith.constant 1 : i32
    %while3A_28 = scf.for %while3A_327 = %while3A_24 to %while3A_20 step %while3A_27 iter_args(%while3A_328 = %while3A_26) -> (vector<16xi32>)  : i32 {
      %mul3A_329 = arith.constant 64 : i32
      %mul3A_330 = arith.muli %while3A_327, %mul3A_329 : i32
      %add3A_331 = arith.constant 0 : i32
      %add3A_332 = arith.addi %mul3A_330, %add3A_331 : i32
      %get3A_333 = arith.index_cast %add3A_332 : i32 to index
      %get3A_334 = tpu.vector_load %arg16[%get3A_333] {strides = array<i32>} : memref<2048xi32, #tpu.memory_space<vmem>>, vector<16xi32>,
      %add3A_335 = arith.addi %while3A_328, %get3A_334 : vector<16xi32>
      scf.yield %add3A_335 : vector<16xi32>
    }
    %swap3A_29 = arith.constant 0 : index
    %swap3A_30 = tpu.vector_load %arg21[%swap3A_29] {strides = array<i32>} : memref<64xi32, #tpu.memory_space<vmem>>, vector<16xi32>,
    tpu.vector_store %arg21[%swap3A_29], %while3A_28 {strides = array<i32>} : memref<64xi32, #tpu.memory_space<vmem>>, vector<16xi32>,
    %broadcast_in_dim3A_31 = arith.constant 0 : i32
    %broadcast_in_dim3A_32 = vector.broadcast %broadcast_in_dim3A_31 : i32 to vector<16xi32>
    %scan3A_33 = arith.constant 0 : i32
    %scan3A_34 = arith.constant 32 : i32
    %scan3A_35 = arith.addi %scan3A_33, %scan3A_34 : i32
    %scan3A_36 = arith.constant 1 : i32
    %scan3A_37 = scf.for %scan3A_327 = %scan3A_33 to %scan3A_35 step %scan3A_36 iter_args(%scan3A_328 = %broadcast_in_dim3A_32) -> (vector<16xi32>)  : i32 {
      %mul3A_329 = arith.constant 64 : i32
      %mul3A_330 = arith.muli %scan3A_327, %mul3A_329 : i32
      %add3A_331 = arith.constant 16 : i32
      %add3A_332 = arith.addi %mul3A_330, %add3A_331 : i32
      %get3A_333 = arith.index_cast %add3A_332 : i32 to index
      %get3A_334 = tpu.vector_load %arg16[%get3A_333] {strides = array<i32>} : memref<2048xi32, #tpu.memory_space<vmem>>, vector<16xi32>,
      %add3A_335 = arith.addi %scan3A_328, %get3A_334 : vector<16xi32>
      scf.yield %add3A_335 : vector<16xi32>
    }
    %scan3A_38 = arith.constant 32 : i32
    %swap3A_39 = arith.constant 16 : index
    %swap3A_40 = tpu.vector_load %arg17[%swap3A_39] {strides = array<i32>} : memref<64xi32, #tpu.memory_space<vmem>>, vector<16xi32>,
    tpu.vector_store %arg17[%swap3A_39], %scan3A_37 {strides = array<i32>} : memref<64xi32, #tpu.memory_space<vmem>>, vector<16xi32>,
    %broadcast_in_dim3A_41 = arith.constant 0 : i32
    %broadcast_in_dim3A_42 = vector.broadcast %broadcast_in_dim3A_41 : i32 to vector<16xi32>
    %while3A_43 = arith.constant 0 : i32
    %while3A_44 = arith.subi %add3A, %while3A_43 : i32
    %while3A_45 = arith.addi %while3A_43, %while3A_44 : i32
    %while3A_46 = arith.constant 1 : i32
    %while3A_47 = arith.divsi %while3A_44, %while3A_46 : i32
    %while3A_48 = arith.muli %while3A_47, %while3A_46 : i32
    %while3A_49 = arith.addi %while3A_43, %while3A_48 : i32
    %while3A_50 = arith.constant 1 : i32
    %while3A_51 = scf.for %while3A_327 = %while3A_43 to %while3A_49 step %while3A_50 iter_args(%while3A_328 = %broadcast_in_dim3A_42) -> (vector<16xi32>)  : i32 {
      %mul3A_329 = arith.constant 64 : i32
      %mul3A_330 = arith.muli %while3A_327, %mul3A_329 : i32
      %add3A_331 = arith.constant 16 : i32
      %add3A_332 = arith.addi %mul3A_330, %add3A_331 : i32
      %get3A_333 = arith.index_cast %add3A_332 : i32 to index
      %get3A_334 = tpu.vector_load %arg16[%get3A_333] {strides = array<i32>} : memref<2048xi32, #tpu.memory_space<vmem>>, vector<16xi32>,
      %add3A_335 = arith.addi %while3A_328, %get3A_334 : vector<16xi32>
      scf.yield %add3A_335 : vector<16xi32>
    }
    %while3A_52 = arith.constant 1 : i32
    %while3A_53 = scf.for %while3A_327 = %while3A_49 to %while3A_45 step %while3A_52 iter_args(%while3A_328 = %while3A_51) -> (vector<16xi32>)  : i32 {
      %mul3A_329 = arith.constant 64 : i32
      %mul3A_330 = arith.muli %while3A_327, %mul3A_329 : i32
      %add3A_331 = arith.constant 16 : i32
      %add3A_332 = arith.addi %mul3A_330, %add3A_331 : i32
      %get3A_333 = arith.index_cast %add3A_332 : i32 to index
      %get3A_334 = tpu.vector_load %arg16[%get3A_333] {strides = array<i32>} : memref<2048xi32, #tpu.memory_space<vmem>>, vector<16xi32>,
      %add3A_335 = arith.addi %while3A_328, %get3A_334 : vector<16xi32>
      scf.yield %add3A_335 : vector<16xi32>
    }
    %swap3A_54 = arith.constant 16 : index
    %swap3A_55 = tpu.vector_load %arg21[%swap3A_54] {strides = array<i32>} : memref<64xi32, #tpu.memory_space<vmem>>, vector<16xi32>,
    tpu.vector_store %arg21[%swap3A_54], %while3A_53 {strides = array<i32>} : memref<64xi32, #tpu.memory_space<vmem>>, vector<16xi32>,
    %broadcast_in_dim3A_56 = arith.constant 0 : i32
    %broadcast_in_dim3A_57 = vector.broadcast %broadcast_in_dim3A_56 : i32 to vector<16xi32>
    %scan3A_58 = arith.constant 0 : i32
    %scan3A_59 = arith.constant 32 : i32
    %scan3A_60 = arith.addi %scan3A_58, %scan3A_59 : i32
    %scan3A_61 = arith.constant 1 : i32
    %scan3A_62 = scf.for %scan3A_327 = %scan3A_58 to %scan3A_60 step %scan3A_61 iter_args(%scan3A_328 = %broadcast_in_dim3A_57) -> (vector<16xi32>)  : i32 {
      %mul3A_329 = arith.constant 64 : i32
      %mul3A_330 = arith.muli %scan3A_327, %mul3A_329 : i32
      %add3A_331 = arith.constant 32 : i32
      %add3A_332 = arith.addi %mul3A_330, %add3A_331 : i32
      %get3A_333 = arith.index_cast %add3A_332 : i32 to index
      %get3A_334 = tpu.vector_load %arg16[%get3A_333] {strides = array<i32>} : memref<2048xi32, #tpu.memory_space<vmem>>, vector<16xi32>,
      %add3A_335 = arith.addi %scan3A_328, %get3A_334 : vector<16xi32>
      scf.yield %add3A_335 : vector<16xi32>
    }
    %scan3A_63 = arith.constant 32 : i32
    %swap3A_64 = arith.constant 32 : index
    %swap3A_65 = tpu.vector_load %arg17[%swap3A_64] {strides = array<i32>} : memref<64xi32, #tpu.memory_space<vmem>>, vector<16xi32>,
    tpu.vector_store %arg17[%swap3A_64], %scan3A_62 {strides = array<i32>} : memref<64xi32, #tpu.memory_space<vmem>>, vector<16xi32>,
    %broadcast_in_dim3A_66 = arith.constant 0 : i32
    %broadcast_in_dim3A_67 = vector.broadcast %broadcast_in_dim3A_66 : i32 to vector<16xi32>
    %while3A_68 = arith.constant 0 : i32
    %while3A_69 = arith.subi %add3A, %while3A_68 : i32
    %while3A_70 = arith.addi %while3A_68, %while3A_69 : i32
    %while3A_71 = arith.constant 1 : i32
    %while3A_72 = arith.divsi %while3A_69, %while3A_71 : i32
    %while3A_73 = arith.muli %while3A_72, %while3A_71 : i32
    %while3A_74 = arith.addi %while3A_68, %while3A_73 : i32
    %while3A_75 = arith.constant 1 : i32
    %while3A_76 = scf.for %while3A_327 = %while3A_68 to %while3A_74 step %while3A_75 iter_args(%while3A_328 = %broadcast_in_dim3A_67) -> (vector<16xi32>)  : i32 {
      %mul3A_329 = arith.constant 64 : i32
      %mul3A_330 = arith.muli %while3A_327, %mul3A_329 : i32
      %add3A_331 = arith.constant 32 : i32
      %add3A_332 = arith.addi %mul3A_330, %add3A_331 : i32
      %get3A_333 = arith.index_cast %add3A_332 : i32 to index
      %get3A_334 = tpu.vector_load %arg16[%get3A_333] {strides = array<i32>} : memref<2048xi32, #tpu.memory_space<vmem>>, vector<16xi32>,
      %add3A_335 = arith.addi %while3A_328, %get3A_334 : vector<16xi32>
      scf.yield %add3A_335 : vector<16xi32>
    }
    %while3A_77 = arith.constant 1 : i32
    %while3A_78 = scf.for %while3A_327 = %while3A_74 to %while3A_70 step %while3A_77 iter_args(%while3A_328 = %while3A_76) -> (vector<16xi32>)  : i32 {
      %mul3A_329 = arith.constant 64 : i32
      %mul3A_330 = arith.muli %while3A_327, %mul3A_329 : i32
      %add3A_331 = arith.constant 32 : i32
      %add3A_332 = arith.addi %mul3A_330, %add3A_331 : i32
      %get3A_333 = arith.index_cast %add3A_332 : i32 to index
      %get3A_334 = tpu.vector_load %arg16[%get3A_333] {strides = array<i32>} : memref<2048xi32, #tpu.memory_space<vmem>>, vector<16xi32>,
      %add3A_335 = arith.addi %while3A_328, %get3A_334 : vector<16xi32>
      scf.yield %add3A_335 : vector<16xi32>
    }
    %swap3A_79 = arith.constant 32 : index
    %swap3A_80 = tpu.vector_load %arg21[%swap3A_79] {strides = array<i32>} : memref<64xi32, #tpu.memory_space<vmem>>, vector<16xi32>,
    tpu.vector_store %arg21[%swap3A_79], %while3A_78 {strides = array<i32>} : memref<64xi32, #tpu.memory_space<vmem>>, vector<16xi32>,
    %broadcast_in_dim3A_81 = arith.constant 0 : i32
    %broadcast_in_dim3A_82 = vector.broadcast %broadcast_in_dim3A_81 : i32 to vector<16xi32>
    %scan3A_83 = arith.constant 0 : i32
    %scan3A_84 = arith.constant 32 : i32
    %scan3A_85 = arith.addi %scan3A_83, %scan3A_84 : i32
    %scan3A_86 = arith.constant 1 : i32
    %scan3A_87 = scf.for %scan3A_327 = %scan3A_83 to %scan3A_85 step %scan3A_86 iter_args(%scan3A_328 = %broadcast_in_dim3A_82) -> (vector<16xi32>)  : i32 {
      %mul3A_329 = arith.constant 64 : i32
      %mul3A_330 = arith.muli %scan3A_327, %mul3A_329 : i32
      %add3A_331 = arith.constant 48 : i32
      %add3A_332 = arith.addi %mul3A_330, %add3A_331 : i32
      %get3A_333 = arith.index_cast %add3A_332 : i32 to index
      %get3A_334 = tpu.vector_load %arg16[%get3A_333] {strides = array<i32>} : memref<2048xi32, #tpu.memory_space<vmem>>, vector<16xi32>,
      %add3A_335 = arith.addi %scan3A_328, %get3A_334 : vector<16xi32>
      scf.yield %add3A_335 : vector<16xi32>
    }
    %scan3A_88 = arith.constant 32 : i32
    %swap3A_89 = arith.constant 48 : index
    %swap3A_90 = tpu.vector_load %arg17[%swap3A_89] {strides = array<i32>} : memref<64xi32, #tpu.memory_space<vmem>>, vector<16xi32>,
    tpu.vector_store %arg17[%swap3A_89], %scan3A_87 {strides = array<i32>} : memref<64xi32, #tpu.memory_space<vmem>>, vector<16xi32>,
    %broadcast_in_dim3A_91 = arith.constant 0 : i32
    %broadcast_in_dim3A_92 = vector.broadcast %broadcast_in_dim3A_91 : i32 to vector<16xi32>
    %while3A_93 = arith.constant 0 : i32
    %while3A_94 = arith.subi %add3A, %while3A_93 : i32
    %while3A_95 = arith.addi %while3A_93, %while3A_94 : i32
    %while3A_96 = arith.constant 1 : i32
    %while3A_97 = arith.divsi %while3A_94, %while3A_96 : i32
    %while3A_98 = arith.muli %while3A_97, %while3A_96 : i32
    %while3A_99 = arith.addi %while3A_93, %while3A_98 : i32
    %while3A_100 = arith.constant 1 : i32
    %while3A_101 = scf.for %while3A_327 = %while3A_93 to %while3A_99 step %while3A_100 iter_args(%while3A_328 = %broadcast_in_dim3A_92) -> (vector<16xi32>)  : i32 {
      %mul3A_329 = arith.constant 64 : i32
      %mul3A_330 = arith.muli %while3A_327, %mul3A_329 : i32
      %add3A_331 = arith.constant 48 : i32
      %add3A_332 = arith.addi %mul3A_330, %add3A_331 : i32
      %get3A_333 = arith.index_cast %add3A_332 : i32 to index
      %get3A_334 = tpu.vector_load %arg16[%get3A_333] {strides = array<i32>} : memref<2048xi32, #tpu.memory_space<vmem>>, vector<16xi32>,
      %add3A_335 = arith.addi %while3A_328, %get3A_334 : vector<16xi32>
      scf.yield %add3A_335 : vector<16xi32>
    }
    %while3A_102 = arith.constant 1 : i32
    %while3A_103 = scf.for %while3A_327 = %while3A_99 to %while3A_95 step %while3A_102 iter_args(%while3A_328 = %while3A_101) -> (vector<16xi32>)  : i32 {
      %mul3A_329 = arith.constant 64 : i32
      %mul3A_330 = arith.muli %while3A_327, %mul3A_329 : i32
      %add3A_331 = arith.constant 48 : i32
      %add3A_332 = arith.addi %mul3A_330, %add3A_331 : i32
      %get3A_333 = arith.index_cast %add3A_332 : i32 to index
      %get3A_334 = tpu.vector_load %arg16[%get3A_333] {strides = array<i32>} : memref<2048xi32, #tpu.memory_space<vmem>>, vector<16xi32>,
      %add3A_335 = arith.addi %while3A_328, %get3A_334 : vector<16xi32>
      scf.yield %add3A_335 : vector<16xi32>
    }
    %swap3A_104 = arith.constant 48 : index
    %swap3A_105 = tpu.vector_load %arg21[%swap3A_104] {strides = array<i32>} : memref<64xi32, #tpu.memory_space<vmem>>, vector<16xi32>,
    tpu.vector_store %arg21[%swap3A_104], %while3A_103 {strides = array<i32>} : memref<64xi32, #tpu.memory_space<vmem>>, vector<16xi32>,
    %get3A = arith.constant 0 : index
    %get3A_106 = tpu.vector_load %arg17[%get3A] {strides = array<i32>} : memref<64xi32, #tpu.memory_space<vmem>>, vector<16xi32>,
    %add3A_107 = arith.constant 255 : i32
    %add3A_108 = vector.broadcast %add3A_107 : i32 to vector<16xi32>
    %add3A_109 = arith.addi %get3A_106, %add3A_108 : vector<16xi32>
    %shift_right_arithmetic3A = arith.constant 8 : i32
    %shift_right_arithmetic3A_110 = vector.broadcast %shift_right_arithmetic3A : i32 to vector<16xi32>
    %shift_right_arithmetic3A_111 = arith.shrsi %add3A_109, %shift_right_arithmetic3A_110 : vector<16xi32>
    %swap3A_112 = arith.constant 0 : index
    %swap3A_113 = tpu.vector_load %arg18[%swap3A_112] {strides = array<i32>} : memref<64xi32, #tpu.memory_space<vmem>>, vector<16xi32>,
    tpu.vector_store %arg18[%swap3A_112], %shift_right_arithmetic3A_111 {strides = array<i32>} : memref<64xi32, #tpu.memory_space<vmem>>, vector<16xi32>,
    %broadcast_in_dim3A_114 = arith.constant true
    %broadcast_in_dim3A_115 = vector.broadcast %broadcast_in_dim3A_114 : i1 to vector<16xi1>
    %masked_cumsum3A = tpu.scan <sum>, %shift_right_arithmetic3A_111 masked %broadcast_in_dim3A_115 : vector<16xi32>, vector<16xi1> -> vector<16xi32>
    %sub3A = arith.subi %masked_cumsum3A, %shift_right_arithmetic3A_111 : vector<16xi32>
    %add3A_116 = arith.constant 0 : i32
    %add3A_117 = vector.broadcast %add3A_116 : i32 to vector<16xi32>
    %add3A_118 = arith.addi %sub3A, %add3A_117 : vector<16xi32>
    %swap3A_119 = arith.constant 0 : index
    %swap3A_120 = tpu.vector_load %arg19[%swap3A_119] {strides = array<i32>} : memref<64xi32, #tpu.memory_space<vmem>>, vector<16xi32>,
    tpu.vector_store %arg19[%swap3A_119], %add3A_118 {strides = array<i32>} : memref<64xi32, #tpu.memory_space<vmem>>, vector<16xi32>,
    %sub3A_121 = arith.subi %masked_cumsum3A, %shift_right_arithmetic3A_111 : vector<16xi32>
    %add3A_122 = arith.constant 0 : i32
    %add3A_123 = vector.broadcast %add3A_122 : i32 to vector<16xi32>
    %add3A_124 = arith.addi %sub3A_121, %add3A_123 : vector<16xi32>
    %mul3A_125 = arith.constant 256 : i32
    %mul3A_126 = vector.broadcast %mul3A_125 : i32 to vector<16xi32>
    %mul3A_127 = arith.muli %add3A_124, %mul3A_126 : vector<16xi32>
    %swap3A_128 = arith.constant 0 : index
    %swap3A_129 = tpu.vector_load %arg20[%swap3A_128] {strides = array<i32>} : memref<64xi32, #tpu.memory_space<vmem>>, vector<16xi32>,
    tpu.vector_store %arg20[%swap3A_128], %mul3A_127 {strides = array<i32>} : memref<64xi32, #tpu.memory_space<vmem>>, vector<16xi32>,
    %reduce_sum3A = arith.constant true
    %reduce_sum3A_130 = vector.broadcast %reduce_sum3A : i1 to vector<16xi1>
    %reduce_sum3A_131 = tpu.scan <sum>, %shift_right_arithmetic3A_111 masked %reduce_sum3A_130 : vector<16xi32>, vector<16xi1> -> vector<16xi32>
    %reduce_sum3A_132 = vector.extract %reduce_sum3A_131[15] : i32 from vector<16xi32>
    %add3A_133 = arith.constant 0 : i32
    %add3A_134 = arith.addi %add3A_133, %reduce_sum3A_132 : i32
    %get3A_135 = arith.constant 16 : index
    %get3A_136 = tpu.vector_load %arg17[%get3A_135] {strides = array<i32>} : memref<64xi32, #tpu.memory_space<vmem>>, vector<16xi32>,
    %add3A_137 = arith.constant 255 : i32
    %add3A_138 = vector.broadcast %add3A_137 : i32 to vector<16xi32>
    %add3A_139 = arith.addi %get3A_136, %add3A_138 : vector<16xi32>
    %shift_right_arithmetic3A_140 = arith.constant 8 : i32
    %shift_right_arithmetic3A_141 = vector.broadcast %shift_right_arithmetic3A_140 : i32 to vector<16xi32>
    %shift_right_arithmetic3A_142 = arith.shrsi %add3A_139, %shift_right_arithmetic3A_141 : vector<16xi32>
    %swap3A_143 = arith.constant 16 : index
    %swap3A_144 = tpu.vector_load %arg18[%swap3A_143] {strides = array<i32>} : memref<64xi32, #tpu.memory_space<vmem>>, vector<16xi32>,
    tpu.vector_store %arg18[%swap3A_143], %shift_right_arithmetic3A_142 {strides = array<i32>} : memref<64xi32, #tpu.memory_space<vmem>>, vector<16xi32>,
    %broadcast_in_dim3A_145 = arith.constant true
    %broadcast_in_dim3A_146 = vector.broadcast %broadcast_in_dim3A_145 : i1 to vector<16xi1>
    %masked_cumsum3A_147 = tpu.scan <sum>, %shift_right_arithmetic3A_142 masked %broadcast_in_dim3A_146 : vector<16xi32>, vector<16xi1> -> vector<16xi32>
    %sub3A_148 = arith.subi %masked_cumsum3A_147, %shift_right_arithmetic3A_142 : vector<16xi32>
    %add3A_149 = vector.broadcast %add3A_134 : i32 to vector<16xi32>
    %add3A_150 = arith.addi %sub3A_148, %add3A_149 : vector<16xi32>
    %swap3A_151 = arith.constant 16 : index
    %swap3A_152 = tpu.vector_load %arg19[%swap3A_151] {strides = array<i32>} : memref<64xi32, #tpu.memory_space<vmem>>, vector<16xi32>,
    tpu.vector_store %arg19[%swap3A_151], %add3A_150 {strides = array<i32>} : memref<64xi32, #tpu.memory_space<vmem>>, vector<16xi32>,
    %sub3A_153 = arith.subi %masked_cumsum3A_147, %shift_right_arithmetic3A_142 : vector<16xi32>
    %add3A_154 = vector.broadcast %add3A_134 : i32 to vector<16xi32>
    %add3A_155 = arith.addi %sub3A_153, %add3A_154 : vector<16xi32>
    %mul3A_156 = arith.constant 256 : i32
    %mul3A_157 = vector.broadcast %mul3A_156 : i32 to vector<16xi32>
    %mul3A_158 = arith.muli %add3A_155, %mul3A_157 : vector<16xi32>
    %swap3A_159 = arith.constant 16 : index
    %swap3A_160 = tpu.vector_load %arg20[%swap3A_159] {strides = array<i32>} : memref<64xi32, #tpu.memory_space<vmem>>, vector<16xi32>,
    tpu.vector_store %arg20[%swap3A_159], %mul3A_158 {strides = array<i32>} : memref<64xi32, #tpu.memory_space<vmem>>, vector<16xi32>,
    %reduce_sum3A_161 = arith.constant true
    %reduce_sum3A_162 = vector.broadcast %reduce_sum3A_161 : i1 to vector<16xi1>
    %reduce_sum3A_163 = tpu.scan <sum>, %shift_right_arithmetic3A_142 masked %reduce_sum3A_162 : vector<16xi32>, vector<16xi1> -> vector<16xi32>
    %reduce_sum3A_164 = vector.extract %reduce_sum3A_163[15] : i32 from vector<16xi32>
    %add3A_165 = arith.addi %add3A_134, %reduce_sum3A_164 : i32
    %get3A_166 = arith.constant 32 : index
    %get3A_167 = tpu.vector_load %arg17[%get3A_166] {strides = array<i32>} : memref<64xi32, #tpu.memory_space<vmem>>, vector<16xi32>,
    %add3A_168 = arith.constant 255 : i32
    %add3A_169 = vector.broadcast %add3A_168 : i32 to vector<16xi32>
    %add3A_170 = arith.addi %get3A_167, %add3A_169 : vector<16xi32>
    %shift_right_arithmetic3A_171 = arith.constant 8 : i32
    %shift_right_arithmetic3A_172 = vector.broadcast %shift_right_arithmetic3A_171 : i32 to vector<16xi32>
    %shift_right_arithmetic3A_173 = arith.shrsi %add3A_170, %shift_right_arithmetic3A_172 : vector<16xi32>
    %swap3A_174 = arith.constant 32 : index
    %swap3A_175 = tpu.vector_load %arg18[%swap3A_174] {strides = array<i32>} : memref<64xi32, #tpu.memory_space<vmem>>, vector<16xi32>,
    tpu.vector_store %arg18[%swap3A_174], %shift_right_arithmetic3A_173 {strides = array<i32>} : memref<64xi32, #tpu.memory_space<vmem>>, vector<16xi32>,
    %broadcast_in_dim3A_176 = arith.constant true
    %broadcast_in_dim3A_177 = vector.broadcast %broadcast_in_dim3A_176 : i1 to vector<16xi1>
    %masked_cumsum3A_178 = tpu.scan <sum>, %shift_right_arithmetic3A_173 masked %broadcast_in_dim3A_177 : vector<16xi32>, vector<16xi1> -> vector<16xi32>
    %sub3A_179 = arith.subi %masked_cumsum3A_178, %shift_right_arithmetic3A_173 : vector<16xi32>
    %add3A_180 = vector.broadcast %add3A_165 : i32 to vector<16xi32>
    %add3A_181 = arith.addi %sub3A_179, %add3A_180 : vector<16xi32>
    %swap3A_182 = arith.constant 32 : index
    %swap3A_183 = tpu.vector_load %arg19[%swap3A_182] {strides = array<i32>} : memref<64xi32, #tpu.memory_space<vmem>>, vector<16xi32>,
    tpu.vector_store %arg19[%swap3A_182], %add3A_181 {strides = array<i32>} : memref<64xi32, #tpu.memory_space<vmem>>, vector<16xi32>,
    %sub3A_184 = arith.subi %masked_cumsum3A_178, %shift_right_arithmetic3A_173 : vector<16xi32>
    %add3A_185 = vector.broadcast %add3A_165 : i32 to vector<16xi32>
    %add3A_186 = arith.addi %sub3A_184, %add3A_185 : vector<16xi32>
    %mul3A_187 = arith.constant 256 : i32
    %mul3A_188 = vector.broadcast %mul3A_187 : i32 to vector<16xi32>
    %mul3A_189 = arith.muli %add3A_186, %mul3A_188 : vector<16xi32>
    %swap3A_190 = arith.constant 32 : index
    %swap3A_191 = tpu.vector_load %arg20[%swap3A_190] {strides = array<i32>} : memref<64xi32, #tpu.memory_space<vmem>>, vector<16xi32>,
    tpu.vector_store %arg20[%swap3A_190], %mul3A_189 {strides = array<i32>} : memref<64xi32, #tpu.memory_space<vmem>>, vector<16xi32>,
    %reduce_sum3A_192 = arith.constant true
    %reduce_sum3A_193 = vector.broadcast %reduce_sum3A_192 : i1 to vector<16xi1>
    %reduce_sum3A_194 = tpu.scan <sum>, %shift_right_arithmetic3A_173 masked %reduce_sum3A_193 : vector<16xi32>, vector<16xi1> -> vector<16xi32>
    %reduce_sum3A_195 = vector.extract %reduce_sum3A_194[15] : i32 from vector<16xi32>
    %add3A_196 = arith.addi %add3A_165, %reduce_sum3A_195 : i32
    %get3A_197 = arith.constant 48 : index
    %get3A_198 = tpu.vector_load %arg17[%get3A_197] {strides = array<i32>} : memref<64xi32, #tpu.memory_space<vmem>>, vector<16xi32>,
    %add3A_199 = arith.constant 255 : i32
    %add3A_200 = vector.broadcast %add3A_199 : i32 to vector<16xi32>
    %add3A_201 = arith.addi %get3A_198, %add3A_200 : vector<16xi32>
    %shift_right_arithmetic3A_202 = arith.constant 8 : i32
    %shift_right_arithmetic3A_203 = vector.broadcast %shift_right_arithmetic3A_202 : i32 to vector<16xi32>
    %shift_right_arithmetic3A_204 = arith.shrsi %add3A_201, %shift_right_arithmetic3A_203 : vector<16xi32>
    %swap3A_205 = arith.constant 48 : index
    %swap3A_206 = tpu.vector_load %arg18[%swap3A_205] {strides = array<i32>} : memref<64xi32, #tpu.memory_space<vmem>>, vector<16xi32>,
    tpu.vector_store %arg18[%swap3A_205], %shift_right_arithmetic3A_204 {strides = array<i32>} : memref<64xi32, #tpu.memory_space<vmem>>, vector<16xi32>,
    %broadcast_in_dim3A_207 = arith.constant true
    %broadcast_in_dim3A_208 = vector.broadcast %broadcast_in_dim3A_207 : i1 to vector<16xi1>
    %masked_cumsum3A_209 = tpu.scan <sum>, %shift_right_arithmetic3A_204 masked %broadcast_in_dim3A_208 : vector<16xi32>, vector<16xi1> -> vector<16xi32>
    %sub3A_210 = arith.subi %masked_cumsum3A_209, %shift_right_arithmetic3A_204 : vector<16xi32>
    %add3A_211 = vector.broadcast %add3A_196 : i32 to vector<16xi32>
    %add3A_212 = arith.addi %sub3A_210, %add3A_211 : vector<16xi32>
    %swap3A_213 = arith.constant 48 : index
    %swap3A_214 = tpu.vector_load %arg19[%swap3A_213] {strides = array<i32>} : memref<64xi32, #tpu.memory_space<vmem>>, vector<16xi32>,
    tpu.vector_store %arg19[%swap3A_213], %add3A_212 {strides = array<i32>} : memref<64xi32, #tpu.memory_space<vmem>>, vector<16xi32>,
    %sub3A_215 = arith.subi %masked_cumsum3A_209, %shift_right_arithmetic3A_204 : vector<16xi32>
    %add3A_216 = vector.broadcast %add3A_196 : i32 to vector<16xi32>
    %add3A_217 = arith.addi %sub3A_215, %add3A_216 : vector<16xi32>
    %mul3A_218 = arith.constant 256 : i32
    %mul3A_219 = vector.broadcast %mul3A_218 : i32 to vector<16xi32>
    %mul3A_220 = arith.muli %add3A_217, %mul3A_219 : vector<16xi32>
    %swap3A_221 = arith.constant 48 : index
    %swap3A_222 = tpu.vector_load %arg20[%swap3A_221] {strides = array<i32>} : memref<64xi32, #tpu.memory_space<vmem>>, vector<16xi32>,
    tpu.vector_store %arg20[%swap3A_221], %mul3A_220 {strides = array<i32>} : memref<64xi32, #tpu.memory_space<vmem>>, vector<16xi32>,
    %reduce_sum3A_223 = arith.constant true
    %reduce_sum3A_224 = vector.broadcast %reduce_sum3A_223 : i1 to vector<16xi1>
    %reduce_sum3A_225 = tpu.scan <sum>, %shift_right_arithmetic3A_204 masked %reduce_sum3A_224 : vector<16xi32>, vector<16xi1> -> vector<16xi32>
    %reduce_sum3A_226 = vector.extract %reduce_sum3A_225[15] : i32 from vector<16xi32>
    %add3A_227 = arith.addi %add3A_196, %reduce_sum3A_226 : i32
    %broadcast_in_dim3A_228 = arith.constant 0 : i32
    %broadcast_in_dim3A_229 = vector.broadcast %broadcast_in_dim3A_228 : i32 to vector<16xi32>
    %scan3A_230 = arith.constant 0 : i32
    %scan3A_231 = arith.constant 64 : i32
    %scan3A_232 = arith.addi %scan3A_230, %scan3A_231 : i32
    %scan3A_233 = arith.constant 1 : i32
    %scan3A_234 = scf.for %scan3A_327 = %scan3A_230 to %scan3A_232 step %scan3A_233 iter_args(%scan3A_328 = %broadcast_in_dim3A_229) -> (vector<16xi32>)  : i32 {
      %gather3A = tpu.vector_load_idx %arg20[%scan3A_328] : memref<64xi32, #tpu.memory_space<vmem>>[vector<16xi32>], vector<16xi32>,
      %gather3A_329 = tpu.vector_load_idx %arg21[%scan3A_328] : memref<64xi32, #tpu.memory_space<vmem>>[vector<16xi32>], vector<16xi32>,
      %add3A_330 = arith.addi %gather3A, %gather3A_329 : vector<16xi32>
      %scan3A_331 = arith.constant 0 : i32
      %scan3A_332 = arith.constant 0 : i32
      %scan3A_333 = arith.constant 32 : i32
      %scan3A_334 = arith.addi %scan3A_332, %scan3A_333 : i32
      %scan3A_335 = arith.constant 1 : i32
      %scan3A_336 = scf.for %scan3A_341 = %scan3A_332 to %scan3A_334 step %scan3A_335 iter_args(%scan3A_342 = %scan3A_331) -> (i32)  : i32 {
        %jit3A = arith.constant 8 : i32
        %div3A = arith.divsi %scan3A_341, %jit3A : i32
        %sign3A = arith.constant 0 : i32
        %sign3A_343 = arith.cmpi sgt, %scan3A_341, %sign3A : i32
        %sign3A_344 = arith.extui %sign3A_343 : i1 to i32
        %sign3A_345 = arith.constant 0 : i32
        %sign3A_346 = arith.cmpi slt, %scan3A_341, %sign3A_345 : i32
        %sign3A_347 = arith.extui %sign3A_346 : i1 to i32
        %sign3A_348 = arith.subi %sign3A_344, %sign3A_347 : i32
        %sign3A_349 = arith.constant 0 : i32
        %sign3A_350 = arith.cmpi sgt, %jit3A, %sign3A_349 : i32
        %sign3A_351 = arith.extui %sign3A_350 : i1 to i32
        %sign3A_352 = arith.constant 0 : i32
        %sign3A_353 = arith.cmpi slt, %jit3A, %sign3A_352 : i32
        %sign3A_354 = arith.extui %sign3A_353 : i1 to i32
        %sign3A_355 = arith.subi %sign3A_351, %sign3A_354 : i32
        %ne3A = arith.cmpi ne, %sign3A_348, %sign3A_355 : i32
        %rem3A = arith.remsi %scan3A_341, %jit3A : i32
        %ne3A_356 = arith.constant 0 : i32
        %ne3A_357 = arith.cmpi ne, %rem3A, %ne3A_356 : i32
        %and3A = arith.andi %ne3A, %ne3A_357 : i1
        %sub3A_358 = arith.constant 1 : i32
        %sub3A_359 = arith.subi %div3A, %sub3A_358 : i32
        %select_n3A = arith.select %and3A, %sub3A_359, %div3A : i32
        %jit3A_360 = arith.constant 8 : i32
        %eq3A_361 = arith.constant 0 : i32
        %eq3A_362 = arith.cmpi eq, %jit3A_360, %eq3A_361 : i32
        %jit3A_363 = arith.constant 1 : i32
        %select_n3A_364 = arith.select %eq3A_362, %jit3A_363, %jit3A_360 : i32
        %rem3A_365 = arith.remsi %scan3A_341, %select_n3A_364 : i32
        %ne3A_366 = arith.constant 0 : i32
        %ne3A_367 = arith.cmpi ne, %rem3A_365, %ne3A_366 : i32
        %lt3A = arith.constant 0 : i32
        %lt3A_368 = arith.cmpi slt, %rem3A_365, %lt3A : i32
        %lt3A_369 = arith.constant 0 : i32
        %lt3A_370 = arith.cmpi slt, %select_n3A_364, %lt3A_369 : i32
        %ne3A_371 = arith.xori %lt3A_368, %lt3A_370 : i1
        %and3A_372 = arith.andi %ne3A_371, %ne3A_367 : i1
        %add3A_373 = arith.addi %rem3A_365, %select_n3A_364 : i32
        %select_n3A_374 = arith.select %and3A_372, %add3A_373, %rem3A_365 : i32
        %mul3A_375 = arith.constant 16 : i32
        %mul3A_376 = arith.muli %select_n3A_374, %mul3A_375 : i32
        %mul3A_377 = arith.constant 16 : i32
        %mul3A_378 = arith.muli %scan3A_341, %mul3A_377 : i32
        %get3A_379 = arith.index_cast %mul3A_378 : i32 to index
        %get3A_380 = tpu.vector_load %arg14[%get3A_379] {strides = array<i32>} : memref<512xi32, #tpu.memory_space<vmem>>, vector<16xi32>,
        %eq3A_381 = arith.cmpi eq, %get3A_380, %scan3A_328 : vector<16xi32>
        %convert_element_type3A_382 = arith.extui %eq3A_381 : vector<16xi1> to vector<16xi32>
        %broadcast_in_dim3A_383 = arith.constant true
        %broadcast_in_dim3A_384 = vector.broadcast %broadcast_in_dim3A_383 : i1 to vector<16xi1>
        %masked_cumsum3A_385 = tpu.scan <sum>, %convert_element_type3A_382 masked %broadcast_in_dim3A_384 : vector<16xi32>, vector<16xi1> -> vector<16xi32>
        %sub3A_386 = arith.subi %masked_cumsum3A_385, %convert_element_type3A_382 : vector<16xi32>
        %add3A_387 = vector.broadcast %scan3A_342 : i32 to vector<16xi32>
        %add3A_388 = arith.addi %sub3A_386, %add3A_387 : vector<16xi32>
        %add3A_389 = arith.addi %add3A_330, %add3A_388 : vector<16xi32>
        %get3A_390 = arith.index_cast %select_n3A : i32 to index
        %get3A_391 = arith.index_cast %mul3A_376 : i32 to index
        %get3A_392 = tpu.vector_load %arg22[%get3A_390, %get3A_391] {strides = array<i32>} : memref<4x128xi32, #tpu.memory_space<vmem>>, vector<16xi32>,
        %select_n3A_393 = arith.select %eq3A_381, %add3A_389, %get3A_392 : vector<16xi1>, vector<16xi32>
        %swap3A_394 = arith.index_cast %select_n3A : i32 to index
        %swap3A_395 = arith.index_cast %mul3A_376 : i32 to index
        %swap3A_396 = tpu.vector_load %arg22[%swap3A_394, %swap3A_395] {strides = array<i32>} : memref<4x128xi32, #tpu.memory_space<vmem>>, vector<16xi32>,
        tpu.vector_store %arg22[%swap3A_394, %swap3A_395], %select_n3A_393 {strides = array<i32>} : memref<4x128xi32, #tpu.memory_space<vmem>>, vector<16xi32>,
        %reduce_sum3A_397 = arith.constant true
        %reduce_sum3A_398 = vector.broadcast %reduce_sum3A_397 : i1 to vector<16xi1>
        %reduce_sum3A_399 = tpu.scan <sum>, %convert_element_type3A_382 masked %reduce_sum3A_398 : vector<16xi32>, vector<16xi1> -> vector<16xi32>
        %reduce_sum3A_400 = vector.extract %reduce_sum3A_399[15] : i32 from vector<16xi32>
        %add3A_401 = arith.addi %scan3A_342, %reduce_sum3A_400 : i32
        scf.yield %add3A_401 : i32
      }
      %scan3A_337 = arith.constant 32 : i32
      %add3A_338 = arith.constant 1 : i32
      %add3A_339 = vector.broadcast %add3A_338 : i32 to vector<16xi32>
      %add3A_340 = arith.addi %scan3A_328, %add3A_339 : vector<16xi32>
      scf.yield %add3A_340 : vector<16xi32>
    }
    %scan3A_235 = arith.constant 64 : i32
    %add3A_236 = arith.constant 0 : i32
    %add3A_237 = arith.addi %mul3A_2, %add3A_236 : i32
    %run_scoped3A = arith.constant 0 : i32
    "tpu.region"() ({
      %run_scoped3A_327 = tpu.sem_alloc : memref<!tpu.dma_semaphore, #tpu.memory_space<semaphore_mem>>
      %dma_start3A_328 = arith.constant 0 : i32
      %dma_start3A_329 = tpu.memref_slice %arg22[%run_scoped3A, %dma_start3A_328] : memref<4x128xi32, #tpu.memory_space<vmem>> -> memref<1x128xi32, #tpu.memory_space<vmem>>
      %dma_start3A_330 = tpu.memref_squeeze %dma_start3A_329 : memref<1x128xi32, #tpu.memory_space<vmem>> -> memref<128xi32, #tpu.memory_space<vmem>>
      %dma_start3A_331 = tpu.memref_slice %arg8[%add3A_237] : memref<16384xi32, #tpu.memory_space<hbm>> -> memref<128xi32, #tpu.memory_space<hbm>>
      %dma_start3A_332 = tpu.memref_slice %arg8[%add3A_237] : memref<16384xi32, #tpu.memory_space<hbm>> -> memref<128xi32, #tpu.memory_space<hbm>>
      %dma_start3A_333 = arith.constant 0 : i32
      %dma_start3A_334 = tpu.memref_slice %arg22[%run_scoped3A, %dma_start3A_333] : memref<4x128xi32, #tpu.memory_space<vmem>> -> memref<1x128xi32, #tpu.memory_space<vmem>>
      %dma_start3A_335 = tpu.memref_squeeze %dma_start3A_334 : memref<1x128xi32, #tpu.memory_space<vmem>> -> memref<128xi32, #tpu.memory_space<vmem>>
      tpu.enqueue_dma source(%dma_start3A_335 : memref<128xi32, #tpu.memory_space<vmem>>) target(%dma_start3A_332 : memref<128xi32, #tpu.memory_space<hbm>>) target_semaphore(%run_scoped3A_327 : memref<!tpu.dma_semaphore, #tpu.memory_space<semaphore_mem>>)
      %dma_wait3A_336 = arith.constant 0 : i32
      %dma_wait3A_337 = tpu.memref_slice %arg22[%run_scoped3A, %dma_wait3A_336] : memref<4x128xi32, #tpu.memory_space<vmem>> -> memref<1x128xi32, #tpu.memory_space<vmem>>
      %dma_wait3A_338 = tpu.memref_squeeze %dma_wait3A_337 : memref<1x128xi32, #tpu.memory_space<vmem>> -> memref<128xi32, #tpu.memory_space<vmem>>
      %dma_wait3A_339 = tpu.memref_slice %arg8[%add3A_237] : memref<16384xi32, #tpu.memory_space<hbm>> -> memref<128xi32, #tpu.memory_space<hbm>>
      %dma_wait3A_340 = tpu.memref_slice %arg8[%add3A_237] : memref<16384xi32, #tpu.memory_space<hbm>> -> memref<128xi32, #tpu.memory_space<hbm>>
      %dma_wait3A_341 = arith.constant 0 : i32
      %dma_wait3A_342 = tpu.memref_slice %arg22[%run_scoped3A, %dma_wait3A_341] : memref<4x128xi32, #tpu.memory_space<vmem>> -> memref<1x128xi32, #tpu.memory_space<vmem>>
      %dma_wait3A_343 = tpu.memref_squeeze %dma_wait3A_342 : memref<1x128xi32, #tpu.memory_space<vmem>> -> memref<128xi32, #tpu.memory_space<vmem>>
      tpu.wait_dma2 semaphore(%run_scoped3A_327 : memref<!tpu.dma_semaphore, #tpu.memory_space<semaphore_mem>>) src(%dma_wait3A_343 : memref<128xi32, #tpu.memory_space<vmem>>) dst(%dma_wait3A_340 : memref<128xi32, #tpu.memory_space<hbm>>)
      tpu.yield
    }) : () -> ()
    %add3A_238 = arith.constant 128 : i32
    %add3A_239 = arith.addi %mul3A_2, %add3A_238 : i32
    %run_scoped3A_240 = arith.constant 1 : i32
    "tpu.region"() ({
      %run_scoped3A_327 = tpu.sem_alloc : memref<!tpu.dma_semaphore, #tpu.memory_space<semaphore_mem>>
      %dma_start3A_328 = arith.constant 0 : i32
      %dma_start3A_329 = tpu.memref_slice %arg22[%run_scoped3A_240, %dma_start3A_328] : memref<4x128xi32, #tpu.memory_space<vmem>> -> memref<1x128xi32, #tpu.memory_space<vmem>>
      %dma_start3A_330 = tpu.memref_squeeze %dma_start3A_329 : memref<1x128xi32, #tpu.memory_space<vmem>> -> memref<128xi32, #tpu.memory_space<vmem>>
      %dma_start3A_331 = tpu.memref_slice %arg8[%add3A_239] : memref<16384xi32, #tpu.memory_space<hbm>> -> memref<128xi32, #tpu.memory_space<hbm>>
      %dma_start3A_332 = tpu.memref_slice %arg8[%add3A_239] : memref<16384xi32, #tpu.memory_space<hbm>> -> memref<128xi32, #tpu.memory_space<hbm>>
      %dma_start3A_333 = arith.constant 0 : i32
      %dma_start3A_334 = tpu.memref_slice %arg22[%run_scoped3A_240, %dma_start3A_333] : memref<4x128xi32, #tpu.memory_space<vmem>> -> memref<1x128xi32, #tpu.memory_space<vmem>>
      %dma_start3A_335 = tpu.memref_squeeze %dma_start3A_334 : memref<1x128xi32, #tpu.memory_space<vmem>> -> memref<128xi32, #tpu.memory_space<vmem>>
      tpu.enqueue_dma source(%dma_start3A_335 : memref<128xi32, #tpu.memory_space<vmem>>) target(%dma_start3A_332 : memref<128xi32, #tpu.memory_space<hbm>>) target_semaphore(%run_scoped3A_327 : memref<!tpu.dma_semaphore, #tpu.memory_space<semaphore_mem>>)
      %dma_wait3A_336 = arith.constant 0 : i32
      %dma_wait3A_337 = tpu.memref_slice %arg22[%run_scoped3A_240, %dma_wait3A_336] : memref<4x128xi32, #tpu.memory_space<vmem>> -> memref<1x128xi32, #tpu.memory_space<vmem>>
      %dma_wait3A_338 = tpu.memref_squeeze %dma_wait3A_337 : memref<1x128xi32, #tpu.memory_space<vmem>> -> memref<128xi32, #tpu.memory_space<vmem>>
      %dma_wait3A_339 = tpu.memref_slice %arg8[%add3A_239] : memref<16384xi32, #tpu.memory_space<hbm>> -> memref<128xi32, #tpu.memory_space<hbm>>
      %dma_wait3A_340 = tpu.memref_slice %arg8[%add3A_239] : memref<16384xi32, #tpu.memory_space<hbm>> -> memref<128xi32, #tpu.memory_space<hbm>>
      %dma_wait3A_341 = arith.constant 0 : i32
      %dma_wait3A_342 = tpu.memref_slice %arg22[%run_scoped3A_240, %dma_wait3A_341] : memref<4x128xi32, #tpu.memory_space<vmem>> -> memref<1x128xi32, #tpu.memory_space<vmem>>
      %dma_wait3A_343 = tpu.memref_squeeze %dma_wait3A_342 : memref<1x128xi32, #tpu.memory_space<vmem>> -> memref<128xi32, #tpu.memory_space<vmem>>
      tpu.wait_dma2 semaphore(%run_scoped3A_327 : memref<!tpu.dma_semaphore, #tpu.memory_space<semaphore_mem>>) src(%dma_wait3A_343 : memref<128xi32, #tpu.memory_space<vmem>>) dst(%dma_wait3A_340 : memref<128xi32, #tpu.memory_space<hbm>>)
      tpu.yield
    }) : () -> ()
    %add3A_241 = arith.constant 256 : i32
    %add3A_242 = arith.addi %mul3A_2, %add3A_241 : i32
    %run_scoped3A_243 = arith.constant 2 : i32
    "tpu.region"() ({
      %run_scoped3A_327 = tpu.sem_alloc : memref<!tpu.dma_semaphore, #tpu.memory_space<semaphore_mem>>
      %dma_start3A_328 = arith.constant 0 : i32
      %dma_start3A_329 = tpu.memref_slice %arg22[%run_scoped3A_243, %dma_start3A_328] : memref<4x128xi32, #tpu.memory_space<vmem>> -> memref<1x128xi32, #tpu.memory_space<vmem>>
      %dma_start3A_330 = tpu.memref_squeeze %dma_start3A_329 : memref<1x128xi32, #tpu.memory_space<vmem>> -> memref<128xi32, #tpu.memory_space<vmem>>
      %dma_start3A_331 = tpu.memref_slice %arg8[%add3A_242] : memref<16384xi32, #tpu.memory_space<hbm>> -> memref<128xi32, #tpu.memory_space<hbm>>
      %dma_start3A_332 = tpu.memref_slice %arg8[%add3A_242] : memref<16384xi32, #tpu.memory_space<hbm>> -> memref<128xi32, #tpu.memory_space<hbm>>
      %dma_start3A_333 = arith.constant 0 : i32
      %dma_start3A_334 = tpu.memref_slice %arg22[%run_scoped3A_243, %dma_start3A_333] : memref<4x128xi32, #tpu.memory_space<vmem>> -> memref<1x128xi32, #tpu.memory_space<vmem>>
      %dma_start3A_335 = tpu.memref_squeeze %dma_start3A_334 : memref<1x128xi32, #tpu.memory_space<vmem>> -> memref<128xi32, #tpu.memory_space<vmem>>
      tpu.enqueue_dma source(%dma_start3A_335 : memref<128xi32, #tpu.memory_space<vmem>>) target(%dma_start3A_332 : memref<128xi32, #tpu.memory_space<hbm>>) target_semaphore(%run_scoped3A_327 : memref<!tpu.dma_semaphore, #tpu.memory_space<semaphore_mem>>)
      %dma_wait3A_336 = arith.constant 0 : i32
      %dma_wait3A_337 = tpu.memref_slice %arg22[%run_scoped3A_243, %dma_wait3A_336] : memref<4x128xi32, #tpu.memory_space<vmem>> -> memref<1x128xi32, #tpu.memory_space<vmem>>
      %dma_wait3A_338 = tpu.memref_squeeze %dma_wait3A_337 : memref<1x128xi32, #tpu.memory_space<vmem>> -> memref<128xi32, #tpu.memory_space<vmem>>
      %dma_wait3A_339 = tpu.memref_slice %arg8[%add3A_242] : memref<16384xi32, #tpu.memory_space<hbm>> -> memref<128xi32, #tpu.memory_space<hbm>>
      %dma_wait3A_340 = tpu.memref_slice %arg8[%add3A_242] : memref<16384xi32, #tpu.memory_space<hbm>> -> memref<128xi32, #tpu.memory_space<hbm>>
      %dma_wait3A_341 = arith.constant 0 : i32
      %dma_wait3A_342 = tpu.memref_slice %arg22[%run_scoped3A_243, %dma_wait3A_341] : memref<4x128xi32, #tpu.memory_space<vmem>> -> memref<1x128xi32, #tpu.memory_space<vmem>>
      %dma_wait3A_343 = tpu.memref_squeeze %dma_wait3A_342 : memref<1x128xi32, #tpu.memory_space<vmem>> -> memref<128xi32, #tpu.memory_space<vmem>>
      tpu.wait_dma2 semaphore(%run_scoped3A_327 : memref<!tpu.dma_semaphore, #tpu.memory_space<semaphore_mem>>) src(%dma_wait3A_343 : memref<128xi32, #tpu.memory_space<vmem>>) dst(%dma_wait3A_340 : memref<128xi32, #tpu.memory_space<hbm>>)
      tpu.yield
    }) : () -> ()
    %add3A_244 = arith.constant 384 : i32
    %add3A_245 = arith.addi %mul3A_2, %add3A_244 : i32
    %run_scoped3A_246 = arith.constant 3 : i32
    "tpu.region"() ({
      %run_scoped3A_327 = tpu.sem_alloc : memref<!tpu.dma_semaphore, #tpu.memory_space<semaphore_mem>>
      %dma_start3A_328 = arith.constant 0 : i32
      %dma_start3A_329 = tpu.memref_slice %arg22[%run_scoped3A_246, %dma_start3A_328] : memref<4x128xi32, #tpu.memory_space<vmem>> -> memref<1x128xi32, #tpu.memory_space<vmem>>
      %dma_start3A_330 = tpu.memref_squeeze %dma_start3A_329 : memref<1x128xi32, #tpu.memory_space<vmem>> -> memref<128xi32, #tpu.memory_space<vmem>>
      %dma_start3A_331 = tpu.memref_slice %arg8[%add3A_245] : memref<16384xi32, #tpu.memory_space<hbm>> -> memref<128xi32, #tpu.memory_space<hbm>>
      %dma_start3A_332 = tpu.memref_slice %arg8[%add3A_245] : memref<16384xi32, #tpu.memory_space<hbm>> -> memref<128xi32, #tpu.memory_space<hbm>>
      %dma_start3A_333 = arith.constant 0 : i32
      %dma_start3A_334 = tpu.memref_slice %arg22[%run_scoped3A_246, %dma_start3A_333] : memref<4x128xi32, #tpu.memory_space<vmem>> -> memref<1x128xi32, #tpu.memory_space<vmem>>
      %dma_start3A_335 = tpu.memref_squeeze %dma_start3A_334 : memref<1x128xi32, #tpu.memory_space<vmem>> -> memref<128xi32, #tpu.memory_space<vmem>>
      tpu.enqueue_dma source(%dma_start3A_335 : memref<128xi32, #tpu.memory_space<vmem>>) target(%dma_start3A_332 : memref<128xi32, #tpu.memory_space<hbm>>) target_semaphore(%run_scoped3A_327 : memref<!tpu.dma_semaphore, #tpu.memory_space<semaphore_mem>>)
      %dma_wait3A_336 = arith.constant 0 : i32
      %dma_wait3A_337 = tpu.memref_slice %arg22[%run_scoped3A_246, %dma_wait3A_336] : memref<4x128xi32, #tpu.memory_space<vmem>> -> memref<1x128xi32, #tpu.memory_space<vmem>>
      %dma_wait3A_338 = tpu.memref_squeeze %dma_wait3A_337 : memref<1x128xi32, #tpu.memory_space<vmem>> -> memref<128xi32, #tpu.memory_space<vmem>>
      %dma_wait3A_339 = tpu.memref_slice %arg8[%add3A_245] : memref<16384xi32, #tpu.memory_space<hbm>> -> memref<128xi32, #tpu.memory_space<hbm>>
      %dma_wait3A_340 = tpu.memref_slice %arg8[%add3A_245] : memref<16384xi32, #tpu.memory_space<hbm>> -> memref<128xi32, #tpu.memory_space<hbm>>
      %dma_wait3A_341 = arith.constant 0 : i32
      %dma_wait3A_342 = tpu.memref_slice %arg22[%run_scoped3A_246, %dma_wait3A_341] : memref<4x128xi32, #tpu.memory_space<vmem>> -> memref<1x128xi32, #tpu.memory_space<vmem>>
      %dma_wait3A_343 = tpu.memref_squeeze %dma_wait3A_342 : memref<1x128xi32, #tpu.memory_space<vmem>> -> memref<128xi32, #tpu.memory_space<vmem>>
      tpu.wait_dma2 semaphore(%run_scoped3A_327 : memref<!tpu.dma_semaphore, #tpu.memory_space<semaphore_mem>>) src(%dma_wait3A_343 : memref<128xi32, #tpu.memory_space<vmem>>) dst(%dma_wait3A_340 : memref<128xi32, #tpu.memory_space<hbm>>)
      tpu.yield
    }) : () -> ()
    %dma_start3A = arith.constant 0 : i32
    %dma_start3A_247 = arith.constant 0 : i32
    %dma_start3A_248 = arith.constant 0 : i32
    %dma_start3A_249 = tpu.memref_slice %arg15[%dma_start3A_247, %dma_start3A_248] : memref<512x8xf32, #tpu.memory_space<vmem>> -> memref<128x8xf32, #tpu.memory_space<vmem>>
    %dma_start3A_250 = arith.constant 0 : i32
    %dma_start3A_251 = tpu.memref_slice %arg22[%dma_start3A, %dma_start3A_250] : memref<4x128xi32, #tpu.memory_space<vmem>> -> memref<1x128xi32, #tpu.memory_space<vmem>>
    %dma_start3A_252 = tpu.memref_squeeze %dma_start3A_251 : memref<1x128xi32, #tpu.memory_space<vmem>> -> memref<128xi32, #tpu.memory_space<vmem>>
    %dma_start3A_253 = arith.constant 0 : i32
    %dma_start3A_254 = arith.constant 0 : i32
    %dma_start3A_255 = tpu.memref_slice %arg7[%dma_start3A_253, %dma_start3A_254] : memref<32768x8xf32, #tpu.memory_space<hbm>> -> memref<32768x8xf32, #tpu.memory_space<hbm>>
    tpu.enqueue_indirect_dma source(%dma_start3A_249 : memref<128x8xf32, #tpu.memory_space<vmem>>) target(%dma_start3A_255 : memref<32768x8xf32, #tpu.memory_space<hbm>>) offsets(%dma_start3A_252 : memref<128xi32, #tpu.memory_space<vmem>>) semaphore(%arg25 : memref<!tpu.dma_semaphore, #tpu.memory_space<semaphore_mem>>)
    %dma_wait3A = arith.constant 0 : i32
    %dma_wait3A_256 = arith.constant 0 : i32
    %dma_wait3A_257 = arith.constant 0 : i32
    %dma_wait3A_258 = tpu.memref_slice %arg15[%dma_wait3A_256, %dma_wait3A_257] : memref<512x8xf32, #tpu.memory_space<vmem>> -> memref<128x8xf32, #tpu.memory_space<vmem>>
    %dma_wait3A_259 = arith.constant 0 : i32
    %dma_wait3A_260 = tpu.memref_slice %arg22[%dma_wait3A, %dma_wait3A_259] : memref<4x128xi32, #tpu.memory_space<vmem>> -> memref<1x128xi32, #tpu.memory_space<vmem>>
    %dma_wait3A_261 = tpu.memref_squeeze %dma_wait3A_260 : memref<1x128xi32, #tpu.memory_space<vmem>> -> memref<128xi32, #tpu.memory_space<vmem>>
    %dma_wait3A_262 = arith.constant 0 : i32
    %dma_wait3A_263 = arith.constant 0 : i32
    %dma_wait3A_264 = tpu.memref_slice %arg7[%dma_wait3A_262, %dma_wait3A_263] : memref<32768x8xf32, #tpu.memory_space<hbm>> -> memref<32768x8xf32, #tpu.memory_space<hbm>>
    tpu.wait_indirect_dma semaphore(%arg25 : memref<!tpu.dma_semaphore, #tpu.memory_space<semaphore_mem>>) src(%dma_wait3A_258 : memref<128x8xf32, #tpu.memory_space<vmem>>) dst(%dma_wait3A_264 : memref<32768x8xf32, #tpu.memory_space<hbm>>)
    %dma_start3A_265 = arith.constant 1 : i32
    %dma_start3A_266 = arith.constant 128 : i32
    %dma_start3A_267 = arith.constant 0 : i32
    %dma_start3A_268 = tpu.memref_slice %arg15[%dma_start3A_266, %dma_start3A_267] : memref<512x8xf32, #tpu.memory_space<vmem>> -> memref<128x8xf32, #tpu.memory_space<vmem>>
    %dma_start3A_269 = arith.constant 0 : i32
    %dma_start3A_270 = tpu.memref_slice %arg22[%dma_start3A_265, %dma_start3A_269] : memref<4x128xi32, #tpu.memory_space<vmem>> -> memref<1x128xi32, #tpu.memory_space<vmem>>
    %dma_start3A_271 = tpu.memref_squeeze %dma_start3A_270 : memref<1x128xi32, #tpu.memory_space<vmem>> -> memref<128xi32, #tpu.memory_space<vmem>>
    %dma_start3A_272 = arith.constant 0 : i32
    %dma_start3A_273 = arith.constant 0 : i32
    %dma_start3A_274 = tpu.memref_slice %arg7[%dma_start3A_272, %dma_start3A_273] : memref<32768x8xf32, #tpu.memory_space<hbm>> -> memref<32768x8xf32, #tpu.memory_space<hbm>>
    tpu.enqueue_indirect_dma source(%dma_start3A_268 : memref<128x8xf32, #tpu.memory_space<vmem>>) target(%dma_start3A_274 : memref<32768x8xf32, #tpu.memory_space<hbm>>) offsets(%dma_start3A_271 : memref<128xi32, #tpu.memory_space<vmem>>) semaphore(%arg25 : memref<!tpu.dma_semaphore, #tpu.memory_space<semaphore_mem>>)
    %dma_wait3A_275 = arith.constant 1 : i32
    %dma_wait3A_276 = arith.constant 128 : i32
    %dma_wait3A_277 = arith.constant 0 : i32
    %dma_wait3A_278 = tpu.memref_slice %arg15[%dma_wait3A_276, %dma_wait3A_277] : memref<512x8xf32, #tpu.memory_space<vmem>> -> memref<128x8xf32, #tpu.memory_space<vmem>>
    %dma_wait3A_279 = arith.constant 0 : i32
    %dma_wait3A_280 = tpu.memref_slice %arg22[%dma_wait3A_275, %dma_wait3A_279] : memref<4x128xi32, #tpu.memory_space<vmem>> -> memref<1x128xi32, #tpu.memory_space<vmem>>
    %dma_wait3A_281 = tpu.memref_squeeze %dma_wait3A_280 : memref<1x128xi32, #tpu.memory_space<vmem>> -> memref<128xi32, #tpu.memory_space<vmem>>
    %dma_wait3A_282 = arith.constant 0 : i32
    %dma_wait3A_283 = arith.constant 0 : i32
    %dma_wait3A_284 = tpu.memref_slice %arg7[%dma_wait3A_282, %dma_wait3A_283] : memref<32768x8xf32, #tpu.memory_space<hbm>> -> memref<32768x8xf32, #tpu.memory_space<hbm>>
    tpu.wait_indirect_dma semaphore(%arg25 : memref<!tpu.dma_semaphore, #tpu.memory_space<semaphore_mem>>) src(%dma_wait3A_278 : memref<128x8xf32, #tpu.memory_space<vmem>>) dst(%dma_wait3A_284 : memref<32768x8xf32, #tpu.memory_space<hbm>>)
    %dma_start3A_285 = arith.constant 2 : i32
    %dma_start3A_286 = arith.constant 256 : i32
    %dma_start3A_287 = arith.constant 0 : i32
    %dma_start3A_288 = tpu.memref_slice %arg15[%dma_start3A_286, %dma_start3A_287] : memref<512x8xf32, #tpu.memory_space<vmem>> -> memref<128x8xf32, #tpu.memory_space<vmem>>
    %dma_start3A_289 = arith.constant 0 : i32
    %dma_start3A_290 = tpu.memref_slice %arg22[%dma_start3A_285, %dma_start3A_289] : memref<4x128xi32, #tpu.memory_space<vmem>> -> memref<1x128xi32, #tpu.memory_space<vmem>>
    %dma_start3A_291 = tpu.memref_squeeze %dma_start3A_290 : memref<1x128xi32, #tpu.memory_space<vmem>> -> memref<128xi32, #tpu.memory_space<vmem>>
    %dma_start3A_292 = arith.constant 0 : i32
    %dma_start3A_293 = arith.constant 0 : i32
    %dma_start3A_294 = tpu.memref_slice %arg7[%dma_start3A_292, %dma_start3A_293] : memref<32768x8xf32, #tpu.memory_space<hbm>> -> memref<32768x8xf32, #tpu.memory_space<hbm>>
    tpu.enqueue_indirect_dma source(%dma_start3A_288 : memref<128x8xf32, #tpu.memory_space<vmem>>) target(%dma_start3A_294 : memref<32768x8xf32, #tpu.memory_space<hbm>>) offsets(%dma_start3A_291 : memref<128xi32, #tpu.memory_space<vmem>>) semaphore(%arg25 : memref<!tpu.dma_semaphore, #tpu.memory_space<semaphore_mem>>)
    %dma_wait3A_295 = arith.constant 2 : i32
    %dma_wait3A_296 = arith.constant 256 : i32
    %dma_wait3A_297 = arith.constant 0 : i32
    %dma_wait3A_298 = tpu.memref_slice %arg15[%dma_wait3A_296, %dma_wait3A_297] : memref<512x8xf32, #tpu.memory_space<vmem>> -> memref<128x8xf32, #tpu.memory_space<vmem>>
    %dma_wait3A_299 = arith.constant 0 : i32
    %dma_wait3A_300 = tpu.memref_slice %arg22[%dma_wait3A_295, %dma_wait3A_299] : memref<4x128xi32, #tpu.memory_space<vmem>> -> memref<1x128xi32, #tpu.memory_space<vmem>>
    %dma_wait3A_301 = tpu.memref_squeeze %dma_wait3A_300 : memref<1x128xi32, #tpu.memory_space<vmem>> -> memref<128xi32, #tpu.memory_space<vmem>>
    %dma_wait3A_302 = arith.constant 0 : i32
    %dma_wait3A_303 = arith.constant 0 : i32
    %dma_wait3A_304 = tpu.memref_slice %arg7[%dma_wait3A_302, %dma_wait3A_303] : memref<32768x8xf32, #tpu.memory_space<hbm>> -> memref<32768x8xf32, #tpu.memory_space<hbm>>
    tpu.wait_indirect_dma semaphore(%arg25 : memref<!tpu.dma_semaphore, #tpu.memory_space<semaphore_mem>>) src(%dma_wait3A_298 : memref<128x8xf32, #tpu.memory_space<vmem>>) dst(%dma_wait3A_304 : memref<32768x8xf32, #tpu.memory_space<hbm>>)
    %dma_start3A_305 = arith.constant 3 : i32
    %dma_start3A_306 = arith.constant 384 : i32
    %dma_start3A_307 = arith.constant 0 : i32
    %dma_start3A_308 = tpu.memref_slice %arg15[%dma_start3A_306, %dma_start3A_307] : memref<512x8xf32, #tpu.memory_space<vmem>> -> memref<128x8xf32, #tpu.memory_space<vmem>>
    %dma_start3A_309 = arith.constant 0 : i32
    %dma_start3A_310 = tpu.memref_slice %arg22[%dma_start3A_305, %dma_start3A_309] : memref<4x128xi32, #tpu.memory_space<vmem>> -> memref<1x128xi32, #tpu.memory_space<vmem>>
    %dma_start3A_311 = tpu.memref_squeeze %dma_start3A_310 : memref<1x128xi32, #tpu.memory_space<vmem>> -> memref<128xi32, #tpu.memory_space<vmem>>
    %dma_start3A_312 = arith.constant 0 : i32
    %dma_start3A_313 = arith.constant 0 : i32
    %dma_start3A_314 = tpu.memref_slice %arg7[%dma_start3A_312, %dma_start3A_313] : memref<32768x8xf32, #tpu.memory_space<hbm>> -> memref<32768x8xf32, #tpu.memory_space<hbm>>
    tpu.enqueue_indirect_dma source(%dma_start3A_308 : memref<128x8xf32, #tpu.memory_space<vmem>>) target(%dma_start3A_314 : memref<32768x8xf32, #tpu.memory_space<hbm>>) offsets(%dma_start3A_311 : memref<128xi32, #tpu.memory_space<vmem>>) semaphore(%arg25 : memref<!tpu.dma_semaphore, #tpu.memory_space<semaphore_mem>>)
    %dma_wait3A_315 = arith.constant 3 : i32
    %dma_wait3A_316 = arith.constant 384 : i32
    %dma_wait3A_317 = arith.constant 0 : i32
    %dma_wait3A_318 = tpu.memref_slice %arg15[%dma_wait3A_316, %dma_wait3A_317] : memref<512x8xf32, #tpu.memory_space<vmem>> -> memref<128x8xf32, #tpu.memory_space<vmem>>
    %dma_wait3A_319 = arith.constant 0 : i32
    %dma_wait3A_320 = tpu.memref_slice %arg22[%dma_wait3A_315, %dma_wait3A_319] : memref<4x128xi32, #tpu.memory_space<vmem>> -> memref<1x128xi32, #tpu.memory_space<vmem>>
    %dma_wait3A_321 = tpu.memref_squeeze %dma_wait3A_320 : memref<1x128xi32, #tpu.memory_space<vmem>> -> memref<128xi32, #tpu.memory_space<vmem>>
    %dma_wait3A_322 = arith.constant 0 : i32
    %dma_wait3A_323 = arith.constant 0 : i32
    %dma_wait3A_324 = tpu.memref_slice %arg7[%dma_wait3A_322, %dma_wait3A_323] : memref<32768x8xf32, #tpu.memory_space<hbm>> -> memref<32768x8xf32, #tpu.memory_space<hbm>>
    tpu.wait_indirect_dma semaphore(%arg25 : memref<!tpu.dma_semaphore, #tpu.memory_space<semaphore_mem>>) src(%dma_wait3A_318 : memref<128x8xf32, #tpu.memory_space<vmem>>) dst(%dma_wait3A_324 : memref<32768x8xf32, #tpu.memory_space<hbm>>)
    %eq3A = arith.constant 0 : i32
    %eq3A_325 = arith.cmpi eq, %add3A, %eq3A : i32
    %convert_element_type3A = arith.extui %eq3A_325 : i1 to i32
    %cond3A = arith.constant 0 : i32
    %cond3A_326 = arith.cmpi ne, %convert_element_type3A, %cond3A : i32
    scf.if %cond3A_326 {
      %broadcast_in_dim3A_327 = arith.constant 0 : i32
      %broadcast_in_dim3A_328 = vector.broadcast %broadcast_in_dim3A_327 : i32 to vector<16xi32>
      %scan3A_329 = arith.constant 0 : i32
      %scan3A_330 = arith.constant 8 : i32
      %scan3A_331 = arith.addi %scan3A_329, %scan3A_330 : i32
      %scan3A_332 = arith.constant 1 : i32
      %scan3A_333 = scf.for %scan3A_341 = %scan3A_329 to %scan3A_331 step %scan3A_332 iter_args(%scan3A_342 = %broadcast_in_dim3A_328) -> (vector<16xi32>)  : i32 {
        %iota3A = tpu.iota {dimensions = array<i32: 0>} : vector<16xi32>
        %add3A_343 = arith.addi %iota3A, %scan3A_342 : vector<16xi32>
        %broadcast_in_dim3A_344 = arith.constant 0 : i32
        %broadcast_in_dim3A_345 = vector.broadcast %broadcast_in_dim3A_344 : i32 to vector<16xi32>
        %broadcast_in_dim3A_346 = arith.constant 0 : i32
        %broadcast_in_dim3A_347 = vector.broadcast %broadcast_in_dim3A_346 : i32 to vector<16xi32>
        %scan3A_348 = arith.constant 0 : i32
        %scan3A_349 = arith.constant 64 : i32
        %scan3A_350 = arith.addi %scan3A_348, %scan3A_349 : i32
        %scan3A_351 = arith.constant 1 : i32
        %scan3A_352:2 = scf.for %scan3A_364 = %scan3A_348 to %scan3A_350 step %scan3A_351 iter_args(%scan3A_365 = %broadcast_in_dim3A_345, %scan3A_366 = %broadcast_in_dim3A_347) -> (vector<16xi32>, vector<16xi32>)  : i32 {
          %gather3A_367 = tpu.vector_load_idx %arg19[%scan3A_366] : memref<64xi32, #tpu.memory_space<vmem>>[vector<16xi32>], vector<16xi32>,
          %le3A = arith.cmpi sle, %gather3A_367, %add3A_343 : vector<16xi32>
          %convert_element_type3A_368 = arith.extui %le3A : vector<16xi1> to vector<16xi32>
          %add3A_369 = arith.addi %scan3A_365, %convert_element_type3A_368 : vector<16xi32>
          %add3A_370 = arith.constant 1 : i32
          %add3A_371 = vector.broadcast %add3A_370 : i32 to vector<16xi32>
          %add3A_372 = arith.addi %scan3A_366, %add3A_371 : vector<16xi32>
          scf.yield %add3A_369, %add3A_372 : vector<16xi32>, vector<16xi32>
        }
        %scan3A_353 = arith.constant 64 : i32
        %sub3A_354 = arith.constant 1 : i32
        %sub3A_355 = vector.broadcast %sub3A_354 : i32 to vector<16xi32>
        %sub3A_356 = arith.subi %scan3A_352#0, %sub3A_355 : vector<16xi32>
        %mul3A_357 = arith.constant 16 : i32
        %mul3A_358 = arith.muli %scan3A_341, %mul3A_357 : i32
        %swap3A_359 = arith.index_cast %mul3A_358 : i32 to index
        %swap3A_360 = tpu.vector_load %arg23[%swap3A_359] {strides = array<i32>} : memref<128xi32, #tpu.memory_space<vmem>>, vector<16xi32>,
        tpu.vector_store %arg23[%swap3A_359], %sub3A_356 {strides = array<i32>} : memref<128xi32, #tpu.memory_space<vmem>>, vector<16xi32>,
        %add3A_361 = arith.constant 16 : i32
        %add3A_362 = vector.broadcast %add3A_361 : i32 to vector<16xi32>
        %add3A_363 = arith.addi %scan3A_342, %add3A_362 : vector<16xi32>
        scf.yield %add3A_363 : vector<16xi32>
      }
      %scan3A_334 = arith.constant 8 : i32
      %broadcast_in_dim3A_335 = arith.constant 63 : i32
      %broadcast_in_dim3A_336 = vector.broadcast %broadcast_in_dim3A_335 : i32 to vector<16xi32>
      %gather3A = tpu.vector_load_idx %arg19[%broadcast_in_dim3A_336] : memref<64xi32, #tpu.memory_space<vmem>>[vector<16xi32>], vector<16xi32>,
      %gather3A_337 = tpu.vector_load_idx %arg18[%broadcast_in_dim3A_336] : memref<64xi32, #tpu.memory_space<vmem>>[vector<16xi32>], vector<16xi32>,
      %add3A_338 = arith.addi %gather3A, %gather3A_337 : vector<16xi32>
      %swap3A_339 = arith.constant 0 : index
      %swap3A_340 = tpu.vector_load %arg24[%swap3A_339] {strides = array<i32>} : memref<16xi32, #tpu.memory_space<vmem>>, vector<16xi32>,
      tpu.vector_store %arg24[%swap3A_339], %add3A_338 {strides = array<i32>} : memref<16xi32, #tpu.memory_space<vmem>>, vector<16xi32>,
      "tpu.region"() ({
        %run_scoped3A_341 = tpu.sem_alloc : memref<!tpu.dma_semaphore, #tpu.memory_space<semaphore_mem>>
        tpu.enqueue_dma source(%arg23 : memref<128xi32, #tpu.memory_space<vmem>>) target(%arg9 : memref<128xi32, #tpu.memory_space<hbm>>) target_semaphore(%run_scoped3A_341 : memref<!tpu.dma_semaphore, #tpu.memory_space<semaphore_mem>>)
        tpu.wait_dma2 semaphore(%run_scoped3A_341 : memref<!tpu.dma_semaphore, #tpu.memory_space<semaphore_mem>>) src(%arg23 : memref<128xi32, #tpu.memory_space<vmem>>) dst(%arg9 : memref<128xi32, #tpu.memory_space<hbm>>)
        tpu.yield
      }) : () -> ()
      "tpu.region"() ({
        %run_scoped3A_341 = tpu.sem_alloc : memref<!tpu.dma_semaphore, #tpu.memory_space<semaphore_mem>>
        tpu.enqueue_dma source(%arg24 : memref<16xi32, #tpu.memory_space<vmem>>) target(%arg10 : memref<16xi32, #tpu.memory_space<hbm>>) target_semaphore(%run_scoped3A_341 : memref<!tpu.dma_semaphore, #tpu.memory_space<semaphore_mem>>)
        tpu.wait_dma2 semaphore(%run_scoped3A_341 : memref<!tpu.dma_semaphore, #tpu.memory_space<semaphore_mem>>) src(%arg24 : memref<16xi32, #tpu.memory_space<vmem>>) dst(%arg10 : memref<16xi32, #tpu.memory_space<hbm>>)
        tpu.yield
      }) : () -> ()
    } else {
    }
    return
  }
}

module attributes {stable_mosaic.version = 14 : i64} {
  func.func @_mlp_kernel(%arg0: i32, %arg1: memref<128xi32, #tpu.memory_space<smem>>, %arg2: memref<16xi32, #tpu.memory_space<smem>>, %arg3: memref<8x1024xf32, #tpu.memory_space<vmem>>, %arg4: memref<32x8xf32, #tpu.memory_space<vmem>>, %arg5: memref<16x8xf32, #tpu.memory_space<vmem>>, %arg6: memref<1x5x32x32xf32, #tpu.memory_space<vmem>>, %arg7: memref<1x2x32x16xf32, #tpu.memory_space<vmem>>, %arg8: memref<1x2x32x8xf32, #tpu.memory_space<vmem>>, %arg9: memref<1x4x32x1xf32, #tpu.memory_space<vmem>>, %arg10: memref<1x4x32xf32, #tpu.memory_space<vmem>>, %arg11: memref<1x4x1xf32, #tpu.memory_space<vmem>>, %arg12: memref<1x5x32x32xf32, #tpu.memory_space<vmem>>, %arg13: memref<1x2x32x16xf32, #tpu.memory_space<vmem>>, %arg14: memref<1x2x32x8xf32, #tpu.memory_space<vmem>>, %arg15: memref<1x4x32x1xf32, #tpu.memory_space<vmem>>, %arg16: memref<1x4x32xf32, #tpu.memory_space<vmem>>, %arg17: memref<1x4x1xf32, #tpu.memory_space<vmem>>, %arg18: memref<1x5x32x32xf32, #tpu.memory_space<vmem>>, %arg19: memref<1x2x32x16xf32, #tpu.memory_space<vmem>>, %arg20: memref<1x2x32x8xf32, #tpu.memory_space<vmem>>, %arg21: memref<1x4x32x1xf32, #tpu.memory_space<vmem>>, %arg22: memref<1x4x32xf32, #tpu.memory_space<vmem>>, %arg23: memref<1x4x1xf32, #tpu.memory_space<vmem>>, %arg24: memref<1x5x32x32xf32, #tpu.memory_space<vmem>>, %arg25: memref<1x2x32x16xf32, #tpu.memory_space<vmem>>, %arg26: memref<1x2x32x8xf32, #tpu.memory_space<vmem>>, %arg27: memref<1x4x32x1xf32, #tpu.memory_space<vmem>>, %arg28: memref<1x4x32xf32, #tpu.memory_space<vmem>>, %arg29: memref<1x4x1xf32, #tpu.memory_space<vmem>>, %arg30: memref<8x1024xf32, #tpu.memory_space<vmem>>) attributes {dimension_semantics = [#tpu.dimension_semantics<arbitrary>], iteration_bounds = array<i64: 32>, scalar_prefetch = 2 : i64, scratch_operands = 0 : i64, tpu.core_type = #tpu.core_type<tc>, window_params = [{transform_indices = @transform_0, window_bounds = array<i64: 8, 1024>}, {pipeline_mode = #tpu.pipeline_mode<synchronous>, transform_indices = @transform_1, window_bounds = array<i64: 32, 8>}, {pipeline_mode = #tpu.pipeline_mode<synchronous>, transform_indices = @transform_2, window_bounds = array<i64: 16, 8>}, {transform_indices = @transform_3, window_bounds = array<i64: 1, 5, 32, 32>}, {transform_indices = @transform_4, window_bounds = array<i64: 1, 2, 32, 16>}, {transform_indices = @transform_5, window_bounds = array<i64: 1, 2, 32, 8>}, {transform_indices = @transform_6, window_bounds = array<i64: 1, 4, 32, 1>}, {transform_indices = @transform_7, window_bounds = array<i64: 1, 4, 32>}, {transform_indices = @transform_8, window_bounds = array<i64: 1, 4, 1>}, {transform_indices = @transform_9, window_bounds = array<i64: 1, 5, 32, 32>}, {transform_indices = @transform_10, window_bounds = array<i64: 1, 2, 32, 16>}, {transform_indices = @transform_11, window_bounds = array<i64: 1, 2, 32, 8>}, {transform_indices = @transform_12, window_bounds = array<i64: 1, 4, 32, 1>}, {transform_indices = @transform_13, window_bounds = array<i64: 1, 4, 32>}, {transform_indices = @transform_14, window_bounds = array<i64: 1, 4, 1>}, {transform_indices = @transform_15, window_bounds = array<i64: 1, 5, 32, 32>}, {transform_indices = @transform_16, window_bounds = array<i64: 1, 2, 32, 16>}, {transform_indices = @transform_17, window_bounds = array<i64: 1, 2, 32, 8>}, {transform_indices = @transform_18, window_bounds = array<i64: 1, 4, 32, 1>}, {transform_indices = @transform_19, window_bounds = array<i64: 1, 4, 32>}, {transform_indices = @transform_20, window_bounds = array<i64: 1, 4, 1>}, {transform_indices = @transform_21, window_bounds = array<i64: 1, 5, 32, 32>}, {transform_indices = @transform_22, window_bounds = array<i64: 1, 2, 32, 16>}, {transform_indices = @transform_23, window_bounds = array<i64: 1, 2, 32, 8>}, {transform_indices = @transform_24, window_bounds = array<i64: 1, 4, 32, 1>}, {transform_indices = @transform_25, window_bounds = array<i64: 1, 4, 32>}, {transform_indices = @transform_26, window_bounds = array<i64: 1, 4, 1>}, {transform_indices = @transform_27, window_bounds = array<i64: 8, 1024>}]} {
    %get3A = arith.constant 0 : index
    %get3A_0 = arith.constant 0 : index
    %get3A_1 = vector.load %arg4[%get3A, %get3A_0] : memref<32x8xf32, #tpu.memory_space<vmem>>, vector<32x8xf32>
    %get3A_2 = arith.constant 0 : index
    %get3A_3 = arith.constant 0 : index
    %get3A_4 = vector.load %arg5[%get3A_2, %get3A_3] : memref<16x8xf32, #tpu.memory_space<vmem>>, vector<16x8xf32>
    %mul3A = arith.constant 4 : i32
    %mul3A_5 = arith.muli %arg0, %mul3A : i32
    %get3A_6 = arith.constant 0 : index
    %get3A_7 = memref.load %arg2[%get3A_6] : memref<16xi32, #tpu.memory_space<smem>>
    %lt3A = arith.cmpi slt, %mul3A_5, %get3A_7 : i32
    %convert_element_type3A = arith.extui %lt3A : i1 to i32
    %cond3A = arith.constant 0 : i32
    %cond3A_8 = arith.cmpi ne, %convert_element_type3A, %cond3A : i32
    scf.if %cond3A_8 {
      %get3A_9 = arith.constant 0 : index
      %get3A_10 = arith.constant 0 : index
      %get3A_11 = vector.load %arg3[%get3A_9, %get3A_10] : memref<8x1024xf32, #tpu.memory_space<vmem>>, vector<8x1024xf32>
      %dot_general3A = arith.constant dense<0.000000e+00> : vector<32x1024xf32>
      %dot_general3A_12 = tpu.matmul %get3A_1, %get3A_11, %dot_general3A {dimension_numbers = #tpu.dot_dimension_numbers<[1], [0], [0], [1], [0, 0, 1, 1], [], []>, precision = #tpu.contract_precision<fp32>, transpose_lhs_hint = false} : vector<32x8xf32>, vector<8x1024xf32>, vector<32x1024xf32> -> vector<32x1024xf32>
      %dot_general3A_13 = arith.constant dense<0.000000e+00> : vector<16x1024xf32>
      %dot_general3A_14 = tpu.matmul %get3A_4, %get3A_11, %dot_general3A_13 {dimension_numbers = #tpu.dot_dimension_numbers<[1], [0], [0], [1], [0, 0, 1, 1], [], []>, precision = #tpu.contract_precision<fp32>, transpose_lhs_hint = false} : vector<16x8xf32>, vector<8x1024xf32>, vector<16x1024xf32> -> vector<16x1024xf32>
      %sin3A = math.sin %dot_general3A_12 : vector<32x1024xf32>
      %cos3A = math.cos %dot_general3A_12 : vector<32x1024xf32>
      %sin3A_15 = math.sin %dot_general3A_14 : vector<16x1024xf32>
      %cos3A_16 = math.cos %dot_general3A_14 : vector<16x1024xf32>
      %slice3A = vector.extract_strided_slice %get3A_11 {offsets = [0, 0], sizes = [8, 256], strides = [1, 1]} : vector<8x1024xf32> to vector<8x256xf32>
      %slice3A_17 = vector.extract_strided_slice %sin3A {offsets = [0, 0], sizes = [32, 256], strides = [1, 1]} : vector<32x1024xf32> to vector<32x256xf32>
      %slice3A_18 = vector.extract_strided_slice %cos3A {offsets = [0, 0], sizes = [32, 256], strides = [1, 1]} : vector<32x1024xf32> to vector<32x256xf32>
      %slice3A_19 = vector.extract_strided_slice %sin3A_15 {offsets = [0, 0], sizes = [16, 256], strides = [1, 1]} : vector<16x1024xf32> to vector<16x256xf32>
      %slice3A_20 = vector.extract_strided_slice %cos3A_16 {offsets = [0, 0], sizes = [16, 256], strides = [1, 1]} : vector<16x1024xf32> to vector<16x256xf32>
      %get3A_21 = arith.constant 0 : index
      %get3A_22 = arith.constant 0 : index
      %get3A_23 = arith.constant 0 : index
      %get3A_24 = arith.constant 0 : index
      %get3A_25 = vector.load %arg6[%get3A_21, %get3A_22, %get3A_23, %get3A_24] : memref<1x5x32x32xf32, #tpu.memory_space<vmem>>, vector<1x5x32x32xf32>
      %get3A_26 = vector.shape_cast %get3A_25 : vector<1x5x32x32xf32> to vector<5x32x32xf32>
      %get3A_27 = arith.constant 0 : index
      %get3A_28 = arith.constant 0 : index
      %get3A_29 = arith.constant 0 : index
      %get3A_30 = arith.constant 0 : index
      %get3A_31 = vector.load %arg7[%get3A_27, %get3A_28, %get3A_29, %get3A_30] : memref<1x2x32x16xf32, #tpu.memory_space<vmem>>, vector<1x2x32x16xf32>
      %get3A_32 = vector.shape_cast %get3A_31 : vector<1x2x32x16xf32> to vector<2x32x16xf32>
      %get3A_33 = arith.constant 0 : index
      %get3A_34 = arith.constant 0 : index
      %get3A_35 = arith.constant 0 : index
      %get3A_36 = arith.constant 0 : index
      %get3A_37 = vector.load %arg8[%get3A_33, %get3A_34, %get3A_35, %get3A_36] : memref<1x2x32x8xf32, #tpu.memory_space<vmem>>, vector<1x2x32x8xf32>
      %get3A_38 = vector.shape_cast %get3A_37 : vector<1x2x32x8xf32> to vector<2x32x8xf32>
      %get3A_39 = arith.constant 0 : index
      %get3A_40 = arith.constant 0 : index
      %get3A_41 = arith.constant 0 : index
      %get3A_42 = arith.constant 0 : index
      %get3A_43 = vector.load %arg9[%get3A_39, %get3A_40, %get3A_41, %get3A_42] : memref<1x4x32x1xf32, #tpu.memory_space<vmem>>, vector<1x4x32x1xf32>
      %get3A_44 = vector.shape_cast %get3A_43 : vector<1x4x32x1xf32> to vector<4x32x1xf32>
      %get3A_45 = arith.constant 0 : index
      %get3A_46 = arith.constant 0 : index
      %get3A_47 = arith.constant 0 : index
      %get3A_48 = vector.load %arg10[%get3A_45, %get3A_46, %get3A_47] : memref<1x4x32xf32, #tpu.memory_space<vmem>>, vector<1x4x32xf32>
      %get3A_49 = vector.shape_cast %get3A_48 : vector<1x4x32xf32> to vector<4x32xf32>
      %get3A_50 = arith.constant 0 : index
      %get3A_51 = arith.constant 0 : index
      %get3A_52 = arith.constant 0 : index
      %get3A_53 = vector.load %arg11[%get3A_50, %get3A_51, %get3A_52] : memref<1x4x1xf32, #tpu.memory_space<vmem>>, vector<1x4x1xf32>
      %get3A_54 = vector.shape_cast %get3A_53 : vector<1x4x1xf32> to vector<4x1xf32>
      %slice3A_55 = vector.extract_strided_slice %get3A_38 {offsets = [0, 0, 0], sizes = [1, 32, 8], strides = [1, 1, 1]} : vector<2x32x8xf32> to vector<1x32x8xf32>
      %squeeze3A = vector.shape_cast %slice3A_55 : vector<1x32x8xf32> to vector<32x8xf32>
      %dot_general3A_56 = arith.constant dense<0.000000e+00> : vector<32x256xf32>
      %dot_general3A_57 = tpu.matmul %squeeze3A, %slice3A, %dot_general3A_56 {dimension_numbers = #tpu.dot_dimension_numbers<[1], [0], [0], [1], [0, 0, 1, 1], [], []>, transpose_lhs_hint = false} : vector<32x8xf32>, vector<8x256xf32>, vector<32x256xf32> -> vector<32x256xf32>
      %slice3A_58 = vector.extract_strided_slice %get3A_26 {offsets = [0, 0, 0], sizes = [1, 32, 32], strides = [1, 1, 1]} : vector<5x32x32xf32> to vector<1x32x32xf32>
      %squeeze3A_59 = vector.shape_cast %slice3A_58 : vector<1x32x32xf32> to vector<32x32xf32>
      %dot_general3A_60 = arith.constant dense<0.000000e+00> : vector<32x256xf32>
      %dot_general3A_61 = tpu.matmul %squeeze3A_59, %slice3A_17, %dot_general3A_60 {dimension_numbers = #tpu.dot_dimension_numbers<[1], [0], [0], [1], [0, 0, 1, 1], [], []>, transpose_lhs_hint = false} : vector<32x32xf32>, vector<32x256xf32>, vector<32x256xf32> -> vector<32x256xf32>
      %add3A = arith.addf %dot_general3A_57, %dot_general3A_61 : vector<32x256xf32>
      %slice3A_62 = vector.extract_strided_slice %get3A_26 {offsets = [1, 0, 0], sizes = [1, 32, 32], strides = [1, 1, 1]} : vector<5x32x32xf32> to vector<1x32x32xf32>
      %squeeze3A_63 = vector.shape_cast %slice3A_62 : vector<1x32x32xf32> to vector<32x32xf32>
      %dot_general3A_64 = arith.constant dense<0.000000e+00> : vector<32x256xf32>
      %dot_general3A_65 = tpu.matmul %squeeze3A_63, %slice3A_18, %dot_general3A_64 {dimension_numbers = #tpu.dot_dimension_numbers<[1], [0], [0], [1], [0, 0, 1, 1], [], []>, transpose_lhs_hint = false} : vector<32x32xf32>, vector<32x256xf32>, vector<32x256xf32> -> vector<32x256xf32>
      %add3A_66 = arith.addf %add3A, %dot_general3A_65 : vector<32x256xf32>
      %slice3A_67 = vector.extract_strided_slice %get3A_44 {offsets = [0, 0, 0], sizes = [1, 32, 1], strides = [1, 1, 1]} : vector<4x32x1xf32> to vector<1x32x1xf32>
      %squeeze3A_68 = vector.shape_cast %slice3A_67 : vector<1x32x1xf32> to vector<32x1xf32>
      %add3A_69 = vector.broadcast %squeeze3A_68 : vector<32x1xf32> to vector<32x256xf32>
      %add3A_70 = arith.addf %add3A_66, %add3A_69 : vector<32x256xf32>
      %max3A = arith.constant 0.000000e+00 : f32
      %max3A_71 = vector.broadcast %max3A : f32 to vector<32x256xf32>
      %max3A_72 = arith.maximumf %add3A_70, %max3A_71 : vector<32x256xf32>
      %slice3A_73 = vector.extract_strided_slice %get3A_26 {offsets = [2, 0, 0], sizes = [1, 32, 32], strides = [1, 1, 1]} : vector<5x32x32xf32> to vector<1x32x32xf32>
      %squeeze3A_74 = vector.shape_cast %slice3A_73 : vector<1x32x32xf32> to vector<32x32xf32>
      %dot_general3A_75 = arith.constant dense<0.000000e+00> : vector<32x256xf32>
      %dot_general3A_76 = tpu.matmul %squeeze3A_74, %max3A_72, %dot_general3A_75 {dimension_numbers = #tpu.dot_dimension_numbers<[1], [0], [0], [1], [0, 0, 1, 1], [], []>, transpose_lhs_hint = false} : vector<32x32xf32>, vector<32x256xf32>, vector<32x256xf32> -> vector<32x256xf32>
      %slice3A_77 = vector.extract_strided_slice %get3A_44 {offsets = [1, 0, 0], sizes = [1, 32, 1], strides = [1, 1, 1]} : vector<4x32x1xf32> to vector<1x32x1xf32>
      %squeeze3A_78 = vector.shape_cast %slice3A_77 : vector<1x32x1xf32> to vector<32x1xf32>
      %add3A_79 = vector.broadcast %squeeze3A_78 : vector<32x1xf32> to vector<32x256xf32>
      %add3A_80 = arith.addf %dot_general3A_76, %add3A_79 : vector<32x256xf32>
      %max3A_81 = arith.constant 0.000000e+00 : f32
      %max3A_82 = vector.broadcast %max3A_81 : f32 to vector<32x256xf32>
      %max3A_83 = arith.maximumf %add3A_80, %max3A_82 : vector<32x256xf32>
      %slice3A_84 = vector.extract_strided_slice %get3A_49 {offsets = [0, 0], sizes = [1, 32], strides = [1, 1]} : vector<4x32xf32> to vector<1x32xf32>
      %dot_general3A_85 = arith.constant dense<0.000000e+00> : vector<1x256xf32>
      %dot_general3A_86 = tpu.matmul %slice3A_84, %max3A_83, %dot_general3A_85 {dimension_numbers = #tpu.dot_dimension_numbers<[1], [0], [0], [1], [0, 0, 1, 1], [], []>, transpose_lhs_hint = false} : vector<1x32xf32>, vector<32x256xf32>, vector<1x256xf32> -> vector<1x256xf32>
      %slice3A_87 = vector.extract_strided_slice %get3A_54 {offsets = [0, 0], sizes = [1, 1], strides = [1, 1]} : vector<4x1xf32> to vector<1x1xf32>
      %add3A_88 = vector.broadcast %slice3A_87 : vector<1x1xf32> to vector<1x256xf32>
      %add3A_89 = arith.addf %dot_general3A_86, %add3A_88 : vector<1x256xf32>
      %slice3A_90 = vector.extract_strided_slice %get3A_26 {offsets = [3, 0, 0], sizes = [1, 32, 32], strides = [1, 1, 1]} : vector<5x32x32xf32> to vector<1x32x32xf32>
      %squeeze3A_91 = vector.shape_cast %slice3A_90 : vector<1x32x32xf32> to vector<32x32xf32>
      %dot_general3A_92 = arith.constant dense<0.000000e+00> : vector<32x256xf32>
      %dot_general3A_93 = tpu.matmul %squeeze3A_91, %max3A_83, %dot_general3A_92 {dimension_numbers = #tpu.dot_dimension_numbers<[1], [0], [0], [1], [0, 0, 1, 1], [], []>, transpose_lhs_hint = false} : vector<32x32xf32>, vector<32x256xf32>, vector<32x256xf32> -> vector<32x256xf32>
      %slice3A_94 = vector.extract_strided_slice %get3A_44 {offsets = [2, 0, 0], sizes = [1, 32, 1], strides = [1, 1, 1]} : vector<4x32x1xf32> to vector<1x32x1xf32>
      %squeeze3A_95 = vector.shape_cast %slice3A_94 : vector<1x32x1xf32> to vector<32x1xf32>
      %add3A_96 = vector.broadcast %squeeze3A_95 : vector<32x1xf32> to vector<32x256xf32>
      %add3A_97 = arith.addf %dot_general3A_93, %add3A_96 : vector<32x256xf32>
      %slice3A_98 = vector.extract_strided_slice %get3A_26 {offsets = [4, 0, 0], sizes = [1, 32, 32], strides = [1, 1, 1]} : vector<5x32x32xf32> to vector<1x32x32xf32>
      %squeeze3A_99 = vector.shape_cast %slice3A_98 : vector<1x32x32xf32> to vector<32x32xf32>
      %dot_general3A_100 = arith.constant dense<0.000000e+00> : vector<32x256xf32>
      %dot_general3A_101 = tpu.matmul %squeeze3A_99, %add3A_97, %dot_general3A_100 {dimension_numbers = #tpu.dot_dimension_numbers<[1], [0], [0], [1], [0, 0, 1, 1], [], []>, transpose_lhs_hint = false} : vector<32x32xf32>, vector<32x256xf32>, vector<32x256xf32> -> vector<32x256xf32>
      %slice3A_102 = vector.extract_strided_slice %get3A_38 {offsets = [1, 0, 0], sizes = [1, 32, 8], strides = [1, 1, 1]} : vector<2x32x8xf32> to vector<1x32x8xf32>
      %squeeze3A_103 = vector.shape_cast %slice3A_102 : vector<1x32x8xf32> to vector<32x8xf32>
      %dot_general3A_104 = arith.constant dense<0.000000e+00> : vector<32x256xf32>
      %dot_general3A_105 = tpu.matmul %squeeze3A_103, %slice3A, %dot_general3A_104 {dimension_numbers = #tpu.dot_dimension_numbers<[1], [0], [0], [1], [0, 0, 1, 1], [], []>, transpose_lhs_hint = false} : vector<32x8xf32>, vector<8x256xf32>, vector<32x256xf32> -> vector<32x256xf32>
      %add3A_106 = arith.addf %dot_general3A_101, %dot_general3A_105 : vector<32x256xf32>
      %slice3A_107 = vector.extract_strided_slice %get3A_32 {offsets = [0, 0, 0], sizes = [1, 32, 16], strides = [1, 1, 1]} : vector<2x32x16xf32> to vector<1x32x16xf32>
      %squeeze3A_108 = vector.shape_cast %slice3A_107 : vector<1x32x16xf32> to vector<32x16xf32>
      %dot_general3A_109 = arith.constant dense<0.000000e+00> : vector<32x256xf32>
      %dot_general3A_110 = tpu.matmul %squeeze3A_108, %slice3A_19, %dot_general3A_109 {dimension_numbers = #tpu.dot_dimension_numbers<[1], [0], [0], [1], [0, 0, 1, 1], [], []>, transpose_lhs_hint = false} : vector<32x16xf32>, vector<16x256xf32>, vector<32x256xf32> -> vector<32x256xf32>
      %add3A_111 = arith.addf %add3A_106, %dot_general3A_110 : vector<32x256xf32>
      %slice3A_112 = vector.extract_strided_slice %get3A_32 {offsets = [1, 0, 0], sizes = [1, 32, 16], strides = [1, 1, 1]} : vector<2x32x16xf32> to vector<1x32x16xf32>
      %squeeze3A_113 = vector.shape_cast %slice3A_112 : vector<1x32x16xf32> to vector<32x16xf32>
      %dot_general3A_114 = arith.constant dense<0.000000e+00> : vector<32x256xf32>
      %dot_general3A_115 = tpu.matmul %squeeze3A_113, %slice3A_20, %dot_general3A_114 {dimension_numbers = #tpu.dot_dimension_numbers<[1], [0], [0], [1], [0, 0, 1, 1], [], []>, transpose_lhs_hint = false} : vector<32x16xf32>, vector<16x256xf32>, vector<32x256xf32> -> vector<32x256xf32>
      %add3A_116 = arith.addf %add3A_111, %dot_general3A_115 : vector<32x256xf32>
      %slice3A_117 = vector.extract_strided_slice %get3A_44 {offsets = [3, 0, 0], sizes = [1, 32, 1], strides = [1, 1, 1]} : vector<4x32x1xf32> to vector<1x32x1xf32>
      %squeeze3A_118 = vector.shape_cast %slice3A_117 : vector<1x32x1xf32> to vector<32x1xf32>
      %add3A_119 = vector.broadcast %squeeze3A_118 : vector<32x1xf32> to vector<32x256xf32>
      %add3A_120 = arith.addf %add3A_116, %add3A_119 : vector<32x256xf32>
      %max3A_121 = arith.constant 0.000000e+00 : f32
      %max3A_122 = vector.broadcast %max3A_121 : f32 to vector<32x256xf32>
      %max3A_123 = arith.maximumf %add3A_120, %max3A_122 : vector<32x256xf32>
      %slice3A_124 = vector.extract_strided_slice %get3A_49 {offsets = [1, 0], sizes = [3, 32], strides = [1, 1]} : vector<4x32xf32> to vector<3x32xf32>
      %dot_general3A_125 = arith.constant dense<0.000000e+00> : vector<3x256xf32>
      %dot_general3A_126 = tpu.matmul %slice3A_124, %max3A_123, %dot_general3A_125 {dimension_numbers = #tpu.dot_dimension_numbers<[1], [0], [0], [1], [0, 0, 1, 1], [], []>, transpose_lhs_hint = false} : vector<3x32xf32>, vector<32x256xf32>, vector<3x256xf32> -> vector<3x256xf32>
      %slice3A_127 = vector.extract_strided_slice %get3A_54 {offsets = [1, 0], sizes = [3, 1], strides = [1, 1]} : vector<4x1xf32> to vector<3x1xf32>
      %add3A_128 = vector.broadcast %slice3A_127 : vector<3x1xf32> to vector<3x256xf32>
      %add3A_129 = arith.addf %dot_general3A_126, %add3A_128 : vector<3x256xf32>
      %broadcast_in_dim3A = arith.constant 0.000000e+00 : f32
      %broadcast_in_dim3A_130 = vector.broadcast %broadcast_in_dim3A : f32 to vector<4x256xf32>
      %concatenate3A = tpu.concatenate %add3A_129, %add3A_89, %broadcast_in_dim3A_130 in 0 : vector<3x256xf32>, vector<1x256xf32>, vector<4x256xf32> -> vector<8x256xf32>
      %swap3A = arith.constant 0 : index
      %swap3A_131 = arith.constant 0 : index
      %swap3A_132 = vector.load %arg30[%swap3A, %swap3A_131] : memref<8x1024xf32, #tpu.memory_space<vmem>>, vector<8x256xf32>
      tpu.vector_store %arg30[%swap3A, %swap3A_131], %concatenate3A {strides = array<i32>} : memref<8x1024xf32, #tpu.memory_space<vmem>>, vector<8x256xf32>,
      %slice3A_133 = vector.extract_strided_slice %get3A_11 {offsets = [0, 256], sizes = [8, 256], strides = [1, 1]} : vector<8x1024xf32> to vector<8x256xf32>
      %slice3A_134 = vector.extract_strided_slice %sin3A {offsets = [0, 256], sizes = [32, 256], strides = [1, 1]} : vector<32x1024xf32> to vector<32x256xf32>
      %slice3A_135 = vector.extract_strided_slice %cos3A {offsets = [0, 256], sizes = [32, 256], strides = [1, 1]} : vector<32x1024xf32> to vector<32x256xf32>
      %slice3A_136 = vector.extract_strided_slice %sin3A_15 {offsets = [0, 256], sizes = [16, 256], strides = [1, 1]} : vector<16x1024xf32> to vector<16x256xf32>
      %slice3A_137 = vector.extract_strided_slice %cos3A_16 {offsets = [0, 256], sizes = [16, 256], strides = [1, 1]} : vector<16x1024xf32> to vector<16x256xf32>
      %get3A_138 = arith.constant 0 : index
      %get3A_139 = arith.constant 0 : index
      %get3A_140 = arith.constant 0 : index
      %get3A_141 = arith.constant 0 : index
      %get3A_142 = vector.load %arg12[%get3A_138, %get3A_139, %get3A_140, %get3A_141] : memref<1x5x32x32xf32, #tpu.memory_space<vmem>>, vector<1x5x32x32xf32>
      %get3A_143 = vector.shape_cast %get3A_142 : vector<1x5x32x32xf32> to vector<5x32x32xf32>
      %get3A_144 = arith.constant 0 : index
      %get3A_145 = arith.constant 0 : index
      %get3A_146 = arith.constant 0 : index
      %get3A_147 = arith.constant 0 : index
      %get3A_148 = vector.load %arg13[%get3A_144, %get3A_145, %get3A_146, %get3A_147] : memref<1x2x32x16xf32, #tpu.memory_space<vmem>>, vector<1x2x32x16xf32>
      %get3A_149 = vector.shape_cast %get3A_148 : vector<1x2x32x16xf32> to vector<2x32x16xf32>
      %get3A_150 = arith.constant 0 : index
      %get3A_151 = arith.constant 0 : index
      %get3A_152 = arith.constant 0 : index
      %get3A_153 = arith.constant 0 : index
      %get3A_154 = vector.load %arg14[%get3A_150, %get3A_151, %get3A_152, %get3A_153] : memref<1x2x32x8xf32, #tpu.memory_space<vmem>>, vector<1x2x32x8xf32>
      %get3A_155 = vector.shape_cast %get3A_154 : vector<1x2x32x8xf32> to vector<2x32x8xf32>
      %get3A_156 = arith.constant 0 : index
      %get3A_157 = arith.constant 0 : index
      %get3A_158 = arith.constant 0 : index
      %get3A_159 = arith.constant 0 : index
      %get3A_160 = vector.load %arg15[%get3A_156, %get3A_157, %get3A_158, %get3A_159] : memref<1x4x32x1xf32, #tpu.memory_space<vmem>>, vector<1x4x32x1xf32>
      %get3A_161 = vector.shape_cast %get3A_160 : vector<1x4x32x1xf32> to vector<4x32x1xf32>
      %get3A_162 = arith.constant 0 : index
      %get3A_163 = arith.constant 0 : index
      %get3A_164 = arith.constant 0 : index
      %get3A_165 = vector.load %arg16[%get3A_162, %get3A_163, %get3A_164] : memref<1x4x32xf32, #tpu.memory_space<vmem>>, vector<1x4x32xf32>
      %get3A_166 = vector.shape_cast %get3A_165 : vector<1x4x32xf32> to vector<4x32xf32>
      %get3A_167 = arith.constant 0 : index
      %get3A_168 = arith.constant 0 : index
      %get3A_169 = arith.constant 0 : index
      %get3A_170 = vector.load %arg17[%get3A_167, %get3A_168, %get3A_169] : memref<1x4x1xf32, #tpu.memory_space<vmem>>, vector<1x4x1xf32>
      %get3A_171 = vector.shape_cast %get3A_170 : vector<1x4x1xf32> to vector<4x1xf32>
      %slice3A_172 = vector.extract_strided_slice %get3A_155 {offsets = [0, 0, 0], sizes = [1, 32, 8], strides = [1, 1, 1]} : vector<2x32x8xf32> to vector<1x32x8xf32>
      %squeeze3A_173 = vector.shape_cast %slice3A_172 : vector<1x32x8xf32> to vector<32x8xf32>
      %dot_general3A_174 = arith.constant dense<0.000000e+00> : vector<32x256xf32>
      %dot_general3A_175 = tpu.matmul %squeeze3A_173, %slice3A_133, %dot_general3A_174 {dimension_numbers = #tpu.dot_dimension_numbers<[1], [0], [0], [1], [0, 0, 1, 1], [], []>, transpose_lhs_hint = false} : vector<32x8xf32>, vector<8x256xf32>, vector<32x256xf32> -> vector<32x256xf32>
      %slice3A_176 = vector.extract_strided_slice %get3A_143 {offsets = [0, 0, 0], sizes = [1, 32, 32], strides = [1, 1, 1]} : vector<5x32x32xf32> to vector<1x32x32xf32>
      %squeeze3A_177 = vector.shape_cast %slice3A_176 : vector<1x32x32xf32> to vector<32x32xf32>
      %dot_general3A_178 = arith.constant dense<0.000000e+00> : vector<32x256xf32>
      %dot_general3A_179 = tpu.matmul %squeeze3A_177, %slice3A_134, %dot_general3A_178 {dimension_numbers = #tpu.dot_dimension_numbers<[1], [0], [0], [1], [0, 0, 1, 1], [], []>, transpose_lhs_hint = false} : vector<32x32xf32>, vector<32x256xf32>, vector<32x256xf32> -> vector<32x256xf32>
      %add3A_180 = arith.addf %dot_general3A_175, %dot_general3A_179 : vector<32x256xf32>
      %slice3A_181 = vector.extract_strided_slice %get3A_143 {offsets = [1, 0, 0], sizes = [1, 32, 32], strides = [1, 1, 1]} : vector<5x32x32xf32> to vector<1x32x32xf32>
      %squeeze3A_182 = vector.shape_cast %slice3A_181 : vector<1x32x32xf32> to vector<32x32xf32>
      %dot_general3A_183 = arith.constant dense<0.000000e+00> : vector<32x256xf32>
      %dot_general3A_184 = tpu.matmul %squeeze3A_182, %slice3A_135, %dot_general3A_183 {dimension_numbers = #tpu.dot_dimension_numbers<[1], [0], [0], [1], [0, 0, 1, 1], [], []>, transpose_lhs_hint = false} : vector<32x32xf32>, vector<32x256xf32>, vector<32x256xf32> -> vector<32x256xf32>
      %add3A_185 = arith.addf %add3A_180, %dot_general3A_184 : vector<32x256xf32>
      %slice3A_186 = vector.extract_strided_slice %get3A_161 {offsets = [0, 0, 0], sizes = [1, 32, 1], strides = [1, 1, 1]} : vector<4x32x1xf32> to vector<1x32x1xf32>
      %squeeze3A_187 = vector.shape_cast %slice3A_186 : vector<1x32x1xf32> to vector<32x1xf32>
      %add3A_188 = vector.broadcast %squeeze3A_187 : vector<32x1xf32> to vector<32x256xf32>
      %add3A_189 = arith.addf %add3A_185, %add3A_188 : vector<32x256xf32>
      %max3A_190 = arith.constant 0.000000e+00 : f32
      %max3A_191 = vector.broadcast %max3A_190 : f32 to vector<32x256xf32>
      %max3A_192 = arith.maximumf %add3A_189, %max3A_191 : vector<32x256xf32>
      %slice3A_193 = vector.extract_strided_slice %get3A_143 {offsets = [2, 0, 0], sizes = [1, 32, 32], strides = [1, 1, 1]} : vector<5x32x32xf32> to vector<1x32x32xf32>
      %squeeze3A_194 = vector.shape_cast %slice3A_193 : vector<1x32x32xf32> to vector<32x32xf32>
      %dot_general3A_195 = arith.constant dense<0.000000e+00> : vector<32x256xf32>
      %dot_general3A_196 = tpu.matmul %squeeze3A_194, %max3A_192, %dot_general3A_195 {dimension_numbers = #tpu.dot_dimension_numbers<[1], [0], [0], [1], [0, 0, 1, 1], [], []>, transpose_lhs_hint = false} : vector<32x32xf32>, vector<32x256xf32>, vector<32x256xf32> -> vector<32x256xf32>
      %slice3A_197 = vector.extract_strided_slice %get3A_161 {offsets = [1, 0, 0], sizes = [1, 32, 1], strides = [1, 1, 1]} : vector<4x32x1xf32> to vector<1x32x1xf32>
      %squeeze3A_198 = vector.shape_cast %slice3A_197 : vector<1x32x1xf32> to vector<32x1xf32>
      %add3A_199 = vector.broadcast %squeeze3A_198 : vector<32x1xf32> to vector<32x256xf32>
      %add3A_200 = arith.addf %dot_general3A_196, %add3A_199 : vector<32x256xf32>
      %max3A_201 = arith.constant 0.000000e+00 : f32
      %max3A_202 = vector.broadcast %max3A_201 : f32 to vector<32x256xf32>
      %max3A_203 = arith.maximumf %add3A_200, %max3A_202 : vector<32x256xf32>
      %slice3A_204 = vector.extract_strided_slice %get3A_166 {offsets = [0, 0], sizes = [1, 32], strides = [1, 1]} : vector<4x32xf32> to vector<1x32xf32>
      %dot_general3A_205 = arith.constant dense<0.000000e+00> : vector<1x256xf32>
      %dot_general3A_206 = tpu.matmul %slice3A_204, %max3A_203, %dot_general3A_205 {dimension_numbers = #tpu.dot_dimension_numbers<[1], [0], [0], [1], [0, 0, 1, 1], [], []>, transpose_lhs_hint = false} : vector<1x32xf32>, vector<32x256xf32>, vector<1x256xf32> -> vector<1x256xf32>
      %slice3A_207 = vector.extract_strided_slice %get3A_171 {offsets = [0, 0], sizes = [1, 1], strides = [1, 1]} : vector<4x1xf32> to vector<1x1xf32>
      %add3A_208 = vector.broadcast %slice3A_207 : vector<1x1xf32> to vector<1x256xf32>
      %add3A_209 = arith.addf %dot_general3A_206, %add3A_208 : vector<1x256xf32>
      %slice3A_210 = vector.extract_strided_slice %get3A_143 {offsets = [3, 0, 0], sizes = [1, 32, 32], strides = [1, 1, 1]} : vector<5x32x32xf32> to vector<1x32x32xf32>
      %squeeze3A_211 = vector.shape_cast %slice3A_210 : vector<1x32x32xf32> to vector<32x32xf32>
      %dot_general3A_212 = arith.constant dense<0.000000e+00> : vector<32x256xf32>
      %dot_general3A_213 = tpu.matmul %squeeze3A_211, %max3A_203, %dot_general3A_212 {dimension_numbers = #tpu.dot_dimension_numbers<[1], [0], [0], [1], [0, 0, 1, 1], [], []>, transpose_lhs_hint = false} : vector<32x32xf32>, vector<32x256xf32>, vector<32x256xf32> -> vector<32x256xf32>
      %slice3A_214 = vector.extract_strided_slice %get3A_161 {offsets = [2, 0, 0], sizes = [1, 32, 1], strides = [1, 1, 1]} : vector<4x32x1xf32> to vector<1x32x1xf32>
      %squeeze3A_215 = vector.shape_cast %slice3A_214 : vector<1x32x1xf32> to vector<32x1xf32>
      %add3A_216 = vector.broadcast %squeeze3A_215 : vector<32x1xf32> to vector<32x256xf32>
      %add3A_217 = arith.addf %dot_general3A_213, %add3A_216 : vector<32x256xf32>
      %slice3A_218 = vector.extract_strided_slice %get3A_143 {offsets = [4, 0, 0], sizes = [1, 32, 32], strides = [1, 1, 1]} : vector<5x32x32xf32> to vector<1x32x32xf32>
      %squeeze3A_219 = vector.shape_cast %slice3A_218 : vector<1x32x32xf32> to vector<32x32xf32>
      %dot_general3A_220 = arith.constant dense<0.000000e+00> : vector<32x256xf32>
      %dot_general3A_221 = tpu.matmul %squeeze3A_219, %add3A_217, %dot_general3A_220 {dimension_numbers = #tpu.dot_dimension_numbers<[1], [0], [0], [1], [0, 0, 1, 1], [], []>, transpose_lhs_hint = false} : vector<32x32xf32>, vector<32x256xf32>, vector<32x256xf32> -> vector<32x256xf32>
      %slice3A_222 = vector.extract_strided_slice %get3A_155 {offsets = [1, 0, 0], sizes = [1, 32, 8], strides = [1, 1, 1]} : vector<2x32x8xf32> to vector<1x32x8xf32>
      %squeeze3A_223 = vector.shape_cast %slice3A_222 : vector<1x32x8xf32> to vector<32x8xf32>
      %dot_general3A_224 = arith.constant dense<0.000000e+00> : vector<32x256xf32>
      %dot_general3A_225 = tpu.matmul %squeeze3A_223, %slice3A_133, %dot_general3A_224 {dimension_numbers = #tpu.dot_dimension_numbers<[1], [0], [0], [1], [0, 0, 1, 1], [], []>, transpose_lhs_hint = false} : vector<32x8xf32>, vector<8x256xf32>, vector<32x256xf32> -> vector<32x256xf32>
      %add3A_226 = arith.addf %dot_general3A_221, %dot_general3A_225 : vector<32x256xf32>
      %slice3A_227 = vector.extract_strided_slice %get3A_149 {offsets = [0, 0, 0], sizes = [1, 32, 16], strides = [1, 1, 1]} : vector<2x32x16xf32> to vector<1x32x16xf32>
      %squeeze3A_228 = vector.shape_cast %slice3A_227 : vector<1x32x16xf32> to vector<32x16xf32>
      %dot_general3A_229 = arith.constant dense<0.000000e+00> : vector<32x256xf32>
      %dot_general3A_230 = tpu.matmul %squeeze3A_228, %slice3A_136, %dot_general3A_229 {dimension_numbers = #tpu.dot_dimension_numbers<[1], [0], [0], [1], [0, 0, 1, 1], [], []>, transpose_lhs_hint = false} : vector<32x16xf32>, vector<16x256xf32>, vector<32x256xf32> -> vector<32x256xf32>
      %add3A_231 = arith.addf %add3A_226, %dot_general3A_230 : vector<32x256xf32>
      %slice3A_232 = vector.extract_strided_slice %get3A_149 {offsets = [1, 0, 0], sizes = [1, 32, 16], strides = [1, 1, 1]} : vector<2x32x16xf32> to vector<1x32x16xf32>
      %squeeze3A_233 = vector.shape_cast %slice3A_232 : vector<1x32x16xf32> to vector<32x16xf32>
      %dot_general3A_234 = arith.constant dense<0.000000e+00> : vector<32x256xf32>
      %dot_general3A_235 = tpu.matmul %squeeze3A_233, %slice3A_137, %dot_general3A_234 {dimension_numbers = #tpu.dot_dimension_numbers<[1], [0], [0], [1], [0, 0, 1, 1], [], []>, transpose_lhs_hint = false} : vector<32x16xf32>, vector<16x256xf32>, vector<32x256xf32> -> vector<32x256xf32>
      %add3A_236 = arith.addf %add3A_231, %dot_general3A_235 : vector<32x256xf32>
      %slice3A_237 = vector.extract_strided_slice %get3A_161 {offsets = [3, 0, 0], sizes = [1, 32, 1], strides = [1, 1, 1]} : vector<4x32x1xf32> to vector<1x32x1xf32>
      %squeeze3A_238 = vector.shape_cast %slice3A_237 : vector<1x32x1xf32> to vector<32x1xf32>
      %add3A_239 = vector.broadcast %squeeze3A_238 : vector<32x1xf32> to vector<32x256xf32>
      %add3A_240 = arith.addf %add3A_236, %add3A_239 : vector<32x256xf32>
      %max3A_241 = arith.constant 0.000000e+00 : f32
      %max3A_242 = vector.broadcast %max3A_241 : f32 to vector<32x256xf32>
      %max3A_243 = arith.maximumf %add3A_240, %max3A_242 : vector<32x256xf32>
      %slice3A_244 = vector.extract_strided_slice %get3A_166 {offsets = [1, 0], sizes = [3, 32], strides = [1, 1]} : vector<4x32xf32> to vector<3x32xf32>
      %dot_general3A_245 = arith.constant dense<0.000000e+00> : vector<3x256xf32>
      %dot_general3A_246 = tpu.matmul %slice3A_244, %max3A_243, %dot_general3A_245 {dimension_numbers = #tpu.dot_dimension_numbers<[1], [0], [0], [1], [0, 0, 1, 1], [], []>, transpose_lhs_hint = false} : vector<3x32xf32>, vector<32x256xf32>, vector<3x256xf32> -> vector<3x256xf32>
      %slice3A_247 = vector.extract_strided_slice %get3A_171 {offsets = [1, 0], sizes = [3, 1], strides = [1, 1]} : vector<4x1xf32> to vector<3x1xf32>
      %add3A_248 = vector.broadcast %slice3A_247 : vector<3x1xf32> to vector<3x256xf32>
      %add3A_249 = arith.addf %dot_general3A_246, %add3A_248 : vector<3x256xf32>
      %broadcast_in_dim3A_250 = arith.constant 0.000000e+00 : f32
      %broadcast_in_dim3A_251 = vector.broadcast %broadcast_in_dim3A_250 : f32 to vector<4x256xf32>
      %concatenate3A_252 = tpu.concatenate %add3A_249, %add3A_209, %broadcast_in_dim3A_251 in 0 : vector<3x256xf32>, vector<1x256xf32>, vector<4x256xf32> -> vector<8x256xf32>
      %swap3A_253 = arith.constant 0 : index
      %swap3A_254 = arith.constant 256 : index
      %swap3A_255 = vector.load %arg30[%swap3A_253, %swap3A_254] : memref<8x1024xf32, #tpu.memory_space<vmem>>, vector<8x256xf32>
      tpu.vector_store %arg30[%swap3A_253, %swap3A_254], %concatenate3A_252 {strides = array<i32>} : memref<8x1024xf32, #tpu.memory_space<vmem>>, vector<8x256xf32>,
      %slice3A_256 = vector.extract_strided_slice %get3A_11 {offsets = [0, 512], sizes = [8, 256], strides = [1, 1]} : vector<8x1024xf32> to vector<8x256xf32>
      %slice3A_257 = vector.extract_strided_slice %sin3A {offsets = [0, 512], sizes = [32, 256], strides = [1, 1]} : vector<32x1024xf32> to vector<32x256xf32>
      %slice3A_258 = vector.extract_strided_slice %cos3A {offsets = [0, 512], sizes = [32, 256], strides = [1, 1]} : vector<32x1024xf32> to vector<32x256xf32>
      %slice3A_259 = vector.extract_strided_slice %sin3A_15 {offsets = [0, 512], sizes = [16, 256], strides = [1, 1]} : vector<16x1024xf32> to vector<16x256xf32>
      %slice3A_260 = vector.extract_strided_slice %cos3A_16 {offsets = [0, 512], sizes = [16, 256], strides = [1, 1]} : vector<16x1024xf32> to vector<16x256xf32>
      %get3A_261 = arith.constant 0 : index
      %get3A_262 = arith.constant 0 : index
      %get3A_263 = arith.constant 0 : index
      %get3A_264 = arith.constant 0 : index
      %get3A_265 = vector.load %arg18[%get3A_261, %get3A_262, %get3A_263, %get3A_264] : memref<1x5x32x32xf32, #tpu.memory_space<vmem>>, vector<1x5x32x32xf32>
      %get3A_266 = vector.shape_cast %get3A_265 : vector<1x5x32x32xf32> to vector<5x32x32xf32>
      %get3A_267 = arith.constant 0 : index
      %get3A_268 = arith.constant 0 : index
      %get3A_269 = arith.constant 0 : index
      %get3A_270 = arith.constant 0 : index
      %get3A_271 = vector.load %arg19[%get3A_267, %get3A_268, %get3A_269, %get3A_270] : memref<1x2x32x16xf32, #tpu.memory_space<vmem>>, vector<1x2x32x16xf32>
      %get3A_272 = vector.shape_cast %get3A_271 : vector<1x2x32x16xf32> to vector<2x32x16xf32>
      %get3A_273 = arith.constant 0 : index
      %get3A_274 = arith.constant 0 : index
      %get3A_275 = arith.constant 0 : index
      %get3A_276 = arith.constant 0 : index
      %get3A_277 = vector.load %arg20[%get3A_273, %get3A_274, %get3A_275, %get3A_276] : memref<1x2x32x8xf32, #tpu.memory_space<vmem>>, vector<1x2x32x8xf32>
      %get3A_278 = vector.shape_cast %get3A_277 : vector<1x2x32x8xf32> to vector<2x32x8xf32>
      %get3A_279 = arith.constant 0 : index
      %get3A_280 = arith.constant 0 : index
      %get3A_281 = arith.constant 0 : index
      %get3A_282 = arith.constant 0 : index
      %get3A_283 = vector.load %arg21[%get3A_279, %get3A_280, %get3A_281, %get3A_282] : memref<1x4x32x1xf32, #tpu.memory_space<vmem>>, vector<1x4x32x1xf32>
      %get3A_284 = vector.shape_cast %get3A_283 : vector<1x4x32x1xf32> to vector<4x32x1xf32>
      %get3A_285 = arith.constant 0 : index
      %get3A_286 = arith.constant 0 : index
      %get3A_287 = arith.constant 0 : index
      %get3A_288 = vector.load %arg22[%get3A_285, %get3A_286, %get3A_287] : memref<1x4x32xf32, #tpu.memory_space<vmem>>, vector<1x4x32xf32>
      %get3A_289 = vector.shape_cast %get3A_288 : vector<1x4x32xf32> to vector<4x32xf32>
      %get3A_290 = arith.constant 0 : index
      %get3A_291 = arith.constant 0 : index
      %get3A_292 = arith.constant 0 : index
      %get3A_293 = vector.load %arg23[%get3A_290, %get3A_291, %get3A_292] : memref<1x4x1xf32, #tpu.memory_space<vmem>>, vector<1x4x1xf32>
      %get3A_294 = vector.shape_cast %get3A_293 : vector<1x4x1xf32> to vector<4x1xf32>
      %slice3A_295 = vector.extract_strided_slice %get3A_278 {offsets = [0, 0, 0], sizes = [1, 32, 8], strides = [1, 1, 1]} : vector<2x32x8xf32> to vector<1x32x8xf32>
      %squeeze3A_296 = vector.shape_cast %slice3A_295 : vector<1x32x8xf32> to vector<32x8xf32>
      %dot_general3A_297 = arith.constant dense<0.000000e+00> : vector<32x256xf32>
      %dot_general3A_298 = tpu.matmul %squeeze3A_296, %slice3A_256, %dot_general3A_297 {dimension_numbers = #tpu.dot_dimension_numbers<[1], [0], [0], [1], [0, 0, 1, 1], [], []>, transpose_lhs_hint = false} : vector<32x8xf32>, vector<8x256xf32>, vector<32x256xf32> -> vector<32x256xf32>
      %slice3A_299 = vector.extract_strided_slice %get3A_266 {offsets = [0, 0, 0], sizes = [1, 32, 32], strides = [1, 1, 1]} : vector<5x32x32xf32> to vector<1x32x32xf32>
      %squeeze3A_300 = vector.shape_cast %slice3A_299 : vector<1x32x32xf32> to vector<32x32xf32>
      %dot_general3A_301 = arith.constant dense<0.000000e+00> : vector<32x256xf32>
      %dot_general3A_302 = tpu.matmul %squeeze3A_300, %slice3A_257, %dot_general3A_301 {dimension_numbers = #tpu.dot_dimension_numbers<[1], [0], [0], [1], [0, 0, 1, 1], [], []>, transpose_lhs_hint = false} : vector<32x32xf32>, vector<32x256xf32>, vector<32x256xf32> -> vector<32x256xf32>
      %add3A_303 = arith.addf %dot_general3A_298, %dot_general3A_302 : vector<32x256xf32>
      %slice3A_304 = vector.extract_strided_slice %get3A_266 {offsets = [1, 0, 0], sizes = [1, 32, 32], strides = [1, 1, 1]} : vector<5x32x32xf32> to vector<1x32x32xf32>
      %squeeze3A_305 = vector.shape_cast %slice3A_304 : vector<1x32x32xf32> to vector<32x32xf32>
      %dot_general3A_306 = arith.constant dense<0.000000e+00> : vector<32x256xf32>
      %dot_general3A_307 = tpu.matmul %squeeze3A_305, %slice3A_258, %dot_general3A_306 {dimension_numbers = #tpu.dot_dimension_numbers<[1], [0], [0], [1], [0, 0, 1, 1], [], []>, transpose_lhs_hint = false} : vector<32x32xf32>, vector<32x256xf32>, vector<32x256xf32> -> vector<32x256xf32>
      %add3A_308 = arith.addf %add3A_303, %dot_general3A_307 : vector<32x256xf32>
      %slice3A_309 = vector.extract_strided_slice %get3A_284 {offsets = [0, 0, 0], sizes = [1, 32, 1], strides = [1, 1, 1]} : vector<4x32x1xf32> to vector<1x32x1xf32>
      %squeeze3A_310 = vector.shape_cast %slice3A_309 : vector<1x32x1xf32> to vector<32x1xf32>
      %add3A_311 = vector.broadcast %squeeze3A_310 : vector<32x1xf32> to vector<32x256xf32>
      %add3A_312 = arith.addf %add3A_308, %add3A_311 : vector<32x256xf32>
      %max3A_313 = arith.constant 0.000000e+00 : f32
      %max3A_314 = vector.broadcast %max3A_313 : f32 to vector<32x256xf32>
      %max3A_315 = arith.maximumf %add3A_312, %max3A_314 : vector<32x256xf32>
      %slice3A_316 = vector.extract_strided_slice %get3A_266 {offsets = [2, 0, 0], sizes = [1, 32, 32], strides = [1, 1, 1]} : vector<5x32x32xf32> to vector<1x32x32xf32>
      %squeeze3A_317 = vector.shape_cast %slice3A_316 : vector<1x32x32xf32> to vector<32x32xf32>
      %dot_general3A_318 = arith.constant dense<0.000000e+00> : vector<32x256xf32>
      %dot_general3A_319 = tpu.matmul %squeeze3A_317, %max3A_315, %dot_general3A_318 {dimension_numbers = #tpu.dot_dimension_numbers<[1], [0], [0], [1], [0, 0, 1, 1], [], []>, transpose_lhs_hint = false} : vector<32x32xf32>, vector<32x256xf32>, vector<32x256xf32> -> vector<32x256xf32>
      %slice3A_320 = vector.extract_strided_slice %get3A_284 {offsets = [1, 0, 0], sizes = [1, 32, 1], strides = [1, 1, 1]} : vector<4x32x1xf32> to vector<1x32x1xf32>
      %squeeze3A_321 = vector.shape_cast %slice3A_320 : vector<1x32x1xf32> to vector<32x1xf32>
      %add3A_322 = vector.broadcast %squeeze3A_321 : vector<32x1xf32> to vector<32x256xf32>
      %add3A_323 = arith.addf %dot_general3A_319, %add3A_322 : vector<32x256xf32>
      %max3A_324 = arith.constant 0.000000e+00 : f32
      %max3A_325 = vector.broadcast %max3A_324 : f32 to vector<32x256xf32>
      %max3A_326 = arith.maximumf %add3A_323, %max3A_325 : vector<32x256xf32>
      %slice3A_327 = vector.extract_strided_slice %get3A_289 {offsets = [0, 0], sizes = [1, 32], strides = [1, 1]} : vector<4x32xf32> to vector<1x32xf32>
      %dot_general3A_328 = arith.constant dense<0.000000e+00> : vector<1x256xf32>
      %dot_general3A_329 = tpu.matmul %slice3A_327, %max3A_326, %dot_general3A_328 {dimension_numbers = #tpu.dot_dimension_numbers<[1], [0], [0], [1], [0, 0, 1, 1], [], []>, transpose_lhs_hint = false} : vector<1x32xf32>, vector<32x256xf32>, vector<1x256xf32> -> vector<1x256xf32>
      %slice3A_330 = vector.extract_strided_slice %get3A_294 {offsets = [0, 0], sizes = [1, 1], strides = [1, 1]} : vector<4x1xf32> to vector<1x1xf32>
      %add3A_331 = vector.broadcast %slice3A_330 : vector<1x1xf32> to vector<1x256xf32>
      %add3A_332 = arith.addf %dot_general3A_329, %add3A_331 : vector<1x256xf32>
      %slice3A_333 = vector.extract_strided_slice %get3A_266 {offsets = [3, 0, 0], sizes = [1, 32, 32], strides = [1, 1, 1]} : vector<5x32x32xf32> to vector<1x32x32xf32>
      %squeeze3A_334 = vector.shape_cast %slice3A_333 : vector<1x32x32xf32> to vector<32x32xf32>
      %dot_general3A_335 = arith.constant dense<0.000000e+00> : vector<32x256xf32>
      %dot_general3A_336 = tpu.matmul %squeeze3A_334, %max3A_326, %dot_general3A_335 {dimension_numbers = #tpu.dot_dimension_numbers<[1], [0], [0], [1], [0, 0, 1, 1], [], []>, transpose_lhs_hint = false} : vector<32x32xf32>, vector<32x256xf32>, vector<32x256xf32> -> vector<32x256xf32>
      %slice3A_337 = vector.extract_strided_slice %get3A_284 {offsets = [2, 0, 0], sizes = [1, 32, 1], strides = [1, 1, 1]} : vector<4x32x1xf32> to vector<1x32x1xf32>
      %squeeze3A_338 = vector.shape_cast %slice3A_337 : vector<1x32x1xf32> to vector<32x1xf32>
      %add3A_339 = vector.broadcast %squeeze3A_338 : vector<32x1xf32> to vector<32x256xf32>
      %add3A_340 = arith.addf %dot_general3A_336, %add3A_339 : vector<32x256xf32>
      %slice3A_341 = vector.extract_strided_slice %get3A_266 {offsets = [4, 0, 0], sizes = [1, 32, 32], strides = [1, 1, 1]} : vector<5x32x32xf32> to vector<1x32x32xf32>
      %squeeze3A_342 = vector.shape_cast %slice3A_341 : vector<1x32x32xf32> to vector<32x32xf32>
      %dot_general3A_343 = arith.constant dense<0.000000e+00> : vector<32x256xf32>
      %dot_general3A_344 = tpu.matmul %squeeze3A_342, %add3A_340, %dot_general3A_343 {dimension_numbers = #tpu.dot_dimension_numbers<[1], [0], [0], [1], [0, 0, 1, 1], [], []>, transpose_lhs_hint = false} : vector<32x32xf32>, vector<32x256xf32>, vector<32x256xf32> -> vector<32x256xf32>
      %slice3A_345 = vector.extract_strided_slice %get3A_278 {offsets = [1, 0, 0], sizes = [1, 32, 8], strides = [1, 1, 1]} : vector<2x32x8xf32> to vector<1x32x8xf32>
      %squeeze3A_346 = vector.shape_cast %slice3A_345 : vector<1x32x8xf32> to vector<32x8xf32>
      %dot_general3A_347 = arith.constant dense<0.000000e+00> : vector<32x256xf32>
      %dot_general3A_348 = tpu.matmul %squeeze3A_346, %slice3A_256, %dot_general3A_347 {dimension_numbers = #tpu.dot_dimension_numbers<[1], [0], [0], [1], [0, 0, 1, 1], [], []>, transpose_lhs_hint = false} : vector<32x8xf32>, vector<8x256xf32>, vector<32x256xf32> -> vector<32x256xf32>
      %add3A_349 = arith.addf %dot_general3A_344, %dot_general3A_348 : vector<32x256xf32>
      %slice3A_350 = vector.extract_strided_slice %get3A_272 {offsets = [0, 0, 0], sizes = [1, 32, 16], strides = [1, 1, 1]} : vector<2x32x16xf32> to vector<1x32x16xf32>
      %squeeze3A_351 = vector.shape_cast %slice3A_350 : vector<1x32x16xf32> to vector<32x16xf32>
      %dot_general3A_352 = arith.constant dense<0.000000e+00> : vector<32x256xf32>
      %dot_general3A_353 = tpu.matmul %squeeze3A_351, %slice3A_259, %dot_general3A_352 {dimension_numbers = #tpu.dot_dimension_numbers<[1], [0], [0], [1], [0, 0, 1, 1], [], []>, transpose_lhs_hint = false} : vector<32x16xf32>, vector<16x256xf32>, vector<32x256xf32> -> vector<32x256xf32>
      %add3A_354 = arith.addf %add3A_349, %dot_general3A_353 : vector<32x256xf32>
      %slice3A_355 = vector.extract_strided_slice %get3A_272 {offsets = [1, 0, 0], sizes = [1, 32, 16], strides = [1, 1, 1]} : vector<2x32x16xf32> to vector<1x32x16xf32>
      %squeeze3A_356 = vector.shape_cast %slice3A_355 : vector<1x32x16xf32> to vector<32x16xf32>
      %dot_general3A_357 = arith.constant dense<0.000000e+00> : vector<32x256xf32>
      %dot_general3A_358 = tpu.matmul %squeeze3A_356, %slice3A_260, %dot_general3A_357 {dimension_numbers = #tpu.dot_dimension_numbers<[1], [0], [0], [1], [0, 0, 1, 1], [], []>, transpose_lhs_hint = false} : vector<32x16xf32>, vector<16x256xf32>, vector<32x256xf32> -> vector<32x256xf32>
      %add3A_359 = arith.addf %add3A_354, %dot_general3A_358 : vector<32x256xf32>
      %slice3A_360 = vector.extract_strided_slice %get3A_284 {offsets = [3, 0, 0], sizes = [1, 32, 1], strides = [1, 1, 1]} : vector<4x32x1xf32> to vector<1x32x1xf32>
      %squeeze3A_361 = vector.shape_cast %slice3A_360 : vector<1x32x1xf32> to vector<32x1xf32>
      %add3A_362 = vector.broadcast %squeeze3A_361 : vector<32x1xf32> to vector<32x256xf32>
      %add3A_363 = arith.addf %add3A_359, %add3A_362 : vector<32x256xf32>
      %max3A_364 = arith.constant 0.000000e+00 : f32
      %max3A_365 = vector.broadcast %max3A_364 : f32 to vector<32x256xf32>
      %max3A_366 = arith.maximumf %add3A_363, %max3A_365 : vector<32x256xf32>
      %slice3A_367 = vector.extract_strided_slice %get3A_289 {offsets = [1, 0], sizes = [3, 32], strides = [1, 1]} : vector<4x32xf32> to vector<3x32xf32>
      %dot_general3A_368 = arith.constant dense<0.000000e+00> : vector<3x256xf32>
      %dot_general3A_369 = tpu.matmul %slice3A_367, %max3A_366, %dot_general3A_368 {dimension_numbers = #tpu.dot_dimension_numbers<[1], [0], [0], [1], [0, 0, 1, 1], [], []>, transpose_lhs_hint = false} : vector<3x32xf32>, vector<32x256xf32>, vector<3x256xf32> -> vector<3x256xf32>
      %slice3A_370 = vector.extract_strided_slice %get3A_294 {offsets = [1, 0], sizes = [3, 1], strides = [1, 1]} : vector<4x1xf32> to vector<3x1xf32>
      %add3A_371 = vector.broadcast %slice3A_370 : vector<3x1xf32> to vector<3x256xf32>
      %add3A_372 = arith.addf %dot_general3A_369, %add3A_371 : vector<3x256xf32>
      %broadcast_in_dim3A_373 = arith.constant 0.000000e+00 : f32
      %broadcast_in_dim3A_374 = vector.broadcast %broadcast_in_dim3A_373 : f32 to vector<4x256xf32>
      %concatenate3A_375 = tpu.concatenate %add3A_372, %add3A_332, %broadcast_in_dim3A_374 in 0 : vector<3x256xf32>, vector<1x256xf32>, vector<4x256xf32> -> vector<8x256xf32>
      %swap3A_376 = arith.constant 0 : index
      %swap3A_377 = arith.constant 512 : index
      %swap3A_378 = vector.load %arg30[%swap3A_376, %swap3A_377] : memref<8x1024xf32, #tpu.memory_space<vmem>>, vector<8x256xf32>
      tpu.vector_store %arg30[%swap3A_376, %swap3A_377], %concatenate3A_375 {strides = array<i32>} : memref<8x1024xf32, #tpu.memory_space<vmem>>, vector<8x256xf32>,
      %slice3A_379 = vector.extract_strided_slice %get3A_11 {offsets = [0, 768], sizes = [8, 256], strides = [1, 1]} : vector<8x1024xf32> to vector<8x256xf32>
      %slice3A_380 = vector.extract_strided_slice %sin3A {offsets = [0, 768], sizes = [32, 256], strides = [1, 1]} : vector<32x1024xf32> to vector<32x256xf32>
      %slice3A_381 = vector.extract_strided_slice %cos3A {offsets = [0, 768], sizes = [32, 256], strides = [1, 1]} : vector<32x1024xf32> to vector<32x256xf32>
      %slice3A_382 = vector.extract_strided_slice %sin3A_15 {offsets = [0, 768], sizes = [16, 256], strides = [1, 1]} : vector<16x1024xf32> to vector<16x256xf32>
      %slice3A_383 = vector.extract_strided_slice %cos3A_16 {offsets = [0, 768], sizes = [16, 256], strides = [1, 1]} : vector<16x1024xf32> to vector<16x256xf32>
      %get3A_384 = arith.constant 0 : index
      %get3A_385 = arith.constant 0 : index
      %get3A_386 = arith.constant 0 : index
      %get3A_387 = arith.constant 0 : index
      %get3A_388 = vector.load %arg24[%get3A_384, %get3A_385, %get3A_386, %get3A_387] : memref<1x5x32x32xf32, #tpu.memory_space<vmem>>, vector<1x5x32x32xf32>
      %get3A_389 = vector.shape_cast %get3A_388 : vector<1x5x32x32xf32> to vector<5x32x32xf32>
      %get3A_390 = arith.constant 0 : index
      %get3A_391 = arith.constant 0 : index
      %get3A_392 = arith.constant 0 : index
      %get3A_393 = arith.constant 0 : index
      %get3A_394 = vector.load %arg25[%get3A_390, %get3A_391, %get3A_392, %get3A_393] : memref<1x2x32x16xf32, #tpu.memory_space<vmem>>, vector<1x2x32x16xf32>
      %get3A_395 = vector.shape_cast %get3A_394 : vector<1x2x32x16xf32> to vector<2x32x16xf32>
      %get3A_396 = arith.constant 0 : index
      %get3A_397 = arith.constant 0 : index
      %get3A_398 = arith.constant 0 : index
      %get3A_399 = arith.constant 0 : index
      %get3A_400 = vector.load %arg26[%get3A_396, %get3A_397, %get3A_398, %get3A_399] : memref<1x2x32x8xf32, #tpu.memory_space<vmem>>, vector<1x2x32x8xf32>
      %get3A_401 = vector.shape_cast %get3A_400 : vector<1x2x32x8xf32> to vector<2x32x8xf32>
      %get3A_402 = arith.constant 0 : index
      %get3A_403 = arith.constant 0 : index
      %get3A_404 = arith.constant 0 : index
      %get3A_405 = arith.constant 0 : index
      %get3A_406 = vector.load %arg27[%get3A_402, %get3A_403, %get3A_404, %get3A_405] : memref<1x4x32x1xf32, #tpu.memory_space<vmem>>, vector<1x4x32x1xf32>
      %get3A_407 = vector.shape_cast %get3A_406 : vector<1x4x32x1xf32> to vector<4x32x1xf32>
      %get3A_408 = arith.constant 0 : index
      %get3A_409 = arith.constant 0 : index
      %get3A_410 = arith.constant 0 : index
      %get3A_411 = vector.load %arg28[%get3A_408, %get3A_409, %get3A_410] : memref<1x4x32xf32, #tpu.memory_space<vmem>>, vector<1x4x32xf32>
      %get3A_412 = vector.shape_cast %get3A_411 : vector<1x4x32xf32> to vector<4x32xf32>
      %get3A_413 = arith.constant 0 : index
      %get3A_414 = arith.constant 0 : index
      %get3A_415 = arith.constant 0 : index
      %get3A_416 = vector.load %arg29[%get3A_413, %get3A_414, %get3A_415] : memref<1x4x1xf32, #tpu.memory_space<vmem>>, vector<1x4x1xf32>
      %get3A_417 = vector.shape_cast %get3A_416 : vector<1x4x1xf32> to vector<4x1xf32>
      %slice3A_418 = vector.extract_strided_slice %get3A_401 {offsets = [0, 0, 0], sizes = [1, 32, 8], strides = [1, 1, 1]} : vector<2x32x8xf32> to vector<1x32x8xf32>
      %squeeze3A_419 = vector.shape_cast %slice3A_418 : vector<1x32x8xf32> to vector<32x8xf32>
      %dot_general3A_420 = arith.constant dense<0.000000e+00> : vector<32x256xf32>
      %dot_general3A_421 = tpu.matmul %squeeze3A_419, %slice3A_379, %dot_general3A_420 {dimension_numbers = #tpu.dot_dimension_numbers<[1], [0], [0], [1], [0, 0, 1, 1], [], []>, transpose_lhs_hint = false} : vector<32x8xf32>, vector<8x256xf32>, vector<32x256xf32> -> vector<32x256xf32>
      %slice3A_422 = vector.extract_strided_slice %get3A_389 {offsets = [0, 0, 0], sizes = [1, 32, 32], strides = [1, 1, 1]} : vector<5x32x32xf32> to vector<1x32x32xf32>
      %squeeze3A_423 = vector.shape_cast %slice3A_422 : vector<1x32x32xf32> to vector<32x32xf32>
      %dot_general3A_424 = arith.constant dense<0.000000e+00> : vector<32x256xf32>
      %dot_general3A_425 = tpu.matmul %squeeze3A_423, %slice3A_380, %dot_general3A_424 {dimension_numbers = #tpu.dot_dimension_numbers<[1], [0], [0], [1], [0, 0, 1, 1], [], []>, transpose_lhs_hint = false} : vector<32x32xf32>, vector<32x256xf32>, vector<32x256xf32> -> vector<32x256xf32>
      %add3A_426 = arith.addf %dot_general3A_421, %dot_general3A_425 : vector<32x256xf32>
      %slice3A_427 = vector.extract_strided_slice %get3A_389 {offsets = [1, 0, 0], sizes = [1, 32, 32], strides = [1, 1, 1]} : vector<5x32x32xf32> to vector<1x32x32xf32>
      %squeeze3A_428 = vector.shape_cast %slice3A_427 : vector<1x32x32xf32> to vector<32x32xf32>
      %dot_general3A_429 = arith.constant dense<0.000000e+00> : vector<32x256xf32>
      %dot_general3A_430 = tpu.matmul %squeeze3A_428, %slice3A_381, %dot_general3A_429 {dimension_numbers = #tpu.dot_dimension_numbers<[1], [0], [0], [1], [0, 0, 1, 1], [], []>, transpose_lhs_hint = false} : vector<32x32xf32>, vector<32x256xf32>, vector<32x256xf32> -> vector<32x256xf32>
      %add3A_431 = arith.addf %add3A_426, %dot_general3A_430 : vector<32x256xf32>
      %slice3A_432 = vector.extract_strided_slice %get3A_407 {offsets = [0, 0, 0], sizes = [1, 32, 1], strides = [1, 1, 1]} : vector<4x32x1xf32> to vector<1x32x1xf32>
      %squeeze3A_433 = vector.shape_cast %slice3A_432 : vector<1x32x1xf32> to vector<32x1xf32>
      %add3A_434 = vector.broadcast %squeeze3A_433 : vector<32x1xf32> to vector<32x256xf32>
      %add3A_435 = arith.addf %add3A_431, %add3A_434 : vector<32x256xf32>
      %max3A_436 = arith.constant 0.000000e+00 : f32
      %max3A_437 = vector.broadcast %max3A_436 : f32 to vector<32x256xf32>
      %max3A_438 = arith.maximumf %add3A_435, %max3A_437 : vector<32x256xf32>
      %slice3A_439 = vector.extract_strided_slice %get3A_389 {offsets = [2, 0, 0], sizes = [1, 32, 32], strides = [1, 1, 1]} : vector<5x32x32xf32> to vector<1x32x32xf32>
      %squeeze3A_440 = vector.shape_cast %slice3A_439 : vector<1x32x32xf32> to vector<32x32xf32>
      %dot_general3A_441 = arith.constant dense<0.000000e+00> : vector<32x256xf32>
      %dot_general3A_442 = tpu.matmul %squeeze3A_440, %max3A_438, %dot_general3A_441 {dimension_numbers = #tpu.dot_dimension_numbers<[1], [0], [0], [1], [0, 0, 1, 1], [], []>, transpose_lhs_hint = false} : vector<32x32xf32>, vector<32x256xf32>, vector<32x256xf32> -> vector<32x256xf32>
      %slice3A_443 = vector.extract_strided_slice %get3A_407 {offsets = [1, 0, 0], sizes = [1, 32, 1], strides = [1, 1, 1]} : vector<4x32x1xf32> to vector<1x32x1xf32>
      %squeeze3A_444 = vector.shape_cast %slice3A_443 : vector<1x32x1xf32> to vector<32x1xf32>
      %add3A_445 = vector.broadcast %squeeze3A_444 : vector<32x1xf32> to vector<32x256xf32>
      %add3A_446 = arith.addf %dot_general3A_442, %add3A_445 : vector<32x256xf32>
      %max3A_447 = arith.constant 0.000000e+00 : f32
      %max3A_448 = vector.broadcast %max3A_447 : f32 to vector<32x256xf32>
      %max3A_449 = arith.maximumf %add3A_446, %max3A_448 : vector<32x256xf32>
      %slice3A_450 = vector.extract_strided_slice %get3A_412 {offsets = [0, 0], sizes = [1, 32], strides = [1, 1]} : vector<4x32xf32> to vector<1x32xf32>
      %dot_general3A_451 = arith.constant dense<0.000000e+00> : vector<1x256xf32>
      %dot_general3A_452 = tpu.matmul %slice3A_450, %max3A_449, %dot_general3A_451 {dimension_numbers = #tpu.dot_dimension_numbers<[1], [0], [0], [1], [0, 0, 1, 1], [], []>, transpose_lhs_hint = false} : vector<1x32xf32>, vector<32x256xf32>, vector<1x256xf32> -> vector<1x256xf32>
      %slice3A_453 = vector.extract_strided_slice %get3A_417 {offsets = [0, 0], sizes = [1, 1], strides = [1, 1]} : vector<4x1xf32> to vector<1x1xf32>
      %add3A_454 = vector.broadcast %slice3A_453 : vector<1x1xf32> to vector<1x256xf32>
      %add3A_455 = arith.addf %dot_general3A_452, %add3A_454 : vector<1x256xf32>
      %slice3A_456 = vector.extract_strided_slice %get3A_389 {offsets = [3, 0, 0], sizes = [1, 32, 32], strides = [1, 1, 1]} : vector<5x32x32xf32> to vector<1x32x32xf32>
      %squeeze3A_457 = vector.shape_cast %slice3A_456 : vector<1x32x32xf32> to vector<32x32xf32>
      %dot_general3A_458 = arith.constant dense<0.000000e+00> : vector<32x256xf32>
      %dot_general3A_459 = tpu.matmul %squeeze3A_457, %max3A_449, %dot_general3A_458 {dimension_numbers = #tpu.dot_dimension_numbers<[1], [0], [0], [1], [0, 0, 1, 1], [], []>, transpose_lhs_hint = false} : vector<32x32xf32>, vector<32x256xf32>, vector<32x256xf32> -> vector<32x256xf32>
      %slice3A_460 = vector.extract_strided_slice %get3A_407 {offsets = [2, 0, 0], sizes = [1, 32, 1], strides = [1, 1, 1]} : vector<4x32x1xf32> to vector<1x32x1xf32>
      %squeeze3A_461 = vector.shape_cast %slice3A_460 : vector<1x32x1xf32> to vector<32x1xf32>
      %add3A_462 = vector.broadcast %squeeze3A_461 : vector<32x1xf32> to vector<32x256xf32>
      %add3A_463 = arith.addf %dot_general3A_459, %add3A_462 : vector<32x256xf32>
      %slice3A_464 = vector.extract_strided_slice %get3A_389 {offsets = [4, 0, 0], sizes = [1, 32, 32], strides = [1, 1, 1]} : vector<5x32x32xf32> to vector<1x32x32xf32>
      %squeeze3A_465 = vector.shape_cast %slice3A_464 : vector<1x32x32xf32> to vector<32x32xf32>
      %dot_general3A_466 = arith.constant dense<0.000000e+00> : vector<32x256xf32>
      %dot_general3A_467 = tpu.matmul %squeeze3A_465, %add3A_463, %dot_general3A_466 {dimension_numbers = #tpu.dot_dimension_numbers<[1], [0], [0], [1], [0, 0, 1, 1], [], []>, transpose_lhs_hint = false} : vector<32x32xf32>, vector<32x256xf32>, vector<32x256xf32> -> vector<32x256xf32>
      %slice3A_468 = vector.extract_strided_slice %get3A_401 {offsets = [1, 0, 0], sizes = [1, 32, 8], strides = [1, 1, 1]} : vector<2x32x8xf32> to vector<1x32x8xf32>
      %squeeze3A_469 = vector.shape_cast %slice3A_468 : vector<1x32x8xf32> to vector<32x8xf32>
      %dot_general3A_470 = arith.constant dense<0.000000e+00> : vector<32x256xf32>
      %dot_general3A_471 = tpu.matmul %squeeze3A_469, %slice3A_379, %dot_general3A_470 {dimension_numbers = #tpu.dot_dimension_numbers<[1], [0], [0], [1], [0, 0, 1, 1], [], []>, transpose_lhs_hint = false} : vector<32x8xf32>, vector<8x256xf32>, vector<32x256xf32> -> vector<32x256xf32>
      %add3A_472 = arith.addf %dot_general3A_467, %dot_general3A_471 : vector<32x256xf32>
      %slice3A_473 = vector.extract_strided_slice %get3A_395 {offsets = [0, 0, 0], sizes = [1, 32, 16], strides = [1, 1, 1]} : vector<2x32x16xf32> to vector<1x32x16xf32>
      %squeeze3A_474 = vector.shape_cast %slice3A_473 : vector<1x32x16xf32> to vector<32x16xf32>
      %dot_general3A_475 = arith.constant dense<0.000000e+00> : vector<32x256xf32>
      %dot_general3A_476 = tpu.matmul %squeeze3A_474, %slice3A_382, %dot_general3A_475 {dimension_numbers = #tpu.dot_dimension_numbers<[1], [0], [0], [1], [0, 0, 1, 1], [], []>, transpose_lhs_hint = false} : vector<32x16xf32>, vector<16x256xf32>, vector<32x256xf32> -> vector<32x256xf32>
      %add3A_477 = arith.addf %add3A_472, %dot_general3A_476 : vector<32x256xf32>
      %slice3A_478 = vector.extract_strided_slice %get3A_395 {offsets = [1, 0, 0], sizes = [1, 32, 16], strides = [1, 1, 1]} : vector<2x32x16xf32> to vector<1x32x16xf32>
      %squeeze3A_479 = vector.shape_cast %slice3A_478 : vector<1x32x16xf32> to vector<32x16xf32>
      %dot_general3A_480 = arith.constant dense<0.000000e+00> : vector<32x256xf32>
      %dot_general3A_481 = tpu.matmul %squeeze3A_479, %slice3A_383, %dot_general3A_480 {dimension_numbers = #tpu.dot_dimension_numbers<[1], [0], [0], [1], [0, 0, 1, 1], [], []>, transpose_lhs_hint = false} : vector<32x16xf32>, vector<16x256xf32>, vector<32x256xf32> -> vector<32x256xf32>
      %add3A_482 = arith.addf %add3A_477, %dot_general3A_481 : vector<32x256xf32>
      %slice3A_483 = vector.extract_strided_slice %get3A_407 {offsets = [3, 0, 0], sizes = [1, 32, 1], strides = [1, 1, 1]} : vector<4x32x1xf32> to vector<1x32x1xf32>
      %squeeze3A_484 = vector.shape_cast %slice3A_483 : vector<1x32x1xf32> to vector<32x1xf32>
      %add3A_485 = vector.broadcast %squeeze3A_484 : vector<32x1xf32> to vector<32x256xf32>
      %add3A_486 = arith.addf %add3A_482, %add3A_485 : vector<32x256xf32>
      %max3A_487 = arith.constant 0.000000e+00 : f32
      %max3A_488 = vector.broadcast %max3A_487 : f32 to vector<32x256xf32>
      %max3A_489 = arith.maximumf %add3A_486, %max3A_488 : vector<32x256xf32>
      %slice3A_490 = vector.extract_strided_slice %get3A_412 {offsets = [1, 0], sizes = [3, 32], strides = [1, 1]} : vector<4x32xf32> to vector<3x32xf32>
      %dot_general3A_491 = arith.constant dense<0.000000e+00> : vector<3x256xf32>
      %dot_general3A_492 = tpu.matmul %slice3A_490, %max3A_489, %dot_general3A_491 {dimension_numbers = #tpu.dot_dimension_numbers<[1], [0], [0], [1], [0, 0, 1, 1], [], []>, transpose_lhs_hint = false} : vector<3x32xf32>, vector<32x256xf32>, vector<3x256xf32> -> vector<3x256xf32>
      %slice3A_493 = vector.extract_strided_slice %get3A_417 {offsets = [1, 0], sizes = [3, 1], strides = [1, 1]} : vector<4x1xf32> to vector<3x1xf32>
      %add3A_494 = vector.broadcast %slice3A_493 : vector<3x1xf32> to vector<3x256xf32>
      %add3A_495 = arith.addf %dot_general3A_492, %add3A_494 : vector<3x256xf32>
      %broadcast_in_dim3A_496 = arith.constant 0.000000e+00 : f32
      %broadcast_in_dim3A_497 = vector.broadcast %broadcast_in_dim3A_496 : f32 to vector<4x256xf32>
      %concatenate3A_498 = tpu.concatenate %add3A_495, %add3A_455, %broadcast_in_dim3A_497 in 0 : vector<3x256xf32>, vector<1x256xf32>, vector<4x256xf32> -> vector<8x256xf32>
      %swap3A_499 = arith.constant 0 : index
      %swap3A_500 = arith.constant 768 : index
      %swap3A_501 = vector.load %arg30[%swap3A_499, %swap3A_500] : memref<8x1024xf32, #tpu.memory_space<vmem>>, vector<8x256xf32>
      tpu.vector_store %arg30[%swap3A_499, %swap3A_500], %concatenate3A_498 {strides = array<i32>} : memref<8x1024xf32, #tpu.memory_space<vmem>>, vector<8x256xf32>,
    } else {
    }
    return
  }
  func.func @transform_0(%arg0: i32, %arg1: memref<128xi32, #tpu.memory_space<smem>>, %arg2: memref<16xi32, #tpu.memory_space<smem>>) -> (i32, i32) {
    %c0_i32 = arith.constant 0 : i32
    %c0_i32_0 = arith.constant 0 : i32
    return %c0_i32, %arg0 : i32, i32
  }
  func.func @transform_1(%arg0: i32, %arg1: memref<128xi32, #tpu.memory_space<smem>>, %arg2: memref<16xi32, #tpu.memory_space<smem>>) -> (i32, i32) {
    %c0_i32 = arith.constant 0 : i32
    %c0_i32_0 = arith.constant 0 : i32
    %c0_i32_1 = arith.constant 0 : i32
    return %c0_i32, %c0_i32_0 : i32, i32
  }
  func.func @transform_2(%arg0: i32, %arg1: memref<128xi32, #tpu.memory_space<smem>>, %arg2: memref<16xi32, #tpu.memory_space<smem>>) -> (i32, i32) {
    %c0_i32 = arith.constant 0 : i32
    %c0_i32_0 = arith.constant 0 : i32
    %c0_i32_1 = arith.constant 0 : i32
    return %c0_i32, %c0_i32_0 : i32, i32
  }
  func.func @transform_3(%arg0: i32, %arg1: memref<128xi32, #tpu.memory_space<smem>>, %arg2: memref<16xi32, #tpu.memory_space<smem>>) -> (i32, i32, i32, i32) {
    %mul3A = arith.constant 4 : i32
    %mul3A_0 = arith.muli %arg0, %mul3A : i32
    %add3A = arith.constant 0 : i32
    %add3A_1 = arith.addi %mul3A_0, %add3A : i32
    %get3A = arith.index_cast %add3A_1 : i32 to index
    %get3A_2 = memref.load %arg1[%get3A] : memref<128xi32, #tpu.memory_space<smem>>
    %c0_i32 = arith.constant 0 : i32
    %c0_i32_3 = arith.constant 0 : i32
    %c0_i32_4 = arith.constant 0 : i32
    %c0_i32_5 = arith.constant 0 : i32
    return %get3A_2, %c0_i32, %c0_i32_3, %c0_i32_4 : i32, i32, i32, i32
  }
  func.func @transform_4(%arg0: i32, %arg1: memref<128xi32, #tpu.memory_space<smem>>, %arg2: memref<16xi32, #tpu.memory_space<smem>>) -> (i32, i32, i32, i32) {
    %mul3A = arith.constant 4 : i32
    %mul3A_0 = arith.muli %arg0, %mul3A : i32
    %add3A = arith.constant 0 : i32
    %add3A_1 = arith.addi %mul3A_0, %add3A : i32
    %get3A = arith.index_cast %add3A_1 : i32 to index
    %get3A_2 = memref.load %arg1[%get3A] : memref<128xi32, #tpu.memory_space<smem>>
    %c0_i32 = arith.constant 0 : i32
    %c0_i32_3 = arith.constant 0 : i32
    %c0_i32_4 = arith.constant 0 : i32
    %c0_i32_5 = arith.constant 0 : i32
    return %get3A_2, %c0_i32, %c0_i32_3, %c0_i32_4 : i32, i32, i32, i32
  }
  func.func @transform_5(%arg0: i32, %arg1: memref<128xi32, #tpu.memory_space<smem>>, %arg2: memref<16xi32, #tpu.memory_space<smem>>) -> (i32, i32, i32, i32) {
    %mul3A = arith.constant 4 : i32
    %mul3A_0 = arith.muli %arg0, %mul3A : i32
    %add3A = arith.constant 0 : i32
    %add3A_1 = arith.addi %mul3A_0, %add3A : i32
    %get3A = arith.index_cast %add3A_1 : i32 to index
    %get3A_2 = memref.load %arg1[%get3A] : memref<128xi32, #tpu.memory_space<smem>>
    %c0_i32 = arith.constant 0 : i32
    %c0_i32_3 = arith.constant 0 : i32
    %c0_i32_4 = arith.constant 0 : i32
    %c0_i32_5 = arith.constant 0 : i32
    return %get3A_2, %c0_i32, %c0_i32_3, %c0_i32_4 : i32, i32, i32, i32
  }
  func.func @transform_6(%arg0: i32, %arg1: memref<128xi32, #tpu.memory_space<smem>>, %arg2: memref<16xi32, #tpu.memory_space<smem>>) -> (i32, i32, i32, i32) {
    %mul3A = arith.constant 4 : i32
    %mul3A_0 = arith.muli %arg0, %mul3A : i32
    %add3A = arith.constant 0 : i32
    %add3A_1 = arith.addi %mul3A_0, %add3A : i32
    %get3A = arith.index_cast %add3A_1 : i32 to index
    %get3A_2 = memref.load %arg1[%get3A] : memref<128xi32, #tpu.memory_space<smem>>
    %c0_i32 = arith.constant 0 : i32
    %c0_i32_3 = arith.constant 0 : i32
    %c0_i32_4 = arith.constant 0 : i32
    %c0_i32_5 = arith.constant 0 : i32
    return %get3A_2, %c0_i32, %c0_i32_3, %c0_i32_4 : i32, i32, i32, i32
  }
  func.func @transform_7(%arg0: i32, %arg1: memref<128xi32, #tpu.memory_space<smem>>, %arg2: memref<16xi32, #tpu.memory_space<smem>>) -> (i32, i32, i32) {
    %mul3A = arith.constant 4 : i32
    %mul3A_0 = arith.muli %arg0, %mul3A : i32
    %add3A = arith.constant 0 : i32
    %add3A_1 = arith.addi %mul3A_0, %add3A : i32
    %get3A = arith.index_cast %add3A_1 : i32 to index
    %get3A_2 = memref.load %arg1[%get3A] : memref<128xi32, #tpu.memory_space<smem>>
    %c0_i32 = arith.constant 0 : i32
    %c0_i32_3 = arith.constant 0 : i32
    %c0_i32_4 = arith.constant 0 : i32
    return %get3A_2, %c0_i32, %c0_i32_3 : i32, i32, i32
  }
  func.func @transform_8(%arg0: i32, %arg1: memref<128xi32, #tpu.memory_space<smem>>, %arg2: memref<16xi32, #tpu.memory_space<smem>>) -> (i32, i32, i32) {
    %mul3A = arith.constant 4 : i32
    %mul3A_0 = arith.muli %arg0, %mul3A : i32
    %add3A = arith.constant 0 : i32
    %add3A_1 = arith.addi %mul3A_0, %add3A : i32
    %get3A = arith.index_cast %add3A_1 : i32 to index
    %get3A_2 = memref.load %arg1[%get3A] : memref<128xi32, #tpu.memory_space<smem>>
    %c0_i32 = arith.constant 0 : i32
    %c0_i32_3 = arith.constant 0 : i32
    %c0_i32_4 = arith.constant 0 : i32
    return %get3A_2, %c0_i32, %c0_i32_3 : i32, i32, i32
  }
  func.func @transform_9(%arg0: i32, %arg1: memref<128xi32, #tpu.memory_space<smem>>, %arg2: memref<16xi32, #tpu.memory_space<smem>>) -> (i32, i32, i32, i32) {
    %mul3A = arith.constant 4 : i32
    %mul3A_0 = arith.muli %arg0, %mul3A : i32
    %add3A = arith.constant 1 : i32
    %add3A_1 = arith.addi %mul3A_0, %add3A : i32
    %get3A = arith.index_cast %add3A_1 : i32 to index
    %get3A_2 = memref.load %arg1[%get3A] : memref<128xi32, #tpu.memory_space<smem>>
    %c0_i32 = arith.constant 0 : i32
    %c0_i32_3 = arith.constant 0 : i32
    %c0_i32_4 = arith.constant 0 : i32
    %c0_i32_5 = arith.constant 0 : i32
    return %get3A_2, %c0_i32, %c0_i32_3, %c0_i32_4 : i32, i32, i32, i32
  }
  func.func @transform_10(%arg0: i32, %arg1: memref<128xi32, #tpu.memory_space<smem>>, %arg2: memref<16xi32, #tpu.memory_space<smem>>) -> (i32, i32, i32, i32) {
    %mul3A = arith.constant 4 : i32
    %mul3A_0 = arith.muli %arg0, %mul3A : i32
    %add3A = arith.constant 1 : i32
    %add3A_1 = arith.addi %mul3A_0, %add3A : i32
    %get3A = arith.index_cast %add3A_1 : i32 to index
    %get3A_2 = memref.load %arg1[%get3A] : memref<128xi32, #tpu.memory_space<smem>>
    %c0_i32 = arith.constant 0 : i32
    %c0_i32_3 = arith.constant 0 : i32
    %c0_i32_4 = arith.constant 0 : i32
    %c0_i32_5 = arith.constant 0 : i32
    return %get3A_2, %c0_i32, %c0_i32_3, %c0_i32_4 : i32, i32, i32, i32
  }
  func.func @transform_11(%arg0: i32, %arg1: memref<128xi32, #tpu.memory_space<smem>>, %arg2: memref<16xi32, #tpu.memory_space<smem>>) -> (i32, i32, i32, i32) {
    %mul3A = arith.constant 4 : i32
    %mul3A_0 = arith.muli %arg0, %mul3A : i32
    %add3A = arith.constant 1 : i32
    %add3A_1 = arith.addi %mul3A_0, %add3A : i32
    %get3A = arith.index_cast %add3A_1 : i32 to index
    %get3A_2 = memref.load %arg1[%get3A] : memref<128xi32, #tpu.memory_space<smem>>
    %c0_i32 = arith.constant 0 : i32
    %c0_i32_3 = arith.constant 0 : i32
    %c0_i32_4 = arith.constant 0 : i32
    %c0_i32_5 = arith.constant 0 : i32
    return %get3A_2, %c0_i32, %c0_i32_3, %c0_i32_4 : i32, i32, i32, i32
  }
  func.func @transform_12(%arg0: i32, %arg1: memref<128xi32, #tpu.memory_space<smem>>, %arg2: memref<16xi32, #tpu.memory_space<smem>>) -> (i32, i32, i32, i32) {
    %mul3A = arith.constant 4 : i32
    %mul3A_0 = arith.muli %arg0, %mul3A : i32
    %add3A = arith.constant 1 : i32
    %add3A_1 = arith.addi %mul3A_0, %add3A : i32
    %get3A = arith.index_cast %add3A_1 : i32 to index
    %get3A_2 = memref.load %arg1[%get3A] : memref<128xi32, #tpu.memory_space<smem>>
    %c0_i32 = arith.constant 0 : i32
    %c0_i32_3 = arith.constant 0 : i32
    %c0_i32_4 = arith.constant 0 : i32
    %c0_i32_5 = arith.constant 0 : i32
    return %get3A_2, %c0_i32, %c0_i32_3, %c0_i32_4 : i32, i32, i32, i32
  }
  func.func @transform_13(%arg0: i32, %arg1: memref<128xi32, #tpu.memory_space<smem>>, %arg2: memref<16xi32, #tpu.memory_space<smem>>) -> (i32, i32, i32) {
    %mul3A = arith.constant 4 : i32
    %mul3A_0 = arith.muli %arg0, %mul3A : i32
    %add3A = arith.constant 1 : i32
    %add3A_1 = arith.addi %mul3A_0, %add3A : i32
    %get3A = arith.index_cast %add3A_1 : i32 to index
    %get3A_2 = memref.load %arg1[%get3A] : memref<128xi32, #tpu.memory_space<smem>>
    %c0_i32 = arith.constant 0 : i32
    %c0_i32_3 = arith.constant 0 : i32
    %c0_i32_4 = arith.constant 0 : i32
    return %get3A_2, %c0_i32, %c0_i32_3 : i32, i32, i32
  }
  func.func @transform_14(%arg0: i32, %arg1: memref<128xi32, #tpu.memory_space<smem>>, %arg2: memref<16xi32, #tpu.memory_space<smem>>) -> (i32, i32, i32) {
    %mul3A = arith.constant 4 : i32
    %mul3A_0 = arith.muli %arg0, %mul3A : i32
    %add3A = arith.constant 1 : i32
    %add3A_1 = arith.addi %mul3A_0, %add3A : i32
    %get3A = arith.index_cast %add3A_1 : i32 to index
    %get3A_2 = memref.load %arg1[%get3A] : memref<128xi32, #tpu.memory_space<smem>>
    %c0_i32 = arith.constant 0 : i32
    %c0_i32_3 = arith.constant 0 : i32
    %c0_i32_4 = arith.constant 0 : i32
    return %get3A_2, %c0_i32, %c0_i32_3 : i32, i32, i32
  }
  func.func @transform_15(%arg0: i32, %arg1: memref<128xi32, #tpu.memory_space<smem>>, %arg2: memref<16xi32, #tpu.memory_space<smem>>) -> (i32, i32, i32, i32) {
    %mul3A = arith.constant 4 : i32
    %mul3A_0 = arith.muli %arg0, %mul3A : i32
    %add3A = arith.constant 2 : i32
    %add3A_1 = arith.addi %mul3A_0, %add3A : i32
    %get3A = arith.index_cast %add3A_1 : i32 to index
    %get3A_2 = memref.load %arg1[%get3A] : memref<128xi32, #tpu.memory_space<smem>>
    %c0_i32 = arith.constant 0 : i32
    %c0_i32_3 = arith.constant 0 : i32
    %c0_i32_4 = arith.constant 0 : i32
    %c0_i32_5 = arith.constant 0 : i32
    return %get3A_2, %c0_i32, %c0_i32_3, %c0_i32_4 : i32, i32, i32, i32
  }
  func.func @transform_16(%arg0: i32, %arg1: memref<128xi32, #tpu.memory_space<smem>>, %arg2: memref<16xi32, #tpu.memory_space<smem>>) -> (i32, i32, i32, i32) {
    %mul3A = arith.constant 4 : i32
    %mul3A_0 = arith.muli %arg0, %mul3A : i32
    %add3A = arith.constant 2 : i32
    %add3A_1 = arith.addi %mul3A_0, %add3A : i32
    %get3A = arith.index_cast %add3A_1 : i32 to index
    %get3A_2 = memref.load %arg1[%get3A] : memref<128xi32, #tpu.memory_space<smem>>
    %c0_i32 = arith.constant 0 : i32
    %c0_i32_3 = arith.constant 0 : i32
    %c0_i32_4 = arith.constant 0 : i32
    %c0_i32_5 = arith.constant 0 : i32
    return %get3A_2, %c0_i32, %c0_i32_3, %c0_i32_4 : i32, i32, i32, i32
  }
  func.func @transform_17(%arg0: i32, %arg1: memref<128xi32, #tpu.memory_space<smem>>, %arg2: memref<16xi32, #tpu.memory_space<smem>>) -> (i32, i32, i32, i32) {
    %mul3A = arith.constant 4 : i32
    %mul3A_0 = arith.muli %arg0, %mul3A : i32
    %add3A = arith.constant 2 : i32
    %add3A_1 = arith.addi %mul3A_0, %add3A : i32
    %get3A = arith.index_cast %add3A_1 : i32 to index
    %get3A_2 = memref.load %arg1[%get3A] : memref<128xi32, #tpu.memory_space<smem>>
    %c0_i32 = arith.constant 0 : i32
    %c0_i32_3 = arith.constant 0 : i32
    %c0_i32_4 = arith.constant 0 : i32
    %c0_i32_5 = arith.constant 0 : i32
    return %get3A_2, %c0_i32, %c0_i32_3, %c0_i32_4 : i32, i32, i32, i32
  }
  func.func @transform_18(%arg0: i32, %arg1: memref<128xi32, #tpu.memory_space<smem>>, %arg2: memref<16xi32, #tpu.memory_space<smem>>) -> (i32, i32, i32, i32) {
    %mul3A = arith.constant 4 : i32
    %mul3A_0 = arith.muli %arg0, %mul3A : i32
    %add3A = arith.constant 2 : i32
    %add3A_1 = arith.addi %mul3A_0, %add3A : i32
    %get3A = arith.index_cast %add3A_1 : i32 to index
    %get3A_2 = memref.load %arg1[%get3A] : memref<128xi32, #tpu.memory_space<smem>>
    %c0_i32 = arith.constant 0 : i32
    %c0_i32_3 = arith.constant 0 : i32
    %c0_i32_4 = arith.constant 0 : i32
    %c0_i32_5 = arith.constant 0 : i32
    return %get3A_2, %c0_i32, %c0_i32_3, %c0_i32_4 : i32, i32, i32, i32
  }
  func.func @transform_19(%arg0: i32, %arg1: memref<128xi32, #tpu.memory_space<smem>>, %arg2: memref<16xi32, #tpu.memory_space<smem>>) -> (i32, i32, i32) {
    %mul3A = arith.constant 4 : i32
    %mul3A_0 = arith.muli %arg0, %mul3A : i32
    %add3A = arith.constant 2 : i32
    %add3A_1 = arith.addi %mul3A_0, %add3A : i32
    %get3A = arith.index_cast %add3A_1 : i32 to index
    %get3A_2 = memref.load %arg1[%get3A] : memref<128xi32, #tpu.memory_space<smem>>
    %c0_i32 = arith.constant 0 : i32
    %c0_i32_3 = arith.constant 0 : i32
    %c0_i32_4 = arith.constant 0 : i32
    return %get3A_2, %c0_i32, %c0_i32_3 : i32, i32, i32
  }
  func.func @transform_20(%arg0: i32, %arg1: memref<128xi32, #tpu.memory_space<smem>>, %arg2: memref<16xi32, #tpu.memory_space<smem>>) -> (i32, i32, i32) {
    %mul3A = arith.constant 4 : i32
    %mul3A_0 = arith.muli %arg0, %mul3A : i32
    %add3A = arith.constant 2 : i32
    %add3A_1 = arith.addi %mul3A_0, %add3A : i32
    %get3A = arith.index_cast %add3A_1 : i32 to index
    %get3A_2 = memref.load %arg1[%get3A] : memref<128xi32, #tpu.memory_space<smem>>
    %c0_i32 = arith.constant 0 : i32
    %c0_i32_3 = arith.constant 0 : i32
    %c0_i32_4 = arith.constant 0 : i32
    return %get3A_2, %c0_i32, %c0_i32_3 : i32, i32, i32
  }
  func.func @transform_21(%arg0: i32, %arg1: memref<128xi32, #tpu.memory_space<smem>>, %arg2: memref<16xi32, #tpu.memory_space<smem>>) -> (i32, i32, i32, i32) {
    %mul3A = arith.constant 4 : i32
    %mul3A_0 = arith.muli %arg0, %mul3A : i32
    %add3A = arith.constant 3 : i32
    %add3A_1 = arith.addi %mul3A_0, %add3A : i32
    %get3A = arith.index_cast %add3A_1 : i32 to index
    %get3A_2 = memref.load %arg1[%get3A] : memref<128xi32, #tpu.memory_space<smem>>
    %c0_i32 = arith.constant 0 : i32
    %c0_i32_3 = arith.constant 0 : i32
    %c0_i32_4 = arith.constant 0 : i32
    %c0_i32_5 = arith.constant 0 : i32
    return %get3A_2, %c0_i32, %c0_i32_3, %c0_i32_4 : i32, i32, i32, i32
  }
  func.func @transform_22(%arg0: i32, %arg1: memref<128xi32, #tpu.memory_space<smem>>, %arg2: memref<16xi32, #tpu.memory_space<smem>>) -> (i32, i32, i32, i32) {
    %mul3A = arith.constant 4 : i32
    %mul3A_0 = arith.muli %arg0, %mul3A : i32
    %add3A = arith.constant 3 : i32
    %add3A_1 = arith.addi %mul3A_0, %add3A : i32
    %get3A = arith.index_cast %add3A_1 : i32 to index
    %get3A_2 = memref.load %arg1[%get3A] : memref<128xi32, #tpu.memory_space<smem>>
    %c0_i32 = arith.constant 0 : i32
    %c0_i32_3 = arith.constant 0 : i32
    %c0_i32_4 = arith.constant 0 : i32
    %c0_i32_5 = arith.constant 0 : i32
    return %get3A_2, %c0_i32, %c0_i32_3, %c0_i32_4 : i32, i32, i32, i32
  }
  func.func @transform_23(%arg0: i32, %arg1: memref<128xi32, #tpu.memory_space<smem>>, %arg2: memref<16xi32, #tpu.memory_space<smem>>) -> (i32, i32, i32, i32) {
    %mul3A = arith.constant 4 : i32
    %mul3A_0 = arith.muli %arg0, %mul3A : i32
    %add3A = arith.constant 3 : i32
    %add3A_1 = arith.addi %mul3A_0, %add3A : i32
    %get3A = arith.index_cast %add3A_1 : i32 to index
    %get3A_2 = memref.load %arg1[%get3A] : memref<128xi32, #tpu.memory_space<smem>>
    %c0_i32 = arith.constant 0 : i32
    %c0_i32_3 = arith.constant 0 : i32
    %c0_i32_4 = arith.constant 0 : i32
    %c0_i32_5 = arith.constant 0 : i32
    return %get3A_2, %c0_i32, %c0_i32_3, %c0_i32_4 : i32, i32, i32, i32
  }
  func.func @transform_24(%arg0: i32, %arg1: memref<128xi32, #tpu.memory_space<smem>>, %arg2: memref<16xi32, #tpu.memory_space<smem>>) -> (i32, i32, i32, i32) {
    %mul3A = arith.constant 4 : i32
    %mul3A_0 = arith.muli %arg0, %mul3A : i32
    %add3A = arith.constant 3 : i32
    %add3A_1 = arith.addi %mul3A_0, %add3A : i32
    %get3A = arith.index_cast %add3A_1 : i32 to index
    %get3A_2 = memref.load %arg1[%get3A] : memref<128xi32, #tpu.memory_space<smem>>
    %c0_i32 = arith.constant 0 : i32
    %c0_i32_3 = arith.constant 0 : i32
    %c0_i32_4 = arith.constant 0 : i32
    %c0_i32_5 = arith.constant 0 : i32
    return %get3A_2, %c0_i32, %c0_i32_3, %c0_i32_4 : i32, i32, i32, i32
  }
  func.func @transform_25(%arg0: i32, %arg1: memref<128xi32, #tpu.memory_space<smem>>, %arg2: memref<16xi32, #tpu.memory_space<smem>>) -> (i32, i32, i32) {
    %mul3A = arith.constant 4 : i32
    %mul3A_0 = arith.muli %arg0, %mul3A : i32
    %add3A = arith.constant 3 : i32
    %add3A_1 = arith.addi %mul3A_0, %add3A : i32
    %get3A = arith.index_cast %add3A_1 : i32 to index
    %get3A_2 = memref.load %arg1[%get3A] : memref<128xi32, #tpu.memory_space<smem>>
    %c0_i32 = arith.constant 0 : i32
    %c0_i32_3 = arith.constant 0 : i32
    %c0_i32_4 = arith.constant 0 : i32
    return %get3A_2, %c0_i32, %c0_i32_3 : i32, i32, i32
  }
  func.func @transform_26(%arg0: i32, %arg1: memref<128xi32, #tpu.memory_space<smem>>, %arg2: memref<16xi32, #tpu.memory_space<smem>>) -> (i32, i32, i32) {
    %mul3A = arith.constant 4 : i32
    %mul3A_0 = arith.muli %arg0, %mul3A : i32
    %add3A = arith.constant 3 : i32
    %add3A_1 = arith.addi %mul3A_0, %add3A : i32
    %get3A = arith.index_cast %add3A_1 : i32 to index
    %get3A_2 = memref.load %arg1[%get3A] : memref<128xi32, #tpu.memory_space<smem>>
    %c0_i32 = arith.constant 0 : i32
    %c0_i32_3 = arith.constant 0 : i32
    %c0_i32_4 = arith.constant 0 : i32
    return %get3A_2, %c0_i32, %c0_i32_3 : i32, i32, i32
  }
  func.func @transform_27(%arg0: i32, %arg1: memref<128xi32, #tpu.memory_space<smem>>, %arg2: memref<16xi32, #tpu.memory_space<smem>>) -> (i32, i32) {
    %c0_i32 = arith.constant 0 : i32
    %c0_i32_0 = arith.constant 0 : i32
    return %c0_i32, %arg0 : i32, i32
  }
}

</mosaic_0001>

<sc_bundles>
// kernel: kernel.12.cloned.1.call-start
scs
__scs_entry_jumppad:
0x0: {  	(pc) =	sbr.rel $0x88, $3  }
0x1: {  	(tag) =	ssettag $0x0;
	lr =	simm.s32 $0x1  }
0x2: {  	[smem:$0x3F93] =	sst lr;
	_ =	strace $0xD0000000  }
0x3: {  	_ = 	snop  }
0x4: {  	_ = 	snop  }
0x5: {  	_ = 	snop  }
0x6: {  	_ = 	snop  }
0x7: {  	_ = 	snop  }
__scs_overlays_trampoline_lowered:
0x8: {  	[smem:$0x3FA2] =	sst s0  }
0x9: {  	[smem:$0x3FA3] =	sst s1  }
0xa: {  	[smem:$0x3FA4] =	sst s2  }
0xb: {  	[smem:$0x3FA5] =	sst s3  }
0xc: {  	[smem:$0x3FA6] =	sst s4  }
0xd: {  	[smem:$0x3FA7] =	sst s5  }
0xe: {  	[smem:$0x3FA8] =	sst s6  }
0xf: {  	[smem:$0x3FA9] =	sst s7  }
0x10: {  	[smem:$0x3FAA] =	sst s8  }
0x11: {  	[smem:$0x3FAB] =	sst s9;
	s0 =	simm.s32 @!p0 $0x0  }
0x12: {  	s1 =	sld [smem:$0x3F91];
	s0 =	simm.s32 @p0 $0x1  }
0x13: {  	[smem:$0x3FAC] =	sst s0;
	s0 =	simm.s32 @!p1 $0x0  }
0x14: {  	s2 =	sld [smem:$0x3F90];
	s0 =	simm.s32 @p1 $0x1  }
0x15: {  	[smem:$0x3FAD] =	sst s0;
	s0 =	simm.s32 @!p2 $0x0  }
0x16: {  	s3 =	sld [smem:$0x3FDB];
	s0 =	simm.s32 @p2 $0x1  }
0x17: {  	s4 =	simm.s32 $0x1BF5;
	[smem:$0x3FAF] =	sst s0  }
0x18: {  	s0 =	sld [smem:$0x3F92];
	_ =	swait.ge [sflag:s4], $0x0  }
0x19: {  	s7 =	sld [smem:$0x3F93]  }
0x1a: {  	s8 =	sadd.s32 $0xFFFFE003, lr  }
0x1b: {  	s9 =	sadd.s32 $0xFFFFFEF7, lr;
	s5 =	simm.s32 $0xFFFFFFFF;
	p2 =	slt.u32 s8, $0xFFFFF086  }
0x1c: {  	p1 =	slt.u32 s9, $0xF7A;
	s5 =	simm.s32 @!p2 $0x0  }
0x1d: {  	s5 =	simm.s32 @p1 $0x1;
	p0 =	seq.s32 s7, s2  }
0x1e: {  	s7 =	smul.u32 @!p0 $0xF7A, s2;
	p2 =	seq.s32 @!p0 s5, $0x0  }
0x1f: {  	s9 =	smul.u32 $0xF7A, s1;
	s8 =	simm.s32 @!p0 $0x1BF5;
	p2 =	por !p2, p0  }
0x20: {  	[sflag:s8] =	ssyncset.s32 @!p0 $0xFFFFF086;
	s6 =	sadd.s32 @!p0 s3, s7;
	s7 =	simm.s32 @!p0 $0x108  }
0x21: {  	s3 =	sadd.s32 s3, s9;
	s6 =	sadd.s32 @!p0 $0x88, s6;
	s7 =	simm.s32 @p2 $0x1082  }
0x22: {  	[simem:s7], [sflag:s8] =	dma.local @!p0 [hbm:s6], $0xF7A  }
0x23: {  	s9 =	sor.u32 $0xD0000000, s2;
	s6 =	simm.s32 $0x108;
	_ =	swait.ge @!p0 [sflag:s8], $0x0  }
0x24: {  	s3 =	sadd.s32 $0x88, s3;
	s6 =	simm.s32 @!p1 $0x1082;
	[sflag:s4] =	ssyncset.s32 $0xFFFFF086  }
0x25: {  	[simem:s6], [sflag:s4] =	dma.local [hbm:s3], $0xF7A  }
0x26: {  	[smem:$0x3F93] =	sst s1;
	(tag) =	ssettag s2;
	_ =	strace s9  }
0x27: {  	s1 =	sld [smem:$0x3FA3]  }
0x28: {  	s2 =	sld [smem:$0x3FA4]  }
0x29: {  	s4 =	sld [smem:$0x3FA6]  }
0x2a: {  	p0 =	seq.s32 s5, $0x0;
	s5 =	sld [smem:$0x3FA7]  }
0x2b: {  	s6 =	sld [smem:$0x3FA8]  }
0x2c: {  	s7 =	sld [smem:$0x3FA9]  }
0x2d: {  	s3 =	simm.s32 $0x108;
	s8 =	sld [smem:$0x3FAA]  }
0x2e: {  	s3 =	simm.s32 @!p0 $0x1082;
	s9 =	sld [smem:$0x3FAB]  }
0x2f: {  	lr =	sadd.s32 s0, s3;
	s0 =	sld [smem:$0x3FA2]  }
0x30: {  	s3 =	sld [smem:$0x3FA5]  }
0x31: {  	[smem:$0x3FAE] =	sst s10  }
0x32: {  	s10 =	sld [smem:$0x3FAC];
	_ =	sdelay $0x3  }
0x33: {  	p0 =	seq.s32 s10, $0x1;
	s10 =	sld [smem:$0x3FAE];
	_ =	sdelay $0x3  }
0x34: {  	[smem:$0x3FAE] =	sst s10  }
0x35: {  	s10 =	sld [smem:$0x3FAD];
	_ =	sdelay $0x3  }
0x36: {  	p1 =	seq.s32 s10, $0x1;
	s10 =	sld [smem:$0x3FAE];
	_ =	sdelay $0x3  }
0x37: {  	[smem:$0x3FAE] =	sst s10  }
0x38: {  	s10 =	sld [smem:$0x3FAF]  }
0x39: {  	_ = 	snop;
	(pc) =	sbr.ind lr, $3  }
0x3a: {  	_ = 	snop  }
0x3b: {  	_ = 	snop  }
0x3c: {  	p2 =	seq.s32 s10, $0x1;
	s10 =	sld [smem:$0x3FAE]  }
0x3d: {  	_ =	shalt  }
0x3e: {  	_ =	shalt  }
0x3f: {  	_ =	shalt  }
0x40: {  	_ =	shalt  }
0x41: {  	_ =	shalt  }
0x42: {  	_ =	shalt  }
0x43: {  	_ =	shalt  }
0x44: {  	_ =	shalt  }
0x45: {  	_ =	shalt  }
0x46: {  	_ =	shalt  }
0x47: {  	_ =	shalt  }
0x48: {  	_ =	shalt  }
0x49: {  	_ =	shalt  }
0x4a: {  	_ =	shalt  }
0x4b: {  	_ =	shalt  }
0x4c: {  	_ =	shalt  }
0x4d: {  	_ =	shalt  }
0x4e: {  	_ =	shalt  }
0x4f: {  	_ =	shalt  }
0x50: {  	_ =	shalt  }
0x51: {  	_ =	shalt  }
0x52: {  	_ =	shalt  }
0x53: {  	_ =	shalt  }
0x54: {  	_ =	shalt  }
0x55: {  	_ =	shalt  }
0x56: {  	_ =	shalt  }
0x57: {  	_ =	shalt  }
0x58: {  	_ =	shalt  }
0x59: {  	_ =	shalt  }
0x5a: {  	_ =	shalt  }
0x5b: {  	_ =	shalt  }
0x5c: {  	_ =	shalt  }
0x5d: {  	_ =	shalt  }
0x5e: {  	_ =	shalt  }
0x5f: {  	_ =	shalt  }
0x60: {  	_ =	shalt  }
0x61: {  	_ =	shalt  }
0x62: {  	_ =	shalt  }
0x63: {  	_ =	shalt  }
0x64: {  	_ =	shalt  }
0x65: {  	_ =	shalt  }
0x66: {  	_ =	shalt  }
0x67: {  	_ =	shalt  }
0x68: {  	_ =	shalt  }
0x69: {  	_ =	shalt  }
0x6a: {  	_ =	shalt  }
0x6b: {  	_ =	shalt  }
0x6c: {  	_ =	shalt  }
0x6d: {  	_ =	shalt  }
0x6e: {  	_ =	shalt  }
0x6f: {  	_ =	shalt  }
0x70: {  	_ =	shalt  }
0x71: {  	_ =	shalt  }
0x72: {  	_ =	shalt  }
0x73: {  	_ =	shalt  }
0x74: {  	_ =	shalt  }
0x75: {  	_ =	shalt  }
0x76: {  	_ =	shalt  }
0x77: {  	_ =	shalt  }
0x78: {  	_ =	shalt  }
0x79: {  	_ =	shalt  }
0x7a: {  	_ =	shalt  }
0x7b: {  	_ =	shalt  }
0x7c: {  	_ =	shalt  }
0x7d: {  	_ =	shalt  }
0x7e: {  	_ =	shalt  }
0x7f: {  	_ =	shalt  }
0x80: {  	_ =	shalt  }
0x81: {  	_ =	shalt  }
0x82: {  	_ =	shalt  }
0x83: {  	_ =	shalt  }
0x84: {  	_ =	shalt  }
0x85: {  	_ =	shalt  }
0x86: {  	_ =	shalt  }
0x87: {  	_ =	shalt  }
.Lfunc_end0:
.L_simem_size_0:
called_computation.2_lowered:
.L_overlay_start_0:
0x88: {  	s2 =	sld [smem:$0x3FD9]  }
0x89: {  	s3 =	sld [smem:$0x3FFE];
	_ =	sdelay $0x1  }
0x8a: {  	s1 =	srdreg.scid  }
0x8b: {  	s0 =	sand.u32 $0x1, s1  }
0x8c: {  	s16 =	sshll.u32 s0, $0xA;
	s2 =	sadd.s32 s3, s2  }
0x8d: {  	s2 =	sadd.s32 s2, s16  }
0x8e: {  	[smem:$0x3FBA] =	sst s2  }
0x8f: {  	_ = 	snop  }
0x90: {  	(tm) =	ssettm $0x1  }
0x91: {  	s17 =	sld [smem:$0x3FFB];
	_ =	sdelay $0x3  }
0x92: {  	_ =	strace s17  }
0x93: {  	s2 =	sld [smem:$0x3FFC];
	_ =	sdelay $0x3  }
0x94: {  	_ =	strace s2  }
0x95: {  	s2 =	sld [smem:$0x3FFD];
	_ =	sdelay $0x3  }
0x96: {  	_ =	strace s2  }
0x97: {  	_ =	strace $0x8FFFFFFF  }
0x98: {  	s18 =	sld [smem:$0x3FDB];
	_ =	sdelay $0x1  }
0x99: {  	s19 =	simm.s32 $_scs_section_size  }
0x9a: {  	s4 =	simm.s32 $_size__tile_overlayer_lowered;
	s5 =	simm.s32 $_tile_overlayer_lowered  }
0x9b: {  	s22 =	simm.s32 $0x1BFF;
	s21 =	sshll.u32 s5, $0x1;
	s2 =	sadd.s32 s19, s18  }
0x9c: {  	s6 =	simm.s32 $0x0;
	s20 =	sshll.u32 s4, $0x1;
	s4 =	sadd.s32 s21, s2  }
0x9d: {  	[timem:s6], [sflag:s22] =	dma.local [hbm:s4], s20  }
0x9e: {  	_ =	swait.ge [sflag:s22], s20  }
0x9f: {  	s3 =	ssub.s32 $0x0, s20;
	[sflag:s22] =	ssyncset.done $0x0  }
0xa0: {  	[sflag:s22] =	ssyncadd.s32 s3;
	_ =	sdelay $0x1  }
0xa1: {  	s23 =	simm.s32 $0x1B8B  }
0xa2: {  	_ =	swait.ge [sflag:s23], $0x1  }
0xa3: {  	[sflag:s23] =	ssyncset.done $0x0  }
0xa4: {  	s25 =	simm.s32 $0x1B8E;
	s24 =	sld [smem:$0x3FFE];
	[sflag:s23] =	ssyncadd.s32 $0xFFFFFFFF  }
0xa5: {  	s26 =	simm.s32 $execute0_lowered;
	[smem:$0x3FD2] =	sst s25  }
0xa6: {  	s4 =	sshll.u32 s26, $0x1;
	_ =	strace $0x8000004C;
	[dreg:$0x1] =	wrdreg $0xFFFFFFFF  }
0xa7: {  	s28 =	simm.s32 $_size_execute0_lowered;
	s2 =	sadd.s32 s2, s4;
	[dreg:$0x0] =	wrdreg $0x0  }
0xa8: {  	s4 =	sshll.u32 s28, $0x1;
	[dreg:$0x2] =	wrdreg s2  }
0xa9: {  	[dreg:$0x3] =	wrdreg s4  }
0xaa: {  	[dreg:$0x4] =	wrdreg $0xC0  }
0xab: {  	_ =	task [dreg:s6], $0x5FFFF  }
0xac: {  	[dreg:$0x1] =	wrdreg $0xFFFFFFFF  }
0xad: {  	[dreg:$0x0] =	wrdreg $0x60  }
0xae: {  	[dreg:$0x2] =	wrdreg s24  }
0xaf: {  	[dreg:$0x3] =	wrdreg $0x9  }
0xb0: {  	_ =	task.clear_ibuf [dreg:s6], $0x4FFFF;
	_ =	strace $0x9000004C  }
0xb1: {  	s29 =	simm.s32 $0x9;
	_ =	strace $0x8000004E  }
0xb2: {  	_ =	swait.ge [sflag:s29], $0x1  }
0xb3: {  	[sflag:s29] =	ssyncadd.s32 $0xFFFFFFFF  }
0xb4: {  	_ =	strace $0x9000004E  }
0xb5: {  	_ =	sfence  }
0xb6: {  	s30 =	sld [smem:$0x0];
	_ =	sdelay $0x2  }
0xb7: {  	s31 =	sshll.u32 s1, $0xD;
	s1 =	sshrl.u32 s1, $0x2  }
0xb8: {  	s3 =	sand.u32 $0x4000, s31;
	s1 =	sadd.s32 s1, s30  }
0xb9: {  	s0 =	sor.u32 s3, s0;
	s1 =	sshll.u32 s1, $0x11  }
0xba: {  	s0 =	sor.u32 s1, s0  }
0xbb: {  	s0 =	sadd.s32 $0x8F2B, s0  }
0xbc: {  	[sflag:s0] =	ssyncadd.remote.s32 $0x1  }
0xbd: {  	_ =	sfence.sel $0xFFFF  }
0xbe: {  	[dreg:$0x0] =	wrdreg $0xFFFFFFFF;
	(pc) =	sbr.abs _section_cstart, $3  }
0xbf: {  	[dreg:$0x1] =	wrdreg $0xFFFFFFFF  }
0xc0: {  	_ =	task.clear_ibuf [dreg:s6], $0x2FFFF;
	_ =	strace $0x9FFFFFFF  }
0xc1: {  	(tm) =	ssettm $0x7FFFFFFF  }
tec
execute0_lowered:
.L_overlay_start_1:
0x0: {  	(tag) =	ssettag $0x1  }
0x1: {  	s1 =	srdreg.scid  }
0x2: {  	s0 =	stileid.u32;
	s16 =	sand.u32 $0x1, s1  }
0x3: {  	s30 =	sshll.u32 s0, $0xA;
	s2 =	sshll.u32 s16, $0x9  }
0x4: {  	s17 =	rddreg [dreg:$0x0];
	s18 =	sor.u32 s2, s30  }
0x5: {  	s1 =	rddreg [dreg:$0x1];
	s2 =	simm.s32 $0x0;
	s3 =	sshrl.u32 s18, $0x3  }
0x6: {  	[smem:$0x7FF] =	sst s2;
	s9 =	sadd.s32 s3, s17  }
0x7: {  	_ =	strace $0x8000004D;
	s3 =	simm.s32 $0x2;
	s4 =	sadd.s32 $0x10800, s9  }
0x8: {  	[tilespmem:s2], [sflag:$0x2] =	stream.linear.gather [hbm4b:s4+s2], $0x80, $0x38;
	[tilespmem:$0x1200] =	vst v63  }
0x9: {  	_ =	swait.ge [sflag:s3], $0x80  }
0xa: {  	[sflag:s3] =	ssyncset.done $0x0  }
0xb: {  	s6 =	simm.s32 $0x80;
	s5 =	sadd.s32 $0x10810, s9;
	[sflag:s3] =	ssyncadd.s32 $0xFFFFFF80  }
0xc: {  	[tilespmem:s6], [sflag:$0x2] =	stream.linear.gather [hbm4b:s5+s2], $0x80, $0x38;
	[tilespmem:$0x1200] =	vst v63  }
0xd: {  	_ =	swait.ge [sflag:s3], $0x80  }
0xe: {  	[sflag:s3] =	ssyncset.done $0x0  }
0xf: {  	s8 =	simm.s32 $0x100;
	s7 =	sadd.s32 $0x10820, s9;
	[sflag:s3] =	ssyncadd.s32 $0xFFFFFF80  }
0x10: {  	[tilespmem:s8], [sflag:$0x2] =	stream.linear.gather [hbm4b:s7+s2], $0x80, $0x38;
	[tilespmem:$0x1200] =	vst v63  }
0x11: {  	_ =	swait.ge [sflag:s3], $0x80  }
0x12: {  	[sflag:s3] =	ssyncset.done $0x0  }
0x13: {  	s10 =	simm.s32 $0x180;
	s9 =	sadd.s32 $0x10830, s9;
	[sflag:s3] =	ssyncadd.s32 $0xFFFFFF80  }
0x14: {  	[tilespmem:s10], [sflag:$0x2] =	stream.linear.gather [hbm4b:s9+s2], $0x80, $0x38;
	[tilespmem:$0x1200] =	vst v63  }
0x15: {  	_ =	swait.ge [sflag:s3], $0x80  }
0x16: {  	s12 =	simm.s32 $0x200;
	[sflag:s3] =	ssyncset.done $0x0  }
0x17: {  	s13 =	simm.s32 $0x1;
	s11 =	sadd.s32 $0x3A00, s17;
	[sflag:s3] =	ssyncadd.s32 $0xFFFFFF80  }
0x18: {  	[tilespmem:s12], [sflag:$0x1] =	stream.indirect.gather [hbm4b:s11+s6], $0x8, s2, s6, $0xb8;
	[tilespmem:$0x1200] =	vst v63  }
0x19: {  	_ =	swait.ge [sflag:s13], $0x400  }
0x1a: {  	[sflag:s13] =	ssyncset.done $0x0  }
0x1b: {  	s14 =	simm.s32 $0x600;
	[sflag:s13] =	ssyncadd.s32 $0xFFFFFC00  }
0x1c: {  	[tilespmem:s14], [sflag:$0x1] =	stream.indirect.gather [hbm4b:s11+s6], $0x8, s6, s6, $0xb8;
	[tilespmem:$0x1200] =	vst v63  }
0x1d: {  	_ =	swait.ge [sflag:s13], $0x400  }
0x1e: {  	[sflag:s13] =	ssyncset.done $0x0  }
0x1f: {  	s15 =	simm.s32 $0xA00;
	s19 =	ssub.s32 $0x2, s16;
	[sflag:s13] =	ssyncadd.s32 $0xFFFFFC00  }
0x20: {  	[tilespmem:s15], [sflag:$0x1] =	stream.indirect.gather [hbm4b:s11+s6], $0x8, s8, s6, $0xb8;
	[tilespmem:$0x1200] =	vst v63  }
0x21: {  	s20 =	sshrl.u32 s19, $0x1;
	_ =	swait.ge [sflag:s13], $0x400  }
0x22: {  	s16 =	simm.s32 $0xE00;
	s31 =	ssub.s32 s19, s20;
	[sflag:s13] =	ssyncset.done $0x0  }
0x23: {  	s17 =	sadd.s32 s18, s17;
	s18 =	smax.u32 s31, $0x1;
	[sflag:s13] =	ssyncadd.s32 $0xFFFFFC00  }
0x24: {  	[tilespmem:s16], [sflag:$0x1] =	stream.indirect.gather [hbm4b:s11+s6], $0x8, s10, s6, $0xb8;
	[tilespmem:$0x1200] =	vst v63  }
0x25: {  	p0 =	sne.s32 s18, $0x1;
	_ =	swait.ge [sflag:s13], $0x400  }
.Ltmp0:
0x26: {  	[sflag:s13] =	ssyncset.done $0x0;
	(pc) =	sbr.rel @!p0 .LBB2_2-.Ltmp0, $4  }
0x27: {  	s17 =	sadd.s32 $0xBA00, s17;
	[sflag:s13] =	ssyncadd.s32 $0xFFFFFC00  }
0x28: {  	[hbm4b:s17+s2] =	stream.linear.scatter [tilespmem:s12], [sflag:$0x2], $0x1000, $0x38;
	[tilespmem:$0x1200] =	vst v63  }
0x29: {  	_ =	swait.ge [sflag:s3], $0x1000  }
0x2a: {  	s18 =	sadd.s32 $0xFFFFFFFF, s18;
	[sflag:s3] =	ssyncset.done $0x0  }
.LBB2_1:
0x2b: {  	p0 =	sne.s32 s18, $0x1;
	s18 =	sadd.s32 $0xFFFFFFFF, s18;
	[sflag:s3] =	ssyncadd.s32 $0xFFFFF000  }
0x2c: {  	[tilespmem:s2], [sflag:$0x2] =	stream.linear.gather [hbm4b:s4+s2], $0x80, $0x38;
	[tilespmem:$0x1200] =	vst v63  }
0x2d: {  	_ =	swait.ge [sflag:s3], $0x80  }
0x2e: {  	[sflag:s3] =	ssyncset.done $0x0  }
0x2f: {  	[sflag:s3] =	ssyncadd.s32 $0xFFFFFF80  }
0x30: {  	[tilespmem:s6], [sflag:$0x2] =	stream.linear.gather [hbm4b:s5+s2], $0x80, $0x38;
	[tilespmem:$0x1200] =	vst v63  }
0x31: {  	_ =	swait.ge [sflag:s3], $0x80  }
0x32: {  	[sflag:s3] =	ssyncset.done $0x0  }
0x33: {  	[sflag:s3] =	ssyncadd.s32 $0xFFFFFF80  }
0x34: {  	[tilespmem:s8], [sflag:$0x2] =	stream.linear.gather [hbm4b:s7+s2], $0x80, $0x38;
	[tilespmem:$0x1200] =	vst v63  }
0x35: {  	_ =	swait.ge [sflag:s3], $0x80  }
0x36: {  	[sflag:s3] =	ssyncset.done $0x0  }
0x37: {  	[sflag:s3] =	ssyncadd.s32 $0xFFFFFF80  }
0x38: {  	[tilespmem:s10], [sflag:$0x2] =	stream.linear.gather [hbm4b:s9+s2], $0x80, $0x38;
	[tilespmem:$0x1200] =	vst v63  }
0x39: {  	_ =	swait.ge [sflag:s3], $0x80  }
0x3a: {  	[sflag:s3] =	ssyncset.done $0x0  }
0x3b: {  	[sflag:s3] =	ssyncadd.s32 $0xFFFFFF80  }
0x3c: {  	[tilespmem:s12], [sflag:$0x1] =	stream.indirect.gather [hbm4b:s11+s6], $0x8, s2, s6, $0xb8;
	[tilespmem:$0x1200] =	vst v63  }
0x3d: {  	_ =	swait.ge [sflag:s13], $0x400  }
0x3e: {  	[sflag:s13] =	ssyncset.done $0x0  }
0x3f: {  	[sflag:s13] =	ssyncadd.s32 $0xFFFFFC00  }
0x40: {  	[tilespmem:s14], [sflag:$0x1] =	stream.indirect.gather [hbm4b:s11+s6], $0x8, s6, s6, $0xb8;
	[tilespmem:$0x1200] =	vst v63  }
0x41: {  	_ =	swait.ge [sflag:s13], $0x400  }
0x42: {  	[sflag:s13] =	ssyncset.done $0x0  }
0x43: {  	[sflag:s13] =	ssyncadd.s32 $0xFFFFFC00  }
0x44: {  	[tilespmem:s15], [sflag:$0x1] =	stream.indirect.gather [hbm4b:s11+s6], $0x8, s8, s6, $0xb8;
	[tilespmem:$0x1200] =	vst v63  }
0x45: {  	_ =	swait.ge [sflag:s13], $0x400  }
0x46: {  	[sflag:s13] =	ssyncset.done $0x0  }
0x47: {  	[sflag:s13] =	ssyncadd.s32 $0xFFFFFC00  }
0x48: {  	[tilespmem:s16], [sflag:$0x1] =	stream.indirect.gather [hbm4b:s11+s6], $0x8, s10, s6, $0xb8;
	[tilespmem:$0x1200] =	vst v63  }
0x49: {  	_ =	swait.ge [sflag:s13], $0x400  }
.Ltmp1:
0x4a: {  	[sflag:s13] =	ssyncset.done $0x0;
	(pc) =	sbr.rel @p0 .LBB2_1-.Ltmp1, $4  }
0x4b: {  	[sflag:s13] =	ssyncadd.s32 $0xFFFFFC00  }
0x4c: {  	[hbm4b:s17+s2] =	stream.linear.scatter [tilespmem:s12], [sflag:$0x2], $0x1000, $0x38;
	[tilespmem:$0x1200] =	vst v63  }
0x4d: {  	_ =	swait.ge [sflag:s3], $0x1000  }
0x4e: {  	[sflag:s3] =	ssyncset.done $0x0  }
.LBB2_2:
0x4f: {  	[sflag:s3] =	ssyncadd.s32 $0xFFFFF000  }
0x50: {  	_ =	sfence.sel $0x180000  }
0x51: {  	[bflag:$0x0] =	sbarrier.arrive $0xFFFF  }
0x52: {  	p0 =	sne.s32 s0, $0x0;
	_ =	strace $0x9000004D  }
0x53: {  	s0 =	sadd.s32 @!p0 $0x100000, s1;
	[bflag:$0x2] =	sbarrier.arrive $0xFFFF  }
0x54: {  	[sflag:s0] =	ssyncadd.tile.s32 @!p0 $0x1;
	_ =	shalt  }
.Lfunc_end2:
_tile_overlayer_lowered:
.L_overlay_start_2:
0x55: {  	(tag) =	ssettag $0x2  }
0x56: {  	s0 =	rddreg [dreg:$0x0];
	s2 =	stileid.u32  }
0x57: {  	s1 =	rddreg [dreg:$0x1];
	p0 =	sne.s32 s2, $0x0  }
0x58: {  	s3 =	rddreg [dreg:$0x2];
	[bflag:$0x3] =	sbarrier.arrive $0xFFFF;
	s2 =	simm.s32 @!p0 $0x1C02  }
0x59: {  	[timem:s3], [sflag:s2] =	dma.local @!p0 [hbm:s0], s1  }
0x5a: {  	s0 =	simm.s32 @!p0 $0x2  }
0x5b: {  	_ =	swait.ge @!p0 [sflag:s0], s1  }
0x5c: {  	s1 =	ssub.s32 @!p0 $0x0, s1;
	[sflag:s0] =	ssyncset.done @!p0 $0x0  }
0x5d: {  	[sflag:s0] =	ssyncadd.s32 @!p0 s1  }
0x5e: {  	[bflag:$0x3] =	sbarrier.arrive $0xFFFF  }
0x5f: {  	_ =	shalt  }

// kernel: kernel.6.cloned.1.call-start
scs
__scs_entry_jumppad:
0x0: {  	(pc) =	sbr.rel $0x88, $3  }
0x1: {  	(tag) =	ssettag $0x0;
	lr =	simm.s32 $0x1  }
0x2: {  	[smem:$0x3F93] =	sst lr;
	_ =	strace $0xD0000000  }
0x3: {  	_ = 	snop  }
0x4: {  	_ = 	snop  }
0x5: {  	_ = 	snop  }
0x6: {  	_ = 	snop  }
0x7: {  	_ = 	snop  }
__scs_overlays_trampoline_lowered:
0x8: {  	[smem:$0x3FA2] =	sst s0  }
0x9: {  	[smem:$0x3FA3] =	sst s1  }
0xa: {  	[smem:$0x3FA4] =	sst s2  }
0xb: {  	[smem:$0x3FA5] =	sst s3  }
0xc: {  	[smem:$0x3FA6] =	sst s4  }
0xd: {  	[smem:$0x3FA7] =	sst s5  }
0xe: {  	[smem:$0x3FA8] =	sst s6  }
0xf: {  	[smem:$0x3FA9] =	sst s7  }
0x10: {  	[smem:$0x3FAA] =	sst s8  }
0x11: {  	[smem:$0x3FAB] =	sst s9;
	s0 =	simm.s32 @!p0 $0x0  }
0x12: {  	s1 =	sld [smem:$0x3F91];
	s0 =	simm.s32 @p0 $0x1  }
0x13: {  	[smem:$0x3FAC] =	sst s0;
	s0 =	simm.s32 @!p1 $0x0  }
0x14: {  	s2 =	sld [smem:$0x3F90];
	s0 =	simm.s32 @p1 $0x1  }
0x15: {  	[smem:$0x3FAD] =	sst s0;
	s0 =	simm.s32 @!p2 $0x0  }
0x16: {  	s3 =	sld [smem:$0x3FDB];
	s0 =	simm.s32 @p2 $0x1  }
0x17: {  	s4 =	simm.s32 $0x1BF5;
	[smem:$0x3FAF] =	sst s0  }
0x18: {  	s0 =	sld [smem:$0x3F92];
	_ =	swait.ge [sflag:s4], $0x0  }
0x19: {  	s7 =	sld [smem:$0x3F93]  }
0x1a: {  	s8 =	sadd.s32 $0xFFFFE003, lr  }
0x1b: {  	s9 =	sadd.s32 $0xFFFFFEF7, lr;
	s5 =	simm.s32 $0xFFFFFFFF;
	p2 =	slt.u32 s8, $0xFFFFF086  }
0x1c: {  	p1 =	slt.u32 s9, $0xF7A;
	s5 =	simm.s32 @!p2 $0x0  }
0x1d: {  	s5 =	simm.s32 @p1 $0x1;
	p0 =	seq.s32 s7, s2  }
0x1e: {  	s7 =	smul.u32 @!p0 $0xF7A, s2;
	p2 =	seq.s32 @!p0 s5, $0x0  }
0x1f: {  	s9 =	smul.u32 $0xF7A, s1;
	s8 =	simm.s32 @!p0 $0x1BF5;
	p2 =	por !p2, p0  }
0x20: {  	[sflag:s8] =	ssyncset.s32 @!p0 $0xFFFFF086;
	s6 =	sadd.s32 @!p0 s3, s7;
	s7 =	simm.s32 @!p0 $0x108  }
0x21: {  	s3 =	sadd.s32 s3, s9;
	s6 =	sadd.s32 @!p0 $0x88, s6;
	s7 =	simm.s32 @p2 $0x1082  }
0x22: {  	[simem:s7], [sflag:s8] =	dma.local @!p0 [hbm:s6], $0xF7A  }
0x23: {  	s9 =	sor.u32 $0xD0000000, s2;
	s6 =	simm.s32 $0x108;
	_ =	swait.ge @!p0 [sflag:s8], $0x0  }
0x24: {  	s3 =	sadd.s32 $0x88, s3;
	s6 =	simm.s32 @!p1 $0x1082;
	[sflag:s4] =	ssyncset.s32 $0xFFFFF086  }
0x25: {  	[simem:s6], [sflag:s4] =	dma.local [hbm:s3], $0xF7A  }
0x26: {  	[smem:$0x3F93] =	sst s1;
	(tag) =	ssettag s2;
	_ =	strace s9  }
0x27: {  	s1 =	sld [smem:$0x3FA3]  }
0x28: {  	s2 =	sld [smem:$0x3FA4]  }
0x29: {  	s4 =	sld [smem:$0x3FA6]  }
0x2a: {  	p0 =	seq.s32 s5, $0x0;
	s5 =	sld [smem:$0x3FA7]  }
0x2b: {  	s6 =	sld [smem:$0x3FA8]  }
0x2c: {  	s7 =	sld [smem:$0x3FA9]  }
0x2d: {  	s3 =	simm.s32 $0x108;
	s8 =	sld [smem:$0x3FAA]  }
0x2e: {  	s3 =	simm.s32 @!p0 $0x1082;
	s9 =	sld [smem:$0x3FAB]  }
0x2f: {  	lr =	sadd.s32 s0, s3;
	s0 =	sld [smem:$0x3FA2]  }
0x30: {  	s3 =	sld [smem:$0x3FA5]  }
0x31: {  	[smem:$0x3FAE] =	sst s10  }
0x32: {  	s10 =	sld [smem:$0x3FAC];
	_ =	sdelay $0x3  }
0x33: {  	p0 =	seq.s32 s10, $0x1;
	s10 =	sld [smem:$0x3FAE];
	_ =	sdelay $0x3  }
0x34: {  	[smem:$0x3FAE] =	sst s10  }
0x35: {  	s10 =	sld [smem:$0x3FAD];
	_ =	sdelay $0x3  }
0x36: {  	p1 =	seq.s32 s10, $0x1;
	s10 =	sld [smem:$0x3FAE];
	_ =	sdelay $0x3  }
0x37: {  	[smem:$0x3FAE] =	sst s10  }
0x38: {  	s10 =	sld [smem:$0x3FAF]  }
0x39: {  	_ = 	snop;
	(pc) =	sbr.ind lr, $3  }
0x3a: {  	_ = 	snop  }
0x3b: {  	_ = 	snop  }
0x3c: {  	p2 =	seq.s32 s10, $0x1;
	s10 =	sld [smem:$0x3FAE]  }
0x3d: {  	_ =	shalt  }
0x3e: {  	_ =	shalt  }
0x3f: {  	_ =	shalt  }
0x40: {  	_ =	shalt  }
0x41: {  	_ =	shalt  }
0x42: {  	_ =	shalt  }
0x43: {  	_ =	shalt  }
0x44: {  	_ =	shalt  }
0x45: {  	_ =	shalt  }
0x46: {  	_ =	shalt  }
0x47: {  	_ =	shalt  }
0x48: {  	_ =	shalt  }
0x49: {  	_ =	shalt  }
0x4a: {  	_ =	shalt  }
0x4b: {  	_ =	shalt  }
0x4c: {  	_ =	shalt  }
0x4d: {  	_ =	shalt  }
0x4e: {  	_ =	shalt  }
0x4f: {  	_ =	shalt  }
0x50: {  	_ =	shalt  }
0x51: {  	_ =	shalt  }
0x52: {  	_ =	shalt  }
0x53: {  	_ =	shalt  }
0x54: {  	_ =	shalt  }
0x55: {  	_ =	shalt  }
0x56: {  	_ =	shalt  }
0x57: {  	_ =	shalt  }
0x58: {  	_ =	shalt  }
0x59: {  	_ =	shalt  }
0x5a: {  	_ =	shalt  }
0x5b: {  	_ =	shalt  }
0x5c: {  	_ =	shalt  }
0x5d: {  	_ =	shalt  }
0x5e: {  	_ =	shalt  }
0x5f: {  	_ =	shalt  }
0x60: {  	_ =	shalt  }
0x61: {  	_ =	shalt  }
0x62: {  	_ =	shalt  }
0x63: {  	_ =	shalt  }
0x64: {  	_ =	shalt  }
0x65: {  	_ =	shalt  }
0x66: {  	_ =	shalt  }
0x67: {  	_ =	shalt  }
0x68: {  	_ =	shalt  }
0x69: {  	_ =	shalt  }
0x6a: {  	_ =	shalt  }
0x6b: {  	_ =	shalt  }
0x6c: {  	_ =	shalt  }
0x6d: {  	_ =	shalt  }
0x6e: {  	_ =	shalt  }
0x6f: {  	_ =	shalt  }
0x70: {  	_ =	shalt  }
0x71: {  	_ =	shalt  }
0x72: {  	_ =	shalt  }
0x73: {  	_ =	shalt  }
0x74: {  	_ =	shalt  }
0x75: {  	_ =	shalt  }
0x76: {  	_ =	shalt  }
0x77: {  	_ =	shalt  }
0x78: {  	_ =	shalt  }
0x79: {  	_ =	shalt  }
0x7a: {  	_ =	shalt  }
0x7b: {  	_ =	shalt  }
0x7c: {  	_ =	shalt  }
0x7d: {  	_ =	shalt  }
0x7e: {  	_ =	shalt  }
0x7f: {  	_ =	shalt  }
0x80: {  	_ =	shalt  }
0x81: {  	_ =	shalt  }
0x82: {  	_ =	shalt  }
0x83: {  	_ =	shalt  }
0x84: {  	_ =	shalt  }
0x85: {  	_ =	shalt  }
0x86: {  	_ =	shalt  }
0x87: {  	_ =	shalt  }
.Lfunc_end0:
.L_simem_size_0:
called_computation_lowered:
.L_overlay_start_0:
0x88: {  	s2 =	sld [smem:$0x3FD9]  }
0x89: {  	s3 =	sld [smem:$0x3FFE];
	_ =	sdelay $0x1  }
0x8a: {  	s1 =	srdreg.scid  }
0x8b: {  	s0 =	sand.u32 $0x1, s1  }
0x8c: {  	s14 =	sshll.u32 s0, $0xA;
	s2 =	sadd.s32 s3, s2  }
0x8d: {  	s2 =	sadd.s32 s2, s14  }
0x8e: {  	[smem:$0x3FBA] =	sst s2  }
0x8f: {  	_ = 	snop  }
0x90: {  	s2 =	sld [smem:$0x3FD0];
	_ =	sdelay $0x2  }
0x91: {  	s15 =	simm.s32 $0xA;
	s4 =	simm.s32 $0x10  }
0x92: {  	[smem:s4], [sflag:s15] =	dma.local [hbm:s2], $0x1  }
0x93: {  	_ =	swait.eq [sflag:s15], $0x1  }
0x94: {  	[sflag:s15] =	ssyncset.done $0x0  }
0x95: {  	s16 =	sld [smem:$0x10];
	[sflag:s15] =	ssyncadd.s32 $0xFFFFFFFF  }
0x96: {  	s17 =	sld [smem:$0x11];
	(tm) =	ssettm $0x1  }
0x97: {  	s18 =	sld [smem:$0x3FFB];
	_ =	sdelay $0x3  }
0x98: {  	_ =	strace s18  }
0x99: {  	s4 =	sld [smem:$0x3FFC];
	_ =	sdelay $0x3  }
0x9a: {  	_ =	strace s4  }
0x9b: {  	s4 =	sld [smem:$0x3FFD];
	_ =	sdelay $0x3  }
0x9c: {  	_ =	strace s4  }
0x9d: {  	_ =	strace $0x8FFFFFFF  }
0x9e: {  	s19 =	sld [smem:$0x3FDB];
	_ =	sdelay $0x1  }
0x9f: {  	s5 =	simm.s32 $_scs_section_size  }
0xa0: {  	s6 =	simm.s32 $_size__tile_overlayer_lowered;
	s7 =	simm.s32 $_tile_overlayer_lowered  }
0xa1: {  	s22 =	simm.s32 $0x1BFF;
	s21 =	sshll.u32 s7, $0x1;
	s4 =	sadd.s32 s5, s19  }
0xa2: {  	s8 =	simm.s32 $0x0;
	s20 =	sshll.u32 s6, $0x1;
	s6 =	sadd.s32 s21, s4  }
0xa3: {  	[timem:s8], [sflag:s22] =	dma.local [hbm:s6], s20  }
0xa4: {  	_ =	swait.ge [sflag:s22], s20  }
0xa5: {  	s5 =	ssub.s32 $0x0, s20;
	[sflag:s22] =	ssyncset.done $0x0  }
0xa6: {  	[sflag:s22] =	ssyncadd.s32 s5;
	_ =	sdelay $0x1  }
0xa7: {  	s23 =	simm.s32 $0x1B8B  }
0xa8: {  	_ =	swait.ge [sflag:s23], $0x1  }
0xa9: {  	[sflag:s23] =	ssyncset.done $0x0  }
0xaa: {  	s25 =	simm.s32 $0x1B8E;
	s24 =	sld [smem:$0x3FFE];
	[sflag:s23] =	ssyncadd.s32 $0xFFFFFFFF  }
0xab: {  	s26 =	simm.s32 $execute0_lowered;
	[smem:$0x3FD2] =	sst s25  }
0xac: {  	s6 =	sshll.u32 s26, $0x1;
	_ =	strace $0x80000046;
	[dreg:$0x1] =	wrdreg $0xFFFFFFFF  }
0xad: {  	s28 =	simm.s32 $_size_execute0_lowered;
	s4 =	sadd.s32 s4, s6;
	[dreg:$0x0] =	wrdreg $0x0  }
0xae: {  	s6 =	sshll.u32 s28, $0x1;
	[dreg:$0x2] =	wrdreg s4  }
0xaf: {  	[dreg:$0x3] =	wrdreg s6  }
0xb0: {  	[dreg:$0x4] =	wrdreg $0xC0  }
0xb1: {  	_ =	task [dreg:s8], $0x5FFFF  }
0xb2: {  	[dreg:$0x1] =	wrdreg $0xFFFFFFFF  }
0xb3: {  	[dreg:$0x0] =	wrdreg $0x60  }
0xb4: {  	[dreg:$0x2] =	wrdreg s24  }
0xb5: {  	[dreg:$0x3] =	wrdreg s16  }
0xb6: {  	[dreg:$0x4] =	wrdreg s17  }
0xb7: {  	[dreg:$0x5] =	wrdreg $0x9  }
0xb8: {  	_ =	task.clear_ibuf [dreg:s8], $0x6FFFF;
	_ =	strace $0x90000046  }
0xb9: {  	s29 =	simm.s32 $0x9;
	_ =	strace $0x80000048  }
0xba: {  	_ =	swait.ge [sflag:s29], $0x1  }
0xbb: {  	[sflag:s29] =	ssyncadd.s32 $0xFFFFFFFF  }
0xbc: {  	_ =	strace $0x90000048  }
0xbd: {  	_ =	sfence  }
0xbe: {  	s30 =	sld [smem:$0x0];
	_ =	sdelay $0x2  }
0xbf: {  	s31 =	sshll.u32 s1, $0xD;
	s1 =	sshrl.u32 s1, $0x2  }
0xc0: {  	s3 =	sand.u32 $0x4000, s31;
	s1 =	sadd.s32 s1, s30  }
0xc1: {  	s0 =	sor.u32 s3, s0;
	s1 =	sshll.u32 s1, $0x11  }
0xc2: {  	s0 =	sor.u32 s1, s0  }
0xc3: {  	s0 =	sadd.s32 $0x8F2B, s0  }
0xc4: {  	[sflag:s0] =	ssyncadd.remote.s32 $0x1  }
0xc5: {  	_ =	sfence.sel $0xFFFF  }
0xc6: {  	[dreg:$0x0] =	wrdreg $0xFFFFFFFF;
	(pc) =	sbr.abs _section_cstart, $3  }
0xc7: {  	[dreg:$0x1] =	wrdreg $0xFFFFFFFF  }
0xc8: {  	_ =	task.clear_ibuf [dreg:s8], $0x2FFFF;
	_ =	strace $0x9FFFFFFF  }
0xc9: {  	(tm) =	ssettm $0x7FFFFFFF  }
tec
execute0_lowered:
.L_overlay_start_1:
0x0: {  	(tag) =	ssettag $0x1  }
0x1: {  	s3 =	rddreg [dreg:$0x0]  }
0x2: {  	s4 =	rddreg [dreg:$0x1]  }
0x3: {  	s5 =	rddreg [dreg:$0x2];
	s2 =	srdreg.scid  }
0x4: {  	s0 =	rddreg [dreg:$0x3];
	s1 =	stileid.u32  }
0x5: {  	s11 =	simm.s32 $0x800;
	s12 =	simm.s32 $0x0;
	s6 =	sand.u32 $0x1, s2  }
0x6: {  	s2 =	simm.s32 $0x0;
	s7 =	sshll.u32 s1, $0xA;
	s8 =	sshll.u32 s6, $0x9  }
0x7: {  	[smem:$0x7FF] =	sst s2;
	s6 =	ssub.s32 $0x2, s6;
	s7 =	sor.u32 s8, s7  }
0x8: {  	_ =	strace $0x80000047;
	s10 =	sshrl.u32 s6, $0x1;
	s8 =	sshrl.u32 s7, $0x3  }
0x9: {  	s7 =	sshrl.u32 s7, $0x6;
	s10 =	ssub.s32 s6, s10;
	s9 =	sadd.s32 s8, s3  }
0xa: {  	s7 =	sadd.s32 s7, s3;
	s4 =	sadd.s32 s4, s8;
	s5 =	sadd.s32 s5, s8  }
0xb: {  	s8 =	simm.s32 $0x1;
	s3 =	sadd.s32 $0x3A00, s9;
	s6 =	sadd.s32 $0x4200, s7  }
0xc: {  	v0 =	vimm.s32 $0x0;
	s7 =	smax.u32 s10, $0x1;
	s9 =	simm.s32 $0x200;
	s10 =	simm.s32 $0x400  }
.LBB2_1:
0xd: {  	[tilespmem:s2], [sflag:$0x1] =	stream.linear.gather [hbm4b:s3+s2], $0x200, $0x38;
	[tilespmem:$0x840] =	vst v63  }
0xe: {  	_ =	swait.ge [sflag:s8], $0x200  }
0xf: {  	[sflag:s8] =	ssyncset.done $0x0  }
0x10: {  	[sflag:s8] =	ssyncadd.s32 $0xFFFFFE00  }
0x11: {  	[tilespmem:s9], [sflag:$0x1] =	stream.linear.gather [hbm4b:s4+s2], $0x200, $0x38;
	[tilespmem:$0x840] =	vst v63  }
0x12: {  	_ =	swait.ge [sflag:s8], $0x200  }
0x13: {  	[sflag:s8] =	ssyncset.done $0x0  }
0x14: {  	[sflag:s8] =	ssyncadd.s32 $0xFFFFFE00  }
0x15: {  	[tilespmem:s10], [sflag:$0x1] =	stream.linear.gather [hbm4b:s5+s2], $0x200, $0x38;
	[tilespmem:$0x840] =	vst v63  }
0x16: {  	_ =	swait.ge [sflag:s8], $0x200  }
0x17: {  	[sflag:s8] =	ssyncset.done $0x0  }
0x18: {  	s13 =	simm.s32 $0x0;
	[sflag:s8] =	ssyncadd.s32 $0xFFFFFE00  }
0x19: {  	v1 =	vld [tilespmem:s13+$0x0]  }
0x1a: {  	v2 =	vld [tilespmem:s13+$0x200]  }
0x1b: {  	v3 =	vld [tilespmem:s13+$0x400];
	_ =	sdelay $0x2  }
0x1c: {  	s14 =	simm.s32 $0x10  }
0x1d: {  	v4 =	vld [tilespmem:s14+$0x400];
	v1 =	vadd.f32 $1.000000000e+00, v1;
	v2 =	vadd.f32 $1.000000000e+00, v2  }
0x1e: {  	v3 =	vadd.f32 $1.000000000e+00, v3  }
0x1f: {  	v5 =	vld [tilespmem:s14+$0x0];
	v1 =	vadd.f32 v1, v1;
	v2 =	vadd.f32 v2, v2  }
0x20: {  	v6 =	vld [tilespmem:s14+$0x200]  }
0x21: {  	v3 =	vadd.f32 v3, v3;
	v7 =	vmax.f32 v1, $0.0e+00;
	v2 =	vmax.f32 v2, $0.0e+00  }
0x22: {  	v1 =	vadd.f32 $1.000000000e+00, v4;
	v4 =	vmin.f32 v7, $3.000000000e+00;
	v2 =	vmin.f32 v2, $3.000000000e+00  }
0x23: {  	v3 =	vmax.f32 v3, $0.0e+00;
	v4 =	vtrunc.f32 v4;
	v2 =	vtrunc.f32 v2  }
0x24: {  	s15 =	simm.s32 $0x20;
	v3 =	vmin.f32 v3, $3.000000000e+00;
	v4 =	vcvt.f32.s32 v4;
	v2 =	vcvt.f32.s32 v2  }
0x25: {  	v5 =	vadd.f32 $1.000000000e+00, v5;
	v6 =	vadd.f32 $1.000000000e+00, v6;
	v7 =	vtrunc.f32 v3;
	v3 =	vld [tilespmem:s15+$0x400]  }
0x26: {  	v8 =	vshll.u32 v4, $0x4;
	v9 =	vshll.u32 v2, $0x2;
	v4 =	vcvt.f32.s32 v7  }
0x27: {  	s16 =	simm.s32 $0xC0;
	v5 =	vadd.f32 v5, v5;
	v6 =	vadd.f32 v6, v6;
	v2 =	vld [tilespmem:s15+$0x0];
	v7 =	vadd.s32 v8, v9  }
.LBB2_2:
0x28: {  	p0 =	sne.s32 s16, $0x7C0;
	v8 =	vld [tilespmem:s15+$0x200];
	v4 =	vadd.s32 v4, v7  }
0x29: {  	v7 =	vadd.f32 v1, v1;
	v5 =	vmax.f32 v5, $0.0e+00;
	v6 =	vmax.f32 v6, $0.0e+00;
	[tilespmem:s13+$0x600] =	vst v4;
	s13 =	smov.u32 s14;
	s14 =	smov.u32 s15  }
0x2a: {  	v1 =	vadd.f32 $1.000000000e+00, v3;
	v3 =	vmin.f32 v5, $3.000000000e+00;
	v4 =	vmin.f32 v6, $3.000000000e+00  }
.Ltmp0:
0x2b: {  	v5 =	vmax.f32 v7, $0.0e+00;
	v3 =	vtrunc.f32 v3;
	v4 =	vtrunc.f32 v4;
	(pc) =	sbr.rel @p0 .LBB2_2-.Ltmp0, $4  }
0x2c: {  	s15 =	sshra.s32 s16, $0x2;
	v5 =	vmin.f32 v5, $3.000000000e+00;
	v6 =	vcvt.f32.s32 v3;
	v4 =	vcvt.f32.s32 v4  }
0x2d: {  	v7 =	vadd.f32 $1.000000000e+00, v2;
	v2 =	vtrunc.f32 v5;
	v3 =	vld [tilespmem:s15+$0x400];
	v8 =	vadd.f32 $1.000000000e+00, v8  }
0x2e: {  	v9 =	vshll.u32 v6, $0x4;
	v10 =	vshll.u32 v4, $0x2;
	v4 =	vcvt.f32.s32 v2  }
0x2f: {  	s16 =	sadd.s32 $0x40, s16;
	v5 =	vadd.f32 v7, v7;
	v2 =	vld [tilespmem:s15+$0x0];
	v6 =	vadd.f32 v8, v8;
	v7 =	vadd.s32 v9, v10  }
0x30: {  	v8 =	vld [tilespmem:s15+$0x200];
	_ =	sdelay $0x1  }
0x31: {  	v4 =	vadd.s32 v4, v7  }
0x32: {  	v1 =	vadd.f32 v1, v1;
	v5 =	vmax.f32 v5, $0.0e+00;
	v6 =	vmax.f32 v6, $0.0e+00  }
0x33: {  	v3 =	vadd.f32 $1.000000000e+00, v3;
	v5 =	vmin.f32 v5, $3.000000000e+00;
	v6 =	vmin.f32 v6, $3.000000000e+00  }
0x34: {  	v1 =	vmax.f32 v1, $0.0e+00;
	v2 =	vadd.f32 $1.000000000e+00, v2;
	v62 =	vadd.f32 $1.000000000e+00, v8  }
0x35: {  	v5 =	vtrunc.f32 v5;
	v6 =	vtrunc.f32 v6;
	v1 =	vmin.f32 v1, $3.000000000e+00  }
0x36: {  	v5 =	vcvt.f32.s32 v5;
	v2 =	vadd.f32 v2, v2;
	v7 =	vadd.f32 v62, v62  }
0x37: {  	v6 =	vcvt.f32.s32 v6;
	v1 =	vtrunc.f32 v1;
	v3 =	vadd.f32 v3, v3  }
0x38: {  	v5 =	vshll.u32 v5, $0x4;
	v2 =	vmax.f32 v2, $0.0e+00;
	v7 =	vmax.f32 v7, $0.0e+00  }
0x39: {  	v6 =	vshll.u32 v6, $0x2;
	v2 =	vmin.f32 v2, $3.000000000e+00;
	v7 =	vmin.f32 v7, $3.000000000e+00  }
0x3a: {  	v3 =	vmax.f32 v3, $0.0e+00;
	v2 =	vtrunc.f32 v2;
	v7 =	vtrunc.f32 v7  }
0x3b: {  	v3 =	vmin.f32 v3, $3.000000000e+00;
	v2 =	vcvt.f32.s32 v2;
	v7 =	vcvt.f32.s32 v7  }
0x3c: {  	v1 =	vcvt.f32.s32 v1;
	v5 =	vadd.s32 v5, v6;
	v3 =	vtrunc.f32 v3  }
0x3d: {  	v3 =	vcvt.f32.s32 v3;
	v2 =	vshll.u32 v2, $0x4;
	v63 =	vshll.u32 v7, $0x2  }
0x3e: {  	[tilespmem:s13+$0x600] =	vst v4;
	v1 =	vadd.s32 v1, v5;
	v2 =	vadd.s32 v2, v63  }
0x3f: {  	[tilespmem:s14+$0x600] =	vst v1;
	v1 =	vadd.s32 v3, v2  }
0x40: {  	s13 =	simm.s32 $0x0;
	[tilespmem:s15+$0x600] =	vst v1;
	v1 =	vimm.s32 $0x0  }
.LBB2_4:
0x41: {  	s14 =	simm.s32 $0x0  }
0x42: {  	v2 =	vld [tilespmem:s14+$0x600]  }
0x43: {  	s28 =	simm.s32 $0x10  }
0x44: {  	s29 =	simm.s32 $0x20;
	v3 =	vld [tilespmem:s28+$0x600]  }
0x45: {  	v4 =	vld [tilespmem:s29+$0x600];
	_ =	sdelay $0x1  }
0x46: {  	vm0 =	veq.s32 v2, v1  }
0x47: {  	v2 =	vsel vm0, $0x1, v0  }
0x48: {  	vm13 =	veq.s32 v3, v1;
	(xrf0) =	vadd.scan.msk.s32 $0xffff, v2  }
0x49: {  	vm14 =	veq.s32 v4, v1;
	v2 =	vsel vm13, $0x1, v0  }
0x4a: {  	(xrf0) =	vadd.scan.msk.s32 $0xffff, v2;
	v2 =	vsel vm14, $0x1, v0  }
0x4b: {  	s30 =	simm.s32 $0x30;
	(xrf0) =	vadd.scan.msk.s32 $0xffff, v2  }
0x4c: {  	v3 =	vld [tilespmem:s30+$0x600];
	_ =	sdelay $0x1  }
0x4d: {  	v2, _, _ =	vpop (xrf0)  }
0x4e: {  	(v2sf) =	vpush v2, $0xF  }
0x4f: {  	v2, _, _ =	vpop (xrf0)  }
0x50: {  	vm15 =	veq.s32 v3, v1;
	(v2sf) =	vpush v2, $0xF;
	v3, _, _ =	vpop (xrf0)  }
0x51: {  	(v2sf) =	vpush v3, $0xF;
	_ =	sdelay $0x5  }
0x52: {  	s31 =	simm.s32 $0x40;
	v2 =	vsel vm15, $0x1, v0  }
0x53: {  	(xrf0) =	vadd.scan.msk.s32 $0xffff, v2;
	v2 =	vld [tilespmem:s31+$0x600];
	_ =	sdelay $0x1  }
0x54: {  	s15 =	simm.s32 $0x140;
	s14 =	simm.s32 $0x0  }
.LBB2_5:
0x55: {  	p0 =	sne.s32 s15, $0x7C0  }
.Ltmp1:
0x56: {  	s16 =	sshra.s32 s15, $0x2;
	(pc) =	sbr.rel @p0 .LBB2_5-.Ltmp1, $4  }
0x57: {  	s15 =	sadd.s32 $0x40, s15;
	s17 =	spop (v2sf);
	vm0 =	veq.s32 v2, v1  }
0x58: {  	s14 =	sadd.s32 s14, s17;
	v2 =	vld [tilespmem:s16+$0x600];
	v4 =	vsel vm0, $0x1, v0  }
0x59: {  	(xrf0) =	vadd.scan.msk.s32 $0xffff, v4;
	v3, _, _ =	vpop (xrf0)  }
0x5a: {  	(v2sf) =	vpush v3, $0xF  }
0x5b: {  	_ =	sdelay $0x1  }
0x5c: {  	vm0 =	veq.s32 v2, v1  }
0x5d: {  	v2 =	vsel vm0, $0x1, v0  }
0x5e: {  	(xrf0) =	vadd.scan.msk.s32 $0xffff, v2;
	_ =	sdelay $0x4  }
0x5f: {  	v2, _, _ =	vpop (xrf0)  }
0x60: {  	(v2sf) =	vpush v2, $0xF;
	v2, _, _ =	vpop (xrf0)  }
0x61: {  	(v2sf) =	vpush v2, $0xF;
	_ =	sdelay $0xa  }
0x62: {  	s15 =	spop (v2sf)  }
0x63: {  	s13 =	sadd.s32 $0x1, s13;
	s14 =	sadd.s32 s14, s15;
	s28 =	spop (v2sf)  }
0x64: {  	p0 =	sne.s32 s13, $0x40;
	s14 =	sadd.s32 s14, s28;
	s29 =	spop (v2sf)  }
.Ltmp2:
0x65: {  	s14 =	sadd.s32 s14, s29;
	s30 =	spop (v2sf);
	(pc) =	sbr.rel @p0 .LBB2_4-.Ltmp2, $4  }
0x66: {  	s14 =	sadd.s32 s14, s30;
	s31 =	spop (v2sf)  }
0x67: {  	s14 =	sadd.s32 s14, s31  }
0x68: {  	v2 =	vmov s14  }
0x69: {  	[tilespmem:v1+s11+$0x0] =	vst.idx.msk $0xffff, v2;
	v1 =	vadd.s32 $0x1, v1  }
0x6a: {  	s12 =	sadd.s32 $0x1, s12  }
0x6b: {  	p0 =	sne.s32 s12, s7  }
.Ltmp3:
0x6c: {  	_ = 	snop;
	(pc) =	sbr.rel @p0 .LBB2_1-.Ltmp3, $4  }
0x6d: {  	[hbm4b:s6+s2] =	stream.linear.scatter [tilespmem:s11], [sflag:$0x1], $0x40, $0x38;
	[tilespmem:$0x840] =	vst v63  }
0x6e: {  	_ =	swait.ge [sflag:s8], $0x40  }
0x6f: {  	[sflag:s8] =	ssyncset.done $0x0  }
0x70: {  	[sflag:s8] =	ssyncadd.s32 $0xFFFFFFC0  }
0x71: {  	_ =	sfence.sel $0x180000  }
0x72: {  	[bflag:$0x0] =	sbarrier.arrive $0xFFFF  }
0x73: {  	p0 =	sne.s32 s1, $0x0;
	_ =	strace $0x90000047  }
0x74: {  	s0 =	sadd.s32 @!p0 $0x100000, s0;
	[bflag:$0x2] =	sbarrier.arrive $0xFFFF  }
0x75: {  	[sflag:s0] =	ssyncadd.tile.s32 @!p0 $0x1;
	_ =	shalt  }
.Lfunc_end2:
_tile_overlayer_lowered:
.L_overlay_start_2:
0x76: {  	(tag) =	ssettag $0x2  }
0x77: {  	s0 =	rddreg [dreg:$0x0];
	s2 =	stileid.u32  }
0x78: {  	s1 =	rddreg [dreg:$0x1];
	p0 =	sne.s32 s2, $0x0  }
0x79: {  	s3 =	rddreg [dreg:$0x2];
	[bflag:$0x3] =	sbarrier.arrive $0xFFFF;
	s2 =	simm.s32 @!p0 $0x1C01  }
0x7a: {  	[timem:s3], [sflag:s2] =	dma.local @!p0 [hbm:s0], s1  }
0x7b: {  	s0 =	simm.s32 @!p0 $0x1  }
0x7c: {  	_ =	swait.ge @!p0 [sflag:s0], s1  }
0x7d: {  	s1 =	ssub.s32 @!p0 $0x0, s1;
	[sflag:s0] =	ssyncset.done @!p0 $0x0  }
0x7e: {  	[sflag:s0] =	ssyncadd.s32 @!p0 s1  }
0x7f: {  	[bflag:$0x3] =	sbarrier.arrive $0xFFFF  }
0x80: {  	_ =	shalt  }

// kernel: kernel.9.cloned.1.call-start
scs
__scs_entry_jumppad:
0x0: {  	(pc) =	sbr.rel $0x88, $3  }
0x1: {  	(tag) =	ssettag $0x0;
	lr =	simm.s32 $0x1  }
0x2: {  	[smem:$0x3F93] =	sst lr;
	_ =	strace $0xD0000000  }
0x3: {  	_ = 	snop  }
0x4: {  	_ = 	snop  }
0x5: {  	_ = 	snop  }
0x6: {  	_ = 	snop  }
0x7: {  	_ = 	snop  }
__scs_overlays_trampoline_lowered:
0x8: {  	[smem:$0x3FA2] =	sst s0  }
0x9: {  	[smem:$0x3FA3] =	sst s1  }
0xa: {  	[smem:$0x3FA4] =	sst s2  }
0xb: {  	[smem:$0x3FA5] =	sst s3  }
0xc: {  	[smem:$0x3FA6] =	sst s4  }
0xd: {  	[smem:$0x3FA7] =	sst s5  }
0xe: {  	[smem:$0x3FA8] =	sst s6  }
0xf: {  	[smem:$0x3FA9] =	sst s7  }
0x10: {  	[smem:$0x3FAA] =	sst s8  }
0x11: {  	[smem:$0x3FAB] =	sst s9;
	s0 =	simm.s32 @!p0 $0x0  }
0x12: {  	s1 =	sld [smem:$0x3F91];
	s0 =	simm.s32 @p0 $0x1  }
0x13: {  	[smem:$0x3FAC] =	sst s0;
	s0 =	simm.s32 @!p1 $0x0  }
0x14: {  	s2 =	sld [smem:$0x3F90];
	s0 =	simm.s32 @p1 $0x1  }
0x15: {  	[smem:$0x3FAD] =	sst s0;
	s0 =	simm.s32 @!p2 $0x0  }
0x16: {  	s3 =	sld [smem:$0x3FDB];
	s0 =	simm.s32 @p2 $0x1  }
0x17: {  	s4 =	simm.s32 $0x1BF5;
	[smem:$0x3FAF] =	sst s0  }
0x18: {  	s0 =	sld [smem:$0x3F92];
	_ =	swait.ge [sflag:s4], $0x0  }
0x19: {  	s7 =	sld [smem:$0x3F93]  }
0x1a: {  	s8 =	sadd.s32 $0xFFFFE003, lr  }
0x1b: {  	s9 =	sadd.s32 $0xFFFFFEF7, lr;
	s5 =	simm.s32 $0xFFFFFFFF;
	p2 =	slt.u32 s8, $0xFFFFF086  }
0x1c: {  	p1 =	slt.u32 s9, $0xF7A;
	s5 =	simm.s32 @!p2 $0x0  }
0x1d: {  	s5 =	simm.s32 @p1 $0x1;
	p0 =	seq.s32 s7, s2  }
0x1e: {  	s7 =	smul.u32 @!p0 $0xF7A, s2;
	p2 =	seq.s32 @!p0 s5, $0x0  }
0x1f: {  	s9 =	smul.u32 $0xF7A, s1;
	s8 =	simm.s32 @!p0 $0x1BF5;
	p2 =	por !p2, p0  }
0x20: {  	[sflag:s8] =	ssyncset.s32 @!p0 $0xFFFFF086;
	s6 =	sadd.s32 @!p0 s3, s7;
	s7 =	simm.s32 @!p0 $0x108  }
0x21: {  	s3 =	sadd.s32 s3, s9;
	s6 =	sadd.s32 @!p0 $0x88, s6;
	s7 =	simm.s32 @p2 $0x1082  }
0x22: {  	[simem:s7], [sflag:s8] =	dma.local @!p0 [hbm:s6], $0xF7A  }
0x23: {  	s9 =	sor.u32 $0xD0000000, s2;
	s6 =	simm.s32 $0x108;
	_ =	swait.ge @!p0 [sflag:s8], $0x0  }
0x24: {  	s3 =	sadd.s32 $0x88, s3;
	s6 =	simm.s32 @!p1 $0x1082;
	[sflag:s4] =	ssyncset.s32 $0xFFFFF086  }
0x25: {  	[simem:s6], [sflag:s4] =	dma.local [hbm:s3], $0xF7A  }
0x26: {  	[smem:$0x3F93] =	sst s1;
	(tag) =	ssettag s2;
	_ =	strace s9  }
0x27: {  	s1 =	sld [smem:$0x3FA3]  }
0x28: {  	s2 =	sld [smem:$0x3FA4]  }
0x29: {  	s4 =	sld [smem:$0x3FA6]  }
0x2a: {  	p0 =	seq.s32 s5, $0x0;
	s5 =	sld [smem:$0x3FA7]  }
0x2b: {  	s6 =	sld [smem:$0x3FA8]  }
0x2c: {  	s7 =	sld [smem:$0x3FA9]  }
0x2d: {  	s3 =	simm.s32 $0x108;
	s8 =	sld [smem:$0x3FAA]  }
0x2e: {  	s3 =	simm.s32 @!p0 $0x1082;
	s9 =	sld [smem:$0x3FAB]  }
0x2f: {  	lr =	sadd.s32 s0, s3;
	s0 =	sld [smem:$0x3FA2]  }
0x30: {  	s3 =	sld [smem:$0x3FA5]  }
0x31: {  	[smem:$0x3FAE] =	sst s10  }
0x32: {  	s10 =	sld [smem:$0x3FAC];
	_ =	sdelay $0x3  }
0x33: {  	p0 =	seq.s32 s10, $0x1;
	s10 =	sld [smem:$0x3FAE];
	_ =	sdelay $0x3  }
0x34: {  	[smem:$0x3FAE] =	sst s10  }
0x35: {  	s10 =	sld [smem:$0x3FAD];
	_ =	sdelay $0x3  }
0x36: {  	p1 =	seq.s32 s10, $0x1;
	s10 =	sld [smem:$0x3FAE];
	_ =	sdelay $0x3  }
0x37: {  	[smem:$0x3FAE] =	sst s10  }
0x38: {  	s10 =	sld [smem:$0x3FAF]  }
0x39: {  	_ = 	snop;
	(pc) =	sbr.ind lr, $3  }
0x3a: {  	_ = 	snop  }
0x3b: {  	_ = 	snop  }
0x3c: {  	p2 =	seq.s32 s10, $0x1;
	s10 =	sld [smem:$0x3FAE]  }
0x3d: {  	_ =	shalt  }
0x3e: {  	_ =	shalt  }
0x3f: {  	_ =	shalt  }
0x40: {  	_ =	shalt  }
0x41: {  	_ =	shalt  }
0x42: {  	_ =	shalt  }
0x43: {  	_ =	shalt  }
0x44: {  	_ =	shalt  }
0x45: {  	_ =	shalt  }
0x46: {  	_ =	shalt  }
0x47: {  	_ =	shalt  }
0x48: {  	_ =	shalt  }
0x49: {  	_ =	shalt  }
0x4a: {  	_ =	shalt  }
0x4b: {  	_ =	shalt  }
0x4c: {  	_ =	shalt  }
0x4d: {  	_ =	shalt  }
0x4e: {  	_ =	shalt  }
0x4f: {  	_ =	shalt  }
0x50: {  	_ =	shalt  }
0x51: {  	_ =	shalt  }
0x52: {  	_ =	shalt  }
0x53: {  	_ =	shalt  }
0x54: {  	_ =	shalt  }
0x55: {  	_ =	shalt  }
0x56: {  	_ =	shalt  }
0x57: {  	_ =	shalt  }
0x58: {  	_ =	shalt  }
0x59: {  	_ =	shalt  }
0x5a: {  	_ =	shalt  }
0x5b: {  	_ =	shalt  }
0x5c: {  	_ =	shalt  }
0x5d: {  	_ =	shalt  }
0x5e: {  	_ =	shalt  }
0x5f: {  	_ =	shalt  }
0x60: {  	_ =	shalt  }
0x61: {  	_ =	shalt  }
0x62: {  	_ =	shalt  }
0x63: {  	_ =	shalt  }
0x64: {  	_ =	shalt  }
0x65: {  	_ =	shalt  }
0x66: {  	_ =	shalt  }
0x67: {  	_ =	shalt  }
0x68: {  	_ =	shalt  }
0x69: {  	_ =	shalt  }
0x6a: {  	_ =	shalt  }
0x6b: {  	_ =	shalt  }
0x6c: {  	_ =	shalt  }
0x6d: {  	_ =	shalt  }
0x6e: {  	_ =	shalt  }
0x6f: {  	_ =	shalt  }
0x70: {  	_ =	shalt  }
0x71: {  	_ =	shalt  }
0x72: {  	_ =	shalt  }
0x73: {  	_ =	shalt  }
0x74: {  	_ =	shalt  }
0x75: {  	_ =	shalt  }
0x76: {  	_ =	shalt  }
0x77: {  	_ =	shalt  }
0x78: {  	_ =	shalt  }
0x79: {  	_ =	shalt  }
0x7a: {  	_ =	shalt  }
0x7b: {  	_ =	shalt  }
0x7c: {  	_ =	shalt  }
0x7d: {  	_ =	shalt  }
0x7e: {  	_ =	shalt  }
0x7f: {  	_ =	shalt  }
0x80: {  	_ =	shalt  }
0x81: {  	_ =	shalt  }
0x82: {  	_ =	shalt  }
0x83: {  	_ =	shalt  }
0x84: {  	_ =	shalt  }
0x85: {  	_ =	shalt  }
0x86: {  	_ =	shalt  }
0x87: {  	_ =	shalt  }
.Lfunc_end0:
.L_simem_size_0:
called_computation.1_lowered:
.L_overlay_start_0:
0x88: {  	s2 =	sld [smem:$0x3FD9]  }
0x89: {  	s3 =	sld [smem:$0x3FFE];
	_ =	sdelay $0x1  }
0x8a: {  	s1 =	srdreg.scid  }
0x8b: {  	s0 =	sand.u32 $0x1, s1  }
0x8c: {  	s14 =	sshll.u32 s0, $0xA;
	s2 =	sadd.s32 s3, s2  }
0x8d: {  	s2 =	sadd.s32 s2, s14  }
0x8e: {  	[smem:$0x3FBA] =	sst s2  }
0x8f: {  	_ = 	snop  }
0x90: {  	s2 =	sld [smem:$0x3FD0];
	_ =	sdelay $0x2  }
0x91: {  	s15 =	simm.s32 $0xA;
	s4 =	simm.s32 $0x10  }
0x92: {  	[smem:s4], [sflag:s15] =	dma.local [hbm:s2], $0x1  }
0x93: {  	_ =	swait.eq [sflag:s15], $0x1  }
0x94: {  	[sflag:s15] =	ssyncset.done $0x0  }
0x95: {  	s16 =	sld [smem:$0x10];
	[sflag:s15] =	ssyncadd.s32 $0xFFFFFFFF  }
0x96: {  	s17 =	sld [smem:$0x11];
	(tm) =	ssettm $0x1  }
0x97: {  	s18 =	sld [smem:$0x3FFB];
	_ =	sdelay $0x3  }
0x98: {  	_ =	strace s18  }
0x99: {  	s4 =	sld [smem:$0x3FFC];
	_ =	sdelay $0x3  }
0x9a: {  	_ =	strace s4  }
0x9b: {  	s4 =	sld [smem:$0x3FFD];
	_ =	sdelay $0x3  }
0x9c: {  	_ =	strace s4  }
0x9d: {  	_ =	strace $0x8FFFFFFF  }
0x9e: {  	s19 =	sld [smem:$0x3FDB];
	_ =	sdelay $0x1  }
0x9f: {  	s5 =	simm.s32 $_scs_section_size  }
0xa0: {  	s6 =	simm.s32 $_size__tile_overlayer_lowered;
	s7 =	simm.s32 $_tile_overlayer_lowered  }
0xa1: {  	s22 =	simm.s32 $0x1BFF;
	s21 =	sshll.u32 s7, $0x1;
	s4 =	sadd.s32 s5, s19  }
0xa2: {  	s8 =	simm.s32 $0x0;
	s20 =	sshll.u32 s6, $0x1;
	s6 =	sadd.s32 s21, s4  }
0xa3: {  	[timem:s8], [sflag:s22] =	dma.local [hbm:s6], s20  }
0xa4: {  	_ =	swait.ge [sflag:s22], s20  }
0xa5: {  	s5 =	ssub.s32 $0x0, s20;
	[sflag:s22] =	ssyncset.done $0x0  }
0xa6: {  	[sflag:s22] =	ssyncadd.s32 s5;
	_ =	sdelay $0x1  }
0xa7: {  	s23 =	simm.s32 $0x1B8B  }
0xa8: {  	_ =	swait.ge [sflag:s23], $0x1  }
0xa9: {  	[sflag:s23] =	ssyncset.done $0x0  }
0xaa: {  	s25 =	simm.s32 $0x1B8E;
	s24 =	sld [smem:$0x3FFE];
	[sflag:s23] =	ssyncadd.s32 $0xFFFFFFFF  }
0xab: {  	s26 =	simm.s32 $execute0_lowered;
	[smem:$0x3FD2] =	sst s25  }
0xac: {  	s6 =	sshll.u32 s26, $0x1;
	_ =	strace $0x80000049;
	[dreg:$0x1] =	wrdreg $0xFFFFFFFF  }
0xad: {  	s28 =	simm.s32 $_size_execute0_lowered;
	s4 =	sadd.s32 s4, s6;
	[dreg:$0x0] =	wrdreg $0x0  }
0xae: {  	s6 =	sshll.u32 s28, $0x1;
	[dreg:$0x2] =	wrdreg s4  }
0xaf: {  	[dreg:$0x3] =	wrdreg s6  }
0xb0: {  	[dreg:$0x4] =	wrdreg $0xC0  }
0xb1: {  	_ =	task [dreg:s8], $0x5FFFF  }
0xb2: {  	[dreg:$0x1] =	wrdreg $0xFFFFFFFF  }
0xb3: {  	[dreg:$0x0] =	wrdreg $0x60  }
0xb4: {  	[dreg:$0x2] =	wrdreg s24  }
0xb5: {  	[dreg:$0x3] =	wrdreg s16  }
0xb6: {  	[dreg:$0x4] =	wrdreg s17  }
0xb7: {  	[dreg:$0x5] =	wrdreg $0x9  }
0xb8: {  	_ =	task.clear_ibuf [dreg:s8], $0x6FFFF;
	_ =	strace $0x90000049  }
0xb9: {  	s29 =	simm.s32 $0x9;
	_ =	strace $0x8000004B  }
0xba: {  	_ =	swait.ge [sflag:s29], $0x1  }
0xbb: {  	[sflag:s29] =	ssyncadd.s32 $0xFFFFFFFF  }
0xbc: {  	_ =	strace $0x9000004B  }
0xbd: {  	_ =	sfence  }
0xbe: {  	s30 =	sld [smem:$0x0];
	_ =	sdelay $0x2  }
0xbf: {  	s31 =	sshll.u32 s1, $0xD;
	s1 =	sshrl.u32 s1, $0x2  }
0xc0: {  	s3 =	sand.u32 $0x4000, s31;
	s1 =	sadd.s32 s1, s30  }
0xc1: {  	s0 =	sor.u32 s3, s0;
	s1 =	sshll.u32 s1, $0x11  }
0xc2: {  	s0 =	sor.u32 s1, s0  }
0xc3: {  	s0 =	sadd.s32 $0x8F2B, s0  }
0xc4: {  	[sflag:s0] =	ssyncadd.remote.s32 $0x1  }
0xc5: {  	_ =	sfence.sel $0xFFFF  }
0xc6: {  	[dreg:$0x0] =	wrdreg $0xFFFFFFFF;
	(pc) =	sbr.abs _section_cstart, $3  }
0xc7: {  	[dreg:$0x1] =	wrdreg $0xFFFFFFFF  }
0xc8: {  	_ =	task.clear_ibuf [dreg:s8], $0x2FFFF;
	_ =	strace $0x9FFFFFFF  }
0xc9: {  	(tm) =	ssettm $0x7FFFFFFF  }
tec
execute0_lowered:
.L_overlay_start_1:
0x0: {  	(tag) =	ssettag $0x1  }
0x1: {  	s0 =	rddreg [dreg:$0x0]  }
0x2: {  	s1 =	rddreg [dreg:$0x1]  }
0x3: {  	s4 =	rddreg [dreg:$0x2];
	s3 =	srdreg.scid  }
0x4: {  	s5 =	stileid.u32;
	s2 =	simm.s32 $0x0;
	s17 =	simm.s32 $0x2  }
0x5: {  	s22 =	simm.s32 $0x20C0;
	s23 =	simm.s32 $0x2100;
	s28 =	simm.s32 $0x22C0  }
0x6: {  	s29 =	simm.s32 $0x80;
	s30 =	simm.s32 $0x1;
	s6 =	sand.u32 $0x1, s3  }
0x7: {  	s24 =	sshll.u32 s5, $0x1;
	[smem:$0x7FF] =	sst s2;
	s26 =	sadd.s32 $0x4200, s0  }
0x8: {  	s5 =	sadd.s32 $0x8400, s0;
	s8 =	sadd.s32 $0x10400, s0;
	s3 =	sor.u32 s6, s24  }
0x9: {  	_ =	strace $0x8000004A;
	[dreg:$0x4] =	wrdreg s26;
	s6 =	ssub.s32 $0x2, s6  }
0xa: {  	[dreg:$0x5] =	wrdreg s8;
	s24 =	simm.s32 $0x2140;
	s26 =	simm.s32 $0x2240  }
0xb: {  	s25 =	sshll.u32 s3, $0x9;
	s10 =	sshll.u32 s3, $0x6;
	s31 =	sshrl.u32 s6, $0x1  }
0xc: {  	p0 =	seq.s32 s3, $0x0;
	p1 =	sne.s32 s3, $0x0;
	s7 =	sadd.s32 s25, s0  }
0xd: {  	s15 =	sadd.s32 s10, s0;
	s0 =	sadd.s32 $0x10600, s0;
	s9 =	sadd.s32 s1, s10  }
.Ltmp0:
0xe: {  	s10 =	sadd.s32 s4, s10;
	s1 =	simm.s32 $0x800;
	(pc) =	sbr.rel .LBB2_1-.Ltmp0, $4  }
0xf: {  	v0 =	vimm.s32 $0x0;
	v8 =	vlaneseq.u32;
	s25 =	simm.s32 $0x21C0;
	[dreg:$0x6] =	wrdreg s0;
	s0 =	ssub.s32 s6, s31  }
0x10: {  	v9 =	vimm.s32 $0x3F;
	v1 =	vadd.s32 $0x1, v8;
	v2 =	vadd.s32 $0x11, v8;
	s8 =	sadd.s32 $0x3A00, s15;
	s11 =	sadd.s32 $0x4400, s7;
	s12 =	sadd.s32 $0x10800, s15  }
0x11: {  	v3 =	vadd.s32 $0x21, v8;
	v4 =	vadd.s32 $0x31, v8;
	v5 =	vadd.s32 $0x41, v8;
	s13 =	sadd.s32 $0x10810, s15;
	s14 =	sadd.s32 $0x10820, s15;
	s15 =	sadd.s32 $0x10830, s15  }
0x12: {  	v6 =	vadd.s32 $0x51, v8;
	v7 =	vadd.s32 $0x61, v8;
	v8 =	vadd.s32 $0x71, v8;
	s6 =	simm.s32 $0x2080;
	s7 =	simm.s32 $0x0;
	s16 =	smax.u32 s0, $0x1  }
.LBB2_41:
0x13: {  	s7 =	sadd.s32 $0x1, s7  }
0x14: {  	p2 =	sne.s32 s7, s16  }
.Ltmp1:
0x15: {  	_ = 	snop;
	(pc) =	sbr.rel @!p2 .LBB2_42-.Ltmp1, $1  }
0x16: {  	_ =	sdelay $0x3  }
.LBB2_1:
0x17: {  	[tilespmem:s2], [sflag:$0x2] =	stream.linear.gather [hbm4b:s8+s2], $0x200, $0x38;
	[tilespmem:$0x23D0] =	vst v63  }
0x18: {  	_ =	swait.ge [sflag:s17], $0x200  }
0x19: {  	[sflag:s17] =	ssyncset.done $0x0  }
0x1a: {  	s0 =	simm.s32 $0x200;
	[sflag:s17] =	ssyncadd.s32 $0xFFFFFE00  }
0x1b: {  	[tilespmem:s0], [sflag:$0x2] =	stream.linear.gather [hbm4b:s9+s2], $0x200, $0x38;
	[tilespmem:$0x23D0] =	vst v63  }
0x1c: {  	_ =	swait.ge [sflag:s17], $0x200  }
0x1d: {  	[sflag:s17] =	ssyncset.done $0x0  }
0x1e: {  	s20 =	simm.s32 $0x400;
	[sflag:s17] =	ssyncadd.s32 $0xFFFFFE00  }
0x1f: {  	[tilespmem:s20], [sflag:$0x2] =	stream.linear.gather [hbm4b:s10+s2], $0x200, $0x38;
	[tilespmem:$0x23D0] =	vst v63  }
0x20: {  	_ =	swait.ge [sflag:s17], $0x200  }
0x21: {  	[sflag:s17] =	ssyncset.done $0x0  }
0x22: {  	[sflag:s17] =	ssyncadd.s32 $0xFFFFFE00  }
0x23: {  	[tilespmem:s1], [sflag:$0x2] =	stream.linear.gather [hbm4b:s11+s2], $0x1000, $0x38;
	[tilespmem:$0x23D0] =	vst v63  }
0x24: {  	_ =	swait.ge [sflag:s17], $0x1000  }
0x25: {  	[sflag:s17] =	ssyncset.done $0x0  }
0x26: {  	s31 =	simm.s32 $0x1800;
	s21 =	rddreg [dreg:$0x4];
	[sflag:s17] =	ssyncadd.s32 $0xFFFFF000  }
0x27: {  	[tilespmem:s31], [sflag:$0x2] =	stream.linear.gather [hbm4b:s21+s2], $0x800, $0x38;
	[tilespmem:$0x23D0] =	vst v63  }
0x28: {  	_ =	swait.ge [sflag:s17], $0x800  }
0x29: {  	[sflag:s17] =	ssyncset.done $0x0  }
0x2a: {  	s18 =	simm.s32 $0x0;
	[sflag:s17] =	ssyncadd.s32 $0xFFFFF800  }
0x2b: {  	v10 =	vld [tilespmem:s18+$0x0]  }
0x2c: {  	v11 =	vld [tilespmem:s18+$0x200]  }
0x2d: {  	v12 =	vld [tilespmem:s18+$0x400];
	_ =	sdelay $0x2  }
0x2e: {  	s19 =	simm.s32 $0x10  }
0x2f: {  	v13 =	vld [tilespmem:s19+$0x400];
	v10 =	vadd.f32 $1.000000000e+00, v10;
	v11 =	vadd.f32 $1.000000000e+00, v11  }
0x30: {  	v12 =	vadd.f32 $1.000000000e+00, v12  }
0x31: {  	v14 =	vld [tilespmem:s19+$0x0];
	v10 =	vadd.f32 v10, v10;
	v11 =	vadd.f32 v11, v11  }
0x32: {  	v15 =	vld [tilespmem:s19+$0x200]  }
0x33: {  	v12 =	vadd.f32 v12, v12;
	v16 =	vmax.f32 v10, $0.0e+00;
	v11 =	vmax.f32 v11, $0.0e+00  }
0x34: {  	v10 =	vadd.f32 $1.000000000e+00, v13;
	v13 =	vmin.f32 v16, $3.000000000e+00;
	v11 =	vmin.f32 v11, $3.000000000e+00  }
0x35: {  	v12 =	vmax.f32 v12, $0.0e+00;
	v13 =	vtrunc.f32 v13;
	v11 =	vtrunc.f32 v11  }
0x36: {  	s21 =	simm.s32 $0x20;
	v12 =	vmin.f32 v12, $3.000000000e+00;
	v13 =	vcvt.f32.s32 v13;
	v11 =	vcvt.f32.s32 v11  }
0x37: {  	v14 =	vadd.f32 $1.000000000e+00, v14;
	v15 =	vadd.f32 $1.000000000e+00, v15;
	v16 =	vtrunc.f32 v12;
	v12 =	vld [tilespmem:s21+$0x400]  }
0x38: {  	v17 =	vshll.u32 v13, $0x4;
	v18 =	vshll.u32 v11, $0x2;
	v13 =	vcvt.f32.s32 v16  }
0x39: {  	s0 =	simm.s32 $0xC0;
	v14 =	vadd.f32 v14, v14;
	v15 =	vadd.f32 v15, v15;
	v11 =	vld [tilespmem:s21+$0x0];
	v16 =	vadd.s32 v17, v18  }
.LBB2_2:
0x3a: {  	p2 =	sne.s32 s0, $0x7C0;
	v17 =	vld [tilespmem:s21+$0x200];
	v13 =	vadd.s32 v13, v16  }
0x3b: {  	v16 =	vadd.f32 v10, v10;
	v14 =	vmax.f32 v14, $0.0e+00;
	v15 =	vmax.f32 v15, $0.0e+00;
	[tilespmem:s18+$0x600] =	vst v13;
	s18 =	smov.u32 s19;
	s19 =	smov.u32 s21  }
0x3c: {  	v10 =	vadd.f32 $1.000000000e+00, v12;
	v12 =	vmin.f32 v14, $3.000000000e+00;
	v13 =	vmin.f32 v15, $3.000000000e+00  }
.Ltmp2:
0x3d: {  	v14 =	vmax.f32 v16, $0.0e+00;
	v12 =	vtrunc.f32 v12;
	v13 =	vtrunc.f32 v13;
	(pc) =	sbr.rel @p2 .LBB2_2-.Ltmp2, $4  }
0x3e: {  	s21 =	sshra.s32 s0, $0x2;
	v14 =	vmin.f32 v14, $3.000000000e+00;
	v15 =	vcvt.f32.s32 v12;
	v13 =	vcvt.f32.s32 v13  }
0x3f: {  	v16 =	vadd.f32 $1.000000000e+00, v11;
	v11 =	vtrunc.f32 v14;
	v12 =	vld [tilespmem:s21+$0x400];
	v17 =	vadd.f32 $1.000000000e+00, v17  }
0x40: {  	v18 =	vshll.u32 v15, $0x4;
	v19 =	vshll.u32 v13, $0x2;
	v13 =	vcvt.f32.s32 v11  }
0x41: {  	s0 =	sadd.s32 $0x40, s0;
	v14 =	vadd.f32 v16, v16;
	v11 =	vld [tilespmem:s21+$0x0];
	v15 =	vadd.f32 v17, v17;
	v16 =	vadd.s32 v18, v19  }
0x42: {  	v17 =	vld [tilespmem:s21+$0x200];
	_ =	sdelay $0x1  }
0x43: {  	v13 =	vadd.s32 v13, v16  }
0x44: {  	v10 =	vadd.f32 v10, v10;
	v14 =	vmax.f32 v14, $0.0e+00;
	v15 =	vmax.f32 v15, $0.0e+00  }
0x45: {  	v12 =	vadd.f32 $1.000000000e+00, v12;
	v14 =	vmin.f32 v14, $3.000000000e+00;
	v15 =	vmin.f32 v15, $3.000000000e+00  }
0x46: {  	v10 =	vmax.f32 v10, $0.0e+00;
	v11 =	vadd.f32 $1.000000000e+00, v11;
	v39 =	vadd.f32 $1.000000000e+00, v17  }
0x47: {  	v14 =	vtrunc.f32 v14;
	v15 =	vtrunc.f32 v15;
	v10 =	vmin.f32 v10, $3.000000000e+00  }
0x48: {  	v14 =	vcvt.f32.s32 v14;
	v11 =	vadd.f32 v11, v11;
	v16 =	vadd.f32 v39, v39  }
0x49: {  	v15 =	vcvt.f32.s32 v15;
	v10 =	vtrunc.f32 v10;
	v12 =	vadd.f32 v12, v12  }
0x4a: {  	v14 =	vshll.u32 v14, $0x4;
	v11 =	vmax.f32 v11, $0.0e+00;
	v16 =	vmax.f32 v16, $0.0e+00  }
0x4b: {  	v15 =	vshll.u32 v15, $0x2;
	v11 =	vmin.f32 v11, $3.000000000e+00;
	v16 =	vmin.f32 v16, $3.000000000e+00  }
0x4c: {  	v12 =	vmax.f32 v12, $0.0e+00;
	v11 =	vtrunc.f32 v11;
	v16 =	vtrunc.f32 v16  }
0x4d: {  	v12 =	vmin.f32 v12, $3.000000000e+00;
	v11 =	vcvt.f32.s32 v11;
	v16 =	vcvt.f32.s32 v16  }
0x4e: {  	v10 =	vcvt.f32.s32 v10;
	v14 =	vadd.s32 v14, v15;
	v12 =	vtrunc.f32 v12  }
0x4f: {  	v12 =	vcvt.f32.s32 v12;
	v11 =	vshll.u32 v11, $0x4;
	v40 =	vshll.u32 v16, $0x2  }
0x50: {  	[tilespmem:s18+$0x600] =	vst v13;
	v10 =	vadd.s32 v10, v14;
	v11 =	vadd.s32 v11, v40  }
0x51: {  	[tilespmem:s19+$0x600] =	vst v10;
	v10 =	vadd.s32 v12, v11  }
0x52: {  	[tilespmem:s21+$0x600] =	vst v10  }
0x53: {  	v10 =	vld [tilespmem:$0x1800]  }
0x54: {  	v11 =	vld [tilespmem:$0x1840]  }
0x55: {  	v41 =	vld [tilespmem:$0x1880]  }
0x56: {  	v13 =	vld [tilespmem:$0x18C0]  }
0x57: {  	v42 =	vld [tilespmem:$0x1900]  }
0x58: {  	v43 =	vld [tilespmem:$0x1940]  }
0x59: {  	v10 =	vadd.s32 v10, v11;
	v11 =	vld [tilespmem:$0x1980]  }
0x5a: {  	v44 =	vld [tilespmem:$0x19C0];
	v10 =	vadd.s32 v10, v41  }
0x5b: {  	v45 =	vld [tilespmem:$0x1A00];
	v10 =	vadd.s32 v10, v13  }
0x5c: {  	v46 =	vld [tilespmem:$0x1A40];
	v10 =	vadd.s32 v10, v42  }
0x5d: {  	v47 =	vld [tilespmem:$0x1A80];
	v10 =	vadd.s32 v10, v43  }
0x5e: {  	v10 =	vadd.s32 v10, v11;
	v11 =	vld [tilespmem:$0x1AC0]  }
0x5f: {  	v48 =	vld [tilespmem:$0x1B00];
	v10 =	vadd.s32 v10, v44  }
0x60: {  	v49 =	vld [tilespmem:$0x1B40];
	v10 =	vadd.s32 v10, v45  }
0x61: {  	v50 =	vld [tilespmem:$0x1B80];
	v10 =	vadd.s32 v10, v46  }
0x62: {  	v51 =	vld [tilespmem:$0x1BC0];
	v10 =	vadd.s32 v10, v47  }
0x63: {  	v10 =	vadd.s32 v10, v11;
	v11 =	vld [tilespmem:$0x1C00]  }
0x64: {  	v52 =	vld [tilespmem:$0x1C40];
	v10 =	vadd.s32 v10, v48  }
0x65: {  	v53 =	vld [tilespmem:$0x1C80];
	v10 =	vadd.s32 v10, v49  }
0x66: {  	v54 =	vld [tilespmem:$0x1CC0];
	v10 =	vadd.s32 v10, v50  }
0x67: {  	v55 =	vld [tilespmem:$0x1D00];
	v10 =	vadd.s32 v10, v51  }
0x68: {  	v10 =	vadd.s32 v10, v11;
	v11 =	vld [tilespmem:$0x1D40]  }
0x69: {  	v56 =	vld [tilespmem:$0x1D80];
	v10 =	vadd.s32 v10, v52  }
0x6a: {  	v57 =	vld [tilespmem:$0x1DC0];
	v10 =	vadd.s32 v10, v53  }
0x6b: {  	v58 =	vld [tilespmem:$0x1E00];
	v10 =	vadd.s32 v10, v54  }
0x6c: {  	v59 =	vld [tilespmem:$0x1E40];
	v10 =	vadd.s32 v10, v55  }
0x6d: {  	v10 =	vadd.s32 v10, v11;
	v11 =	vld [tilespmem:$0x1E80]  }
0x6e: {  	v60 =	vld [tilespmem:$0x1EC0];
	v10 =	vadd.s32 v10, v56  }
0x6f: {  	v61 =	vld [tilespmem:$0x1F00];
	v10 =	vadd.s32 v10, v57  }
0x70: {  	v62 =	vld [tilespmem:$0x1F40];
	v10 =	vadd.s32 v10, v58  }
0x71: {  	v63 =	vld [tilespmem:$0x1F80];
	v10 =	vadd.s32 v10, v59  }
0x72: {  	v10 =	vadd.s32 v10, v11;
	v11 =	vld [tilespmem:$0x1FC0]  }
0x73: {  	v10 =	vadd.s32 v10, v60  }
.Ltmp3:
0x74: {  	v10 =	vadd.s32 v10, v61;
	(pc) =	sbr.rel @p0 .LBB2_7-.Ltmp3, $4  }
0x75: {  	v10 =	vadd.s32 v10, v62  }
0x76: {  	v10 =	vadd.s32 v10, v63  }
0x77: {  	v10 =	vadd.s32 v10, v11  }
0x78: {  	s0 =	simm.s32 $0x1800;
	v11 =	vimm.s32 $0x0;
	[tilespmem:$0x2000] =	vst v10;
	v10 =	vimm.s32 $0x0  }
0x79: {  	p2 =	sne.s32 s3, $0x1  }
.Ltmp4:
0x7a: {  	_ = 	snop;
	(pc) =	sbr.rel @!p2 .LBB2_6-.Ltmp4, $2  }
0x7b: {  	_ =	sdelay $0x2  }
0x7c: {  	s1 =	sadd.s32 $0xFFFFFFFF, s3;
	v12 =	vld [tilespmem:s0+$0x0];
	v11 =	vimm.s32 $0x0  }
.LBB2_5:
0x7d: {  	p2 =	sne.s32 s1, $0x1  }
.Ltmp5:
0x7e: {  	_ = 	snop;
	(pc) =	sbr.rel @p2 .LBB2_5-.Ltmp5, $3  }
0x7f: {  	_ =	sdelay $0x1  }
0x80: {  	s1 =	sadd.s32 $0xFFFFFFFF, s1;
	s0 =	sadd.s32 $0x40, s0;
	v11 =	vadd.s32 v11, v12  }
0x81: {  	v12 =	vld [tilespmem:s0+$0x0]  }
.LBB2_6:
0x82: {  	_ =	sdelay $0x3  }
0x83: {  	v11 =	vadd.s32 v11, v12  }
.LBB2_7:
0x84: {  	v12 =	vld [tilespmem:$0x1810]  }
0x85: {  	v13 =	vld [tilespmem:$0x1850]  }
0x86: {  	v14 =	vld [tilespmem:$0x1890]  }
0x87: {  	v15 =	vld [tilespmem:$0x18D0]  }
0x88: {  	v16 =	vld [tilespmem:$0x1910]  }
0x89: {  	v17 =	vld [tilespmem:$0x1950]  }
0x8a: {  	v38 =	vld [tilespmem:$0x1990];
	v12 =	vadd.s32 v12, v13  }
0x8b: {  	v39 =	vld [tilespmem:$0x19D0];
	v12 =	vadd.s32 v12, v14  }
0x8c: {  	v40 =	vld [tilespmem:$0x1A10];
	v12 =	vadd.s32 v12, v15  }
0x8d: {  	v41 =	vld [tilespmem:$0x1A50];
	v12 =	vadd.s32 v12, v16  }
0x8e: {  	v42 =	vld [tilespmem:$0x1A90];
	v12 =	vadd.s32 v12, v17  }
0x8f: {  	v43 =	vld [tilespmem:$0x1AD0];
	v12 =	vadd.s32 v12, v38  }
0x90: {  	v44 =	vld [tilespmem:$0x1B10];
	v12 =	vadd.s32 v12, v39  }
0x91: {  	v45 =	vld [tilespmem:$0x1B50];
	v12 =	vadd.s32 v12, v40  }
0x92: {  	v46 =	vld [tilespmem:$0x1B90];
	v12 =	vadd.s32 v12, v41  }
0x93: {  	v47 =	vld [tilespmem:$0x1BD0];
	v12 =	vadd.s32 v12, v42  }
0x94: {  	v48 =	vld [tilespmem:$0x1C10];
	v12 =	vadd.s32 v12, v43  }
0x95: {  	v49 =	vld [tilespmem:$0x1C50];
	v12 =	vadd.s32 v12, v44  }
0x96: {  	v50 =	vld [tilespmem:$0x1C90];
	v12 =	vadd.s32 v12, v45  }
0x97: {  	v51 =	vld [tilespmem:$0x1CD0];
	v12 =	vadd.s32 v12, v46  }
0x98: {  	v52 =	vld [tilespmem:$0x1D10];
	v12 =	vadd.s32 v12, v47  }
0x99: {  	v53 =	vld [tilespmem:$0x1D50];
	v12 =	vadd.s32 v12, v48  }
0x9a: {  	v54 =	vld [tilespmem:$0x1D90];
	v12 =	vadd.s32 v12, v49  }
0x9b: {  	v55 =	vld [tilespmem:$0x1DD0];
	v12 =	vadd.s32 v12, v50  }
0x9c: {  	v56 =	vld [tilespmem:$0x1E10];
	v12 =	vadd.s32 v12, v51  }
0x9d: {  	v57 =	vld [tilespmem:$0x1E50];
	v12 =	vadd.s32 v12, v52  }
0x9e: {  	v58 =	vld [tilespmem:$0x1E90];
	v12 =	vadd.s32 v12, v53  }
0x9f: {  	v59 =	vld [tilespmem:$0x1ED0];
	v12 =	vadd.s32 v12, v54  }
0xa0: {  	v60 =	vld [tilespmem:$0x1F10];
	v12 =	vadd.s32 v12, v55  }
0xa1: {  	v61 =	vld [tilespmem:$0x1F50];
	v12 =	vadd.s32 v12, v56  }
0xa2: {  	v62 =	vld [tilespmem:$0x1F90];
	v12 =	vadd.s32 v12, v57  }
0xa3: {  	v63 =	vld [tilespmem:$0x1FD0];
	v12 =	vadd.s32 v12, v58  }
0xa4: {  	v12 =	vadd.s32 v12, v59  }
.Ltmp6:
0xa5: {  	v12 =	vadd.s32 v12, v60;
	(pc) =	sbr.rel @p0 .LBB2_11-.Ltmp6, $4  }
0xa6: {  	v12 =	vadd.s32 v12, v61  }
0xa7: {  	v12 =	vadd.s32 v12, v62  }
0xa8: {  	[tilespmem:$0x2100] =	vst v11;
	v11 =	vadd.s32 v12, v63  }
0xa9: {  	s0 =	simm.s32 $0x1810;
	[tilespmem:$0x2010] =	vst v11  }
0xaa: {  	p2 =	sne.s32 s3, $0x1  }
.Ltmp7:
0xab: {  	_ = 	snop;
	(pc) =	sbr.rel @!p2 .LBB2_10-.Ltmp7, $2  }
0xac: {  	_ =	sdelay $0x2  }
0xad: {  	s1 =	sadd.s32 $0xFFFFFFFF, s3;
	v11 =	vld [tilespmem:s0+$0x0]  }
.LBB2_9:
0xae: {  	p2 =	sne.s32 s1, $0x1  }
.Ltmp8:
0xaf: {  	_ = 	snop;
	(pc) =	sbr.rel @p2 .LBB2_9-.Ltmp8, $3  }
0xb0: {  	_ =	sdelay $0x1  }
0xb1: {  	s1 =	sadd.s32 $0xFFFFFFFF, s1;
	s0 =	sadd.s32 $0x40, s0;
	v10 =	vadd.s32 v10, v11  }
0xb2: {  	v11 =	vld [tilespmem:s0+$0x0]  }
.LBB2_10:
0xb3: {  	_ =	sdelay $0x3  }
0xb4: {  	v10 =	vadd.s32 v10, v11  }
.LBB2_11:
0xb5: {  	v11 =	vld [tilespmem:$0x1820]  }
0xb6: {  	v12 =	vld [tilespmem:$0x1860]  }
0xb7: {  	v13 =	vld [tilespmem:$0x18A0]  }
0xb8: {  	v14 =	vld [tilespmem:$0x18E0]  }
0xb9: {  	v15 =	vld [tilespmem:$0x1920]  }
0xba: {  	v16 =	vld [tilespmem:$0x1960]  }
0xbb: {  	v38 =	vld [tilespmem:$0x19A0];
	v11 =	vadd.s32 v11, v12  }
0xbc: {  	v39 =	vld [tilespmem:$0x19E0];
	v11 =	vadd.s32 v11, v13  }
0xbd: {  	v40 =	vld [tilespmem:$0x1A20];
	v11 =	vadd.s32 v11, v14  }
0xbe: {  	v41 =	vld [tilespmem:$0x1A60];
	v11 =	vadd.s32 v11, v15  }
0xbf: {  	v42 =	vld [tilespmem:$0x1AA0];
	v11 =	vadd.s32 v11, v16  }
0xc0: {  	v43 =	vld [tilespmem:$0x1AE0];
	v11 =	vadd.s32 v11, v38  }
0xc1: {  	v44 =	vld [tilespmem:$0x1B20];
	v11 =	vadd.s32 v11, v39  }
0xc2: {  	v45 =	vld [tilespmem:$0x1B60];
	v11 =	vadd.s32 v11, v40  }
0xc3: {  	v46 =	vld [tilespmem:$0x1BA0];
	v11 =	vadd.s32 v11, v41  }
0xc4: {  	v47 =	vld [tilespmem:$0x1BE0];
	v11 =	vadd.s32 v11, v42  }
0xc5: {  	v48 =	vld [tilespmem:$0x1C20];
	v11 =	vadd.s32 v11, v43  }
0xc6: {  	v49 =	vld [tilespmem:$0x1C60];
	v11 =	vadd.s32 v11, v44  }
0xc7: {  	v50 =	vld [tilespmem:$0x1CA0];
	v11 =	vadd.s32 v11, v45  }
0xc8: {  	v51 =	vld [tilespmem:$0x1CE0];
	v11 =	vadd.s32 v11, v46  }
0xc9: {  	v52 =	vld [tilespmem:$0x1D20];
	v11 =	vadd.s32 v11, v47  }
0xca: {  	v53 =	vld [tilespmem:$0x1D60];
	v11 =	vadd.s32 v11, v48  }
0xcb: {  	v54 =	vld [tilespmem:$0x1DA0];
	v11 =	vadd.s32 v11, v49  }
0xcc: {  	v55 =	vld [tilespmem:$0x1DE0];
	v11 =	vadd.s32 v11, v50  }
0xcd: {  	v56 =	vld [tilespmem:$0x1E20];
	v11 =	vadd.s32 v11, v51  }
0xce: {  	v57 =	vld [tilespmem:$0x1E60];
	v11 =	vadd.s32 v11, v52  }
0xcf: {  	v58 =	vld [tilespmem:$0x1EA0];
	v11 =	vadd.s32 v11, v53  }
0xd0: {  	v59 =	vld [tilespmem:$0x1EE0];
	v11 =	vadd.s32 v11, v54  }
0xd1: {  	v60 =	vld [tilespmem:$0x1F20];
	v11 =	vadd.s32 v11, v55  }
0xd2: {  	v61 =	vld [tilespmem:$0x1F60];
	v11 =	vadd.s32 v11, v56  }
0xd3: {  	v62 =	vld [tilespmem:$0x1FA0];
	v11 =	vadd.s32 v11, v57  }
0xd4: {  	v63 =	vld [tilespmem:$0x1FE0];
	v11 =	vadd.s32 v11, v58  }
0xd5: {  	v11 =	vadd.s32 v11, v59  }
.Ltmp9:
0xd6: {  	v11 =	vadd.s32 v11, v60;
	(pc) =	sbr.rel @p0 .LBB2_15-.Ltmp9, $4  }
0xd7: {  	v11 =	vadd.s32 v11, v61  }
0xd8: {  	v11 =	vadd.s32 v11, v62  }
0xd9: {  	[tilespmem:$0x2110] =	vst v10;
	v10 =	vadd.s32 v11, v63  }
0xda: {  	s0 =	simm.s32 $0x1820;
	v11 =	vimm.s32 $0x0;
	[tilespmem:$0x2020] =	vst v10;
	v10 =	vimm.s32 $0x0  }
0xdb: {  	p2 =	sne.s32 s3, $0x1  }
.Ltmp10:
0xdc: {  	_ = 	snop;
	(pc) =	sbr.rel @!p2 .LBB2_14-.Ltmp10, $2  }
0xdd: {  	_ =	sdelay $0x2  }
0xde: {  	s1 =	sadd.s32 $0xFFFFFFFF, s3;
	v12 =	vld [tilespmem:s0+$0x0];
	v11 =	vimm.s32 $0x0  }
.LBB2_13:
0xdf: {  	p2 =	sne.s32 s1, $0x1  }
.Ltmp11:
0xe0: {  	_ = 	snop;
	(pc) =	sbr.rel @p2 .LBB2_13-.Ltmp11, $3  }
0xe1: {  	_ =	sdelay $0x1  }
0xe2: {  	s1 =	sadd.s32 $0xFFFFFFFF, s1;
	s0 =	sadd.s32 $0x40, s0;
	v11 =	vadd.s32 v11, v12  }
0xe3: {  	v12 =	vld [tilespmem:s0+$0x0]  }
.LBB2_14:
0xe4: {  	_ =	sdelay $0x3  }
0xe5: {  	v11 =	vadd.s32 v11, v12  }
.LBB2_15:
0xe6: {  	v12 =	vld [tilespmem:$0x1830]  }
0xe7: {  	v13 =	vld [tilespmem:$0x1870]  }
0xe8: {  	v14 =	vld [tilespmem:$0x18B0]  }
0xe9: {  	v15 =	vld [tilespmem:$0x18F0]  }
0xea: {  	v16 =	vld [tilespmem:$0x1930]  }
0xeb: {  	v17 =	vld [tilespmem:$0x1970]  }
0xec: {  	v38 =	vld [tilespmem:$0x19B0];
	v12 =	vadd.s32 v12, v13  }
0xed: {  	v39 =	vld [tilespmem:$0x19F0];
	v12 =	vadd.s32 v12, v14  }
0xee: {  	v40 =	vld [tilespmem:$0x1A30];
	v12 =	vadd.s32 v12, v15  }
0xef: {  	v41 =	vld [tilespmem:$0x1A70];
	v12 =	vadd.s32 v12, v16  }
0xf0: {  	v42 =	vld [tilespmem:$0x1AB0];
	v12 =	vadd.s32 v12, v17  }
0xf1: {  	v43 =	vld [tilespmem:$0x1AF0];
	v12 =	vadd.s32 v12, v38  }
0xf2: {  	v44 =	vld [tilespmem:$0x1B30];
	v12 =	vadd.s32 v12, v39  }
0xf3: {  	v45 =	vld [tilespmem:$0x1B70];
	v12 =	vadd.s32 v12, v40  }
0xf4: {  	v46 =	vld [tilespmem:$0x1BB0];
	v12 =	vadd.s32 v12, v41  }
0xf5: {  	v47 =	vld [tilespmem:$0x1BF0];
	v12 =	vadd.s32 v12, v42  }
0xf6: {  	v48 =	vld [tilespmem:$0x1C30];
	v12 =	vadd.s32 v12, v43  }
0xf7: {  	v49 =	vld [tilespmem:$0x1C70];
	v12 =	vadd.s32 v12, v44  }
0xf8: {  	v50 =	vld [tilespmem:$0x1CB0];
	v12 =	vadd.s32 v12, v45  }
0xf9: {  	v51 =	vld [tilespmem:$0x1CF0];
	v12 =	vadd.s32 v12, v46  }
0xfa: {  	v52 =	vld [tilespmem:$0x1D30];
	v12 =	vadd.s32 v12, v47  }
0xfb: {  	v53 =	vld [tilespmem:$0x1D70];
	v12 =	vadd.s32 v12, v48  }
0xfc: {  	v54 =	vld [tilespmem:$0x1DB0];
	v12 =	vadd.s32 v12, v49  }
0xfd: {  	v55 =	vld [tilespmem:$0x1DF0];
	v12 =	vadd.s32 v12, v50  }
0xfe: {  	v56 =	vld [tilespmem:$0x1E30];
	v12 =	vadd.s32 v12, v51  }
0xff: {  	v57 =	vld [tilespmem:$0x1E70];
	v12 =	vadd.s32 v12, v52  }
0x100: {  	v58 =	vld [tilespmem:$0x1EB0];
	v12 =	vadd.s32 v12, v53  }
0x101: {  	v59 =	vld [tilespmem:$0x1EF0];
	v12 =	vadd.s32 v12, v54  }
0x102: {  	v60 =	vld [tilespmem:$0x1F30];
	v12 =	vadd.s32 v12, v55  }
0x103: {  	v61 =	vld [tilespmem:$0x1F70];
	v12 =	vadd.s32 v12, v56  }
0x104: {  	v62 =	vld [tilespmem:$0x1FB0];
	v12 =	vadd.s32 v12, v57  }
0x105: {  	v63 =	vld [tilespmem:$0x1FF0];
	v12 =	vadd.s32 v12, v58  }
0x106: {  	v12 =	vadd.s32 v12, v59  }
.Ltmp12:
0x107: {  	v12 =	vadd.s32 v12, v60;
	(pc) =	sbr.rel @p0 .LBB2_19-.Ltmp12, $4  }
0x108: {  	v12 =	vadd.s32 v12, v61  }
0x109: {  	v12 =	vadd.s32 v12, v62  }
0x10a: {  	[tilespmem:$0x2120] =	vst v11;
	v11 =	vadd.s32 v12, v63  }
0x10b: {  	s0 =	simm.s32 $0x1830;
	[tilespmem:$0x2030] =	vst v11  }
0x10c: {  	p2 =	sne.s32 s3, $0x1  }
.Ltmp13:
0x10d: {  	_ = 	snop;
	(pc) =	sbr.rel @!p2 .LBB2_18-.Ltmp13, $2  }
0x10e: {  	_ =	sdelay $0x2  }
0x10f: {  	s1 =	sadd.s32 $0xFFFFFFFF, s3;
	v11 =	vld [tilespmem:s0+$0x0]  }
.LBB2_17:
0x110: {  	p2 =	sne.s32 s1, $0x1  }
.Ltmp14:
0x111: {  	_ = 	snop;
	(pc) =	sbr.rel @p2 .LBB2_17-.Ltmp14, $3  }
0x112: {  	_ =	sdelay $0x1  }
0x113: {  	s1 =	sadd.s32 $0xFFFFFFFF, s1;
	s0 =	sadd.s32 $0x40, s0;
	v10 =	vadd.s32 v10, v11  }
0x114: {  	v11 =	vld [tilespmem:s0+$0x0]  }
.LBB2_18:
0x115: {  	_ =	sdelay $0x3  }
0x116: {  	v10 =	vadd.s32 v10, v11  }
.LBB2_19:
0x117: {  	v11 =	vld [tilespmem:$0x2000]  }
0x118: {  	v12 =	vld [tilespmem:$0x2010];
	_ =	sdelay $0x2  }
0x119: {  	v13 =	vld [tilespmem:$0x2020]  }
0x11a: {  	v11 =	vadd.s32 $0xFF, v11  }
0x11b: {  	v12 =	vadd.s32 $0xFF, v12;
	v11 =	vshra.s32 v11, $0x8  }
0x11c: {  	v12 =	vshra.s32 v12, $0x8;
	(xrf0) =	vadd.scan.msk.s32 $0xffff, v11  }
0x11d: {  	(xrf0) =	vadd.scan.msk.s32 $0xffff, v12  }
0x11e: {  	v13 =	vadd.s32 $0xFF, v13  }
0x11f: {  	v13 =	vshra.s32 v13, $0x8  }
0x120: {  	(xrf0) =	vadd.scan.msk.s32 $0xffff, v13;
	_ =	sdelay $0x1  }
0x121: {  	v14, _, _ =	vpop (xrf0)  }
0x122: {  	v15, _, _ =	vpop (xrf0);
	(v2sf) =	vpush v14, $0xF  }
0x123: {  	(v2sf) =	vpush v15, $0xF;
	_ =	sdelay $0x1  }
0x124: {  	v16, _, _ =	vpop (xrf0)  }
0x125: {  	(v2sf) =	vpush v16, $0xF;
	_ =	sdelay $0x1  }
0x126: {  	v17 =	vld [tilespmem:$0x2030];
	_ =	sdelay $0x4  }
0x127: {  	[tilespmem:$0x2130] =	vst v10;
	v10 =	vadd.s32 $0xFF, v17  }
0x128: {  	v10 =	vshra.s32 v10, $0x8;
	[tilespmem:$0x2040] =	vst v11;
	v11 =	vsub.s32 v14, v11  }
0x129: {  	(xrf0) =	vadd.scan.msk.s32 $0xffff, v10;
	v14 =	vbroadcast v14, $0xF;
	[tilespmem:$0x2080] =	vst v11;
	v11 =	vshll.u32 v11, $0x8  }
0x12a: {  	[tilespmem:$0x20C0] =	vst v11;
	v11 =	vsub.s32 v15, v12  }
0x12b: {  	[tilespmem:$0x2050] =	vst v12;
	v11 =	vadd.s32 v14, v11;
	s0 =	spop (v2sf)  }
0x12c: {  	[tilespmem:$0x2090] =	vst v11;
	v11 =	vshll.u32 v11, $0x8;
	s1 =	spop (v2sf)  }
0x12d: {  	[tilespmem:$0x20D0] =	vst v11;
	v11 =	vsub.s32 v16, v13;
	s0 =	sadd.s32 s0, s1  }
0x12e: {  	[tilespmem:$0x2060] =	vst v13;
	v11 =	vadd.s32 s0, v11  }
0x12f: {  	v63, _, _ =	vpop (xrf0);
	s31 =	spop (v2sf);
	[tilespmem:$0x20A0] =	vst v11;
	v11 =	vshll.u32 v11, $0x8  }
0x130: {  	s0 =	sadd.s32 s0, s31;
	[tilespmem:$0x20E0] =	vst v11;
	v11 =	vsub.s32 v63, v10  }
0x131: {  	[tilespmem:$0x2070] =	vst v10;
	v10 =	vadd.s32 s0, v11  }
0x132: {  	[tilespmem:$0x20B0] =	vst v10;
	v10 =	vshll.u32 v10, $0x8  }
0x133: {  	s18 =	simm.s32 $0x0;
	s19 =	simm.s32 $0x0;
	[tilespmem:$0x20F0] =	vst v10;
	v10 =	vimm.s32 $0x0  }
.LBB2_20:
0x134: {  	s0 =	simm.s32 $0x0  }
0x135: {  	v11 =	vld [tilespmem:s0+$0x600];
	_ =	sdelay $0x4  }
0x136: {  	vm0 =	veq.s32 v11, v10  }
0x137: {  	v12 =	vld.idx.msk [tilespmem:v10+s22+$0x0], $0xffff;
	v13 =	vsel vm0, $0x1, v0  }
0x138: {  	v11 =	vld.idx.msk [tilespmem:v10+s23+$0x0], $0xffff;
	(xrf0) =	vadd.scan.msk.s32 $0xffff, v13  }
0x139: {  	s21 =	sand.u32 $0x600, s18  }
0x13a: {  	s1 =	sand.u32 $0x70, s18;
	s0 =	sshrl.u32 s21, $0x2  }
0x13b: {  	s31 =	sor.u32 s1, s0  }
0x13c: {  	v62 =	vld [tilespmem:s31+$0x2140]  }
0x13d: {  	v11 =	vadd.s32 v12, v11  }
0x13e: {  	v63 =	vsel vm0, $0xFFFFFFFF, v0;
	v14 =	vadd.s32 s18, v11;
	v15, _, _ =	vpop (xrf0)  }
0x13f: {  	v12 =	vadd.s32 v63, v14;
	(v2sf) =	vpush v15, $0xF  }
0x140: {  	v12 =	vadd.s32 v15, v12  }
0x141: {  	s4 =	simm.s32 $0x10;
	s21 =	simm.s32 $0x10;
	v12 =	vsel vm0, v12, v62  }
0x142: {  	s0 =	simm.s32 $0x40;
	s1 =	simm.s32 $0x20;
	[tilespmem:s31+$0x2140] =	vst v12;
	s31 =	simm.s32 $0x0  }
.LBB2_21:
0x143: {  	p2 =	sne.s32 s1, $0x1F0;
	v12 =	vld [tilespmem:s4+$0x600];
	_ =	sdelay $0x4  }
0x144: {  	vm0 =	veq.s32 v12, v10  }
0x145: {  	v12 =	vsel vm0, $0xFFFFFFFF, v0;
	v13 =	vsel vm0, $0x1, v0  }
0x146: {  	(xrf0) =	vadd.scan.msk.s32 $0xffff, v13  }
0x147: {  	s4 =	sand.u32 $0x600, s0  }
0x148: {  	s20 =	sand.u32 $0x70, s21;
	s21 =	smov.u32 s1;
	s4 =	sshrl.u32 s4, $0x2  }
0x149: {  	s20 =	sor.u32 s20, s4  }
0x14a: {  	v13 =	vld [tilespmem:s20+$0x2140];
	s4 =	spop (v2sf)  }
0x14b: {  	s31 =	sadd.s32 s31, s4  }
.Ltmp15:
0x14c: {  	v14 =	vadd.s32 s31, v11;
	v15, _, _ =	vpop (xrf0);
	(pc) =	sbr.rel @p2 .LBB2_21-.Ltmp15, $4  }
0x14d: {  	v12 =	vadd.s32 v12, v14;
	(v2sf) =	vpush v15, $0xF  }
0x14e: {  	v12 =	vadd.s32 v15, v12  }
0x14f: {  	s0 =	sadd.s32 $0x40, s0;
	v12 =	vsel vm0, v12, v13  }
0x150: {  	s1 =	sadd.s32 $0x10, s1;
	s4 =	sshra.s32 s0, $0x2;
	[tilespmem:s20+$0x2140] =	vst v12  }
0x151: {  	v12 =	vld [tilespmem:s4+$0x600];
	_ =	sdelay $0x4  }
0x152: {  	vm0 =	veq.s32 v12, v10  }
0x153: {  	v12 =	vsel vm0, $0x1, v0  }
0x154: {  	(xrf0) =	vadd.scan.msk.s32 $0xffff, v12;
	_ =	sdelay $0x5  }
0x155: {  	v12, _, _ =	vpop (xrf0)  }
0x156: {  	(v2sf) =	vpush v12, $0xF;
	_ =	sdelay $0x5  }
0x157: {  	s0 =	sand.u32 $0x600, s0  }
0x158: {  	s1 =	sand.u32 $0x70, s21;
	s0 =	sshrl.u32 s0, $0x2  }
0x159: {  	s0 =	sor.u32 s1, s0  }
0x15a: {  	s19 =	sadd.s32 $0x1, s19;
	v13 =	vld [tilespmem:s0+$0x2140];
	s21 =	spop (v2sf)  }
0x15b: {  	p2 =	sne.s32 s19, $0x40;
	s1 =	sadd.s32 s31, s21  }
.Ltmp16:
0x15c: {  	v14 =	vsel vm0, $0xFFFFFFFF, v0;
	v11 =	vadd.s32 s1, v11;
	(pc) =	sbr.rel @p2 .LBB2_20-.Ltmp16, $4  }
0x15d: {  	v11 =	vadd.s32 v14, v11  }
0x15e: {  	v11 =	vadd.s32 v12, v11  }
0x15f: {  	v11 =	vsel vm0, v11, v13  }
0x160: {  	v10 =	vadd.s32 $0x1, v10;
	[tilespmem:s0+$0x2140] =	vst v11;
	s31 =	spop (v2sf)  }
0x161: {  	[hbm4b:s12+s2] =	stream.linear.scatter [tilespmem:s24], [sflag:$0x2], $0x80, $0x38;
	[tilespmem:$0x23D0] =	vst v63  }
0x162: {  	_ =	swait.ge [sflag:s17], $0x80  }
0x163: {  	[sflag:s17] =	ssyncset.done $0x0  }
0x164: {  	[sflag:s17] =	ssyncadd.s32 $0xFFFFFF80  }
0x165: {  	[hbm4b:s13+s2] =	stream.linear.scatter [tilespmem:s25], [sflag:$0x2], $0x80, $0x38;
	[tilespmem:$0x23D0] =	vst v63  }
0x166: {  	_ =	swait.ge [sflag:s17], $0x80  }
0x167: {  	[sflag:s17] =	ssyncset.done $0x0  }
0x168: {  	[sflag:s17] =	ssyncadd.s32 $0xFFFFFF80  }
0x169: {  	[hbm4b:s14+s2] =	stream.linear.scatter [tilespmem:s26], [sflag:$0x2], $0x80, $0x38;
	[tilespmem:$0x23D0] =	vst v63  }
0x16a: {  	_ =	swait.ge [sflag:s17], $0x80  }
0x16b: {  	[sflag:s17] =	ssyncset.done $0x0  }
0x16c: {  	[sflag:s17] =	ssyncadd.s32 $0xFFFFFF80  }
0x16d: {  	[hbm4b:s15+s2] =	stream.linear.scatter [tilespmem:s28], [sflag:$0x2], $0x80, $0x38;
	[tilespmem:$0x23D0] =	vst v63  }
0x16e: {  	_ =	swait.ge [sflag:s17], $0x80  }
0x16f: {  	[sflag:s17] =	ssyncset.done $0x0  }
0x170: {  	s1 =	simm.s32 $0x800;
	[sflag:s17] =	ssyncadd.s32 $0xFFFFFF80  }
0x171: {  	[hbm4b:s5+s29] =	stream.indirect.scatter [tilespmem:s1], [sflag:$0x1], $0x8, s24, s29, $0xb8;
	[tilespmem:$0x23D0] =	vst v63  }
0x172: {  	_ =	swait.ge [sflag:s30], $0x400  }
0x173: {  	[sflag:s30] =	ssyncset.done $0x0  }
0x174: {  	s0 =	simm.s32 $0xC00;
	[sflag:s30] =	ssyncadd.s32 $0xFFFFFC00  }
0x175: {  	[hbm4b:s5+s29] =	stream.indirect.scatter [tilespmem:s0], [sflag:$0x1], $0x8, s25, s29, $0xb8;
	[tilespmem:$0x23D0] =	vst v63  }
0x176: {  	_ =	swait.ge [sflag:s30], $0x400  }
0x177: {  	[sflag:s30] =	ssyncset.done $0x0  }
0x178: {  	s21 =	simm.s32 $0x1000;
	[sflag:s30] =	ssyncadd.s32 $0xFFFFFC00  }
0x179: {  	[hbm4b:s5+s29] =	stream.indirect.scatter [tilespmem:s21], [sflag:$0x1], $0x8, s26, s29, $0xb8;
	[tilespmem:$0x23D0] =	vst v63  }
0x17a: {  	_ =	swait.ge [sflag:s30], $0x400  }
0x17b: {  	[sflag:s30] =	ssyncset.done $0x0  }
.Ltmp17:
0x17c: {  	s31 =	simm.s32 $0x1400;
	[sflag:s30] =	ssyncadd.s32 $0xFFFFFC00;
	(pc) =	sbr.rel @p1 .LBB2_41-.Ltmp17, $4  }
0x17d: {  	[hbm4b:s5+s29] =	stream.indirect.scatter [tilespmem:s31], [sflag:$0x1], $0x8, s28, s29, $0xb8;
	[tilespmem:$0x23D0] =	vst v63  }
0x17e: {  	_ =	swait.ge [sflag:s30], $0x400  }
0x17f: {  	[sflag:s30] =	ssyncset.done $0x0  }
0x180: {  	[sflag:s30] =	ssyncadd.s32 $0xFFFFFC00  }
0x181: {  	v11 =	vimm.s32 $0x0;
	_ =	sdelay $0x4  }
0x182: {  	v12 =	vadd.s32 $0x1, v11;
	v10 =	vld.idx.msk [tilespmem:v11+s6+$0x0], $0xffff  }
0x183: {  	s0 =	simm.s32 $0x3F  }
.LBB2_25:
0x184: {  	p2 =	sne.s32 s0, $0x1  }
.Ltmp18:
0x185: {  	_ = 	snop;
	(pc) =	sbr.rel @p2 .LBB2_25-.Ltmp18, $4  }
0x186: {  	_ = 	snop  }
0x187: {  	s0 =	sadd.s32 $0xFFFFFFFF, s0;
	vm0 =	vlt.s32 v10, v1;
	v10 =	vld.idx.msk [tilespmem:v12+s6+$0x0], $0xffff  }
0x188: {  	v12 =	vadd.s32 $0x1, v12;
	v13 =	vsel vm0, $0x1, v0  }
0x189: {  	v11 =	vadd.s32 v13, v11  }
0x18a: {  	_ =	sdelay $0x1  }
0x18b: {  	vm0 =	vlt.s32 v10, v1;
	v10 =	vimm.s32 $0x0  }
0x18c: {  	v12 =	vsel vm0, $0x1, v0  }
0x18d: {  	v11 =	vadd.s32 v12, v11  }
0x18e: {  	v11 =	vadd.s32 $0xFFFFFFFF, v11  }
0x18f: {  	[tilespmem:$0x2340] =	vst v11  }
0x190: {  	v12 =	vadd.s32 $0x1, v10;
	v11 =	vld.idx.msk [tilespmem:v10+s6+$0x0], $0xffff  }
0x191: {  	s0 =	simm.s32 $0x3F  }
.LBB2_27:
0x192: {  	p2 =	sne.s32 s0, $0x1  }
.Ltmp19:
0x193: {  	_ = 	snop;
	(pc) =	sbr.rel @p2 .LBB2_27-.Ltmp19, $4  }
0x194: {  	_ = 	snop  }
0x195: {  	s0 =	sadd.s32 $0xFFFFFFFF, s0;
	vm0 =	vlt.s32 v11, v2;
	v11 =	vld.idx.msk [tilespmem:v12+s6+$0x0], $0xffff  }
0x196: {  	v12 =	vadd.s32 $0x1, v12;
	v13 =	vsel vm0, $0x1, v0  }
0x197: {  	v10 =	vadd.s32 v13, v10  }
0x198: {  	_ =	sdelay $0x1  }
0x199: {  	vm0 =	vlt.s32 v11, v2;
	v11 =	vimm.s32 $0x0  }
0x19a: {  	v12 =	vsel vm0, $0x1, v0  }
0x19b: {  	v10 =	vadd.s32 v12, v10  }
0x19c: {  	v10 =	vadd.s32 $0xFFFFFFFF, v10  }
0x19d: {  	[tilespmem:$0x2350] =	vst v10  }
0x19e: {  	v12 =	vadd.s32 $0x1, v11;
	v10 =	vld.idx.msk [tilespmem:v11+s6+$0x0], $0xffff  }
0x19f: {  	s0 =	simm.s32 $0x3F  }
.LBB2_29:
0x1a0: {  	p2 =	sne.s32 s0, $0x1  }
.Ltmp20:
0x1a1: {  	_ = 	snop;
	(pc) =	sbr.rel @p2 .LBB2_29-.Ltmp20, $4  }
0x1a2: {  	_ = 	snop  }
0x1a3: {  	s0 =	sadd.s32 $0xFFFFFFFF, s0;
	vm0 =	vlt.s32 v10, v3;
	v10 =	vld.idx.msk [tilespmem:v12+s6+$0x0], $0xffff  }
0x1a4: {  	v12 =	vadd.s32 $0x1, v12;
	v13 =	vsel vm0, $0x1, v0  }
0x1a5: {  	v11 =	vadd.s32 v13, v11  }
0x1a6: {  	_ =	sdelay $0x1  }
0x1a7: {  	vm0 =	vlt.s32 v10, v3;
	v10 =	vimm.s32 $0x0  }
0x1a8: {  	v12 =	vsel vm0, $0x1, v0  }
0x1a9: {  	v11 =	vadd.s32 v12, v11  }
0x1aa: {  	v11 =	vadd.s32 $0xFFFFFFFF, v11  }
0x1ab: {  	[tilespmem:$0x2360] =	vst v11  }
0x1ac: {  	v12 =	vadd.s32 $0x1, v10;
	v11 =	vld.idx.msk [tilespmem:v10+s6+$0x0], $0xffff  }
0x1ad: {  	s0 =	simm.s32 $0x3F  }
.LBB2_31:
0x1ae: {  	p2 =	sne.s32 s0, $0x1  }
.Ltmp21:
0x1af: {  	_ = 	snop;
	(pc) =	sbr.rel @p2 .LBB2_31-.Ltmp21, $4  }
0x1b0: {  	_ = 	snop  }
0x1b1: {  	s0 =	sadd.s32 $0xFFFFFFFF, s0;
	vm0 =	vlt.s32 v11, v4;
	v11 =	vld.idx.msk [tilespmem:v12+s6+$0x0], $0xffff  }
0x1b2: {  	v12 =	vadd.s32 $0x1, v12;
	v13 =	vsel vm0, $0x1, v0  }
0x1b3: {  	v10 =	vadd.s32 v13, v10  }
0x1b4: {  	_ =	sdelay $0x1  }
0x1b5: {  	vm0 =	vlt.s32 v11, v4;
	v11 =	vimm.s32 $0x0  }
0x1b6: {  	v12 =	vsel vm0, $0x1, v0  }
0x1b7: {  	v10 =	vadd.s32 v12, v10  }
0x1b8: {  	v10 =	vadd.s32 $0xFFFFFFFF, v10  }
0x1b9: {  	[tilespmem:$0x2370] =	vst v10  }
0x1ba: {  	v12 =	vadd.s32 $0x1, v11;
	v10 =	vld.idx.msk [tilespmem:v11+s6+$0x0], $0xffff  }
0x1bb: {  	s0 =	simm.s32 $0x3F  }
.LBB2_33:
0x1bc: {  	p2 =	sne.s32 s0, $0x1  }
.Ltmp22:
0x1bd: {  	_ = 	snop;
	(pc) =	sbr.rel @p2 .LBB2_33-.Ltmp22, $4  }
0x1be: {  	_ = 	snop  }
0x1bf: {  	s0 =	sadd.s32 $0xFFFFFFFF, s0;
	vm0 =	vlt.s32 v10, v5;
	v10 =	vld.idx.msk [tilespmem:v12+s6+$0x0], $0xffff  }
0x1c0: {  	v12 =	vadd.s32 $0x1, v12;
	v13 =	vsel vm0, $0x1, v0  }
0x1c1: {  	v11 =	vadd.s32 v13, v11  }
0x1c2: {  	_ =	sdelay $0x1  }
0x1c3: {  	vm0 =	vlt.s32 v10, v5;
	v10 =	vimm.s32 $0x0  }
0x1c4: {  	v12 =	vsel vm0, $0x1, v0  }
0x1c5: {  	v11 =	vadd.s32 v12, v11  }
0x1c6: {  	v11 =	vadd.s32 $0xFFFFFFFF, v11  }
0x1c7: {  	[tilespmem:$0x2380] =	vst v11  }
0x1c8: {  	v12 =	vadd.s32 $0x1, v10;
	v11 =	vld.idx.msk [tilespmem:v10+s6+$0x0], $0xffff  }
0x1c9: {  	s0 =	simm.s32 $0x3F  }
.LBB2_35:
0x1ca: {  	p2 =	sne.s32 s0, $0x1  }
.Ltmp23:
0x1cb: {  	_ = 	snop;
	(pc) =	sbr.rel @p2 .LBB2_35-.Ltmp23, $4  }
0x1cc: {  	_ = 	snop  }
0x1cd: {  	s0 =	sadd.s32 $0xFFFFFFFF, s0;
	vm0 =	vlt.s32 v11, v6;
	v11 =	vld.idx.msk [tilespmem:v12+s6+$0x0], $0xffff  }
0x1ce: {  	v12 =	vadd.s32 $0x1, v12;
	v13 =	vsel vm0, $0x1, v0  }
0x1cf: {  	v10 =	vadd.s32 v13, v10  }
0x1d0: {  	_ =	sdelay $0x1  }
0x1d1: {  	vm0 =	vlt.s32 v11, v6;
	v11 =	vimm.s32 $0x0  }
0x1d2: {  	v12 =	vsel vm0, $0x1, v0  }
0x1d3: {  	v10 =	vadd.s32 v12, v10  }
0x1d4: {  	v10 =	vadd.s32 $0xFFFFFFFF, v10  }
0x1d5: {  	[tilespmem:$0x2390] =	vst v10  }
0x1d6: {  	v12 =	vadd.s32 $0x1, v11;
	v10 =	vld.idx.msk [tilespmem:v11+s6+$0x0], $0xffff  }
0x1d7: {  	s0 =	simm.s32 $0x3F  }
.LBB2_37:
0x1d8: {  	p2 =	sne.s32 s0, $0x1  }
.Ltmp24:
0x1d9: {  	_ = 	snop;
	(pc) =	sbr.rel @p2 .LBB2_37-.Ltmp24, $4  }
0x1da: {  	_ = 	snop  }
0x1db: {  	s0 =	sadd.s32 $0xFFFFFFFF, s0;
	vm0 =	vlt.s32 v10, v7;
	v10 =	vld.idx.msk [tilespmem:v12+s6+$0x0], $0xffff  }
0x1dc: {  	v12 =	vadd.s32 $0x1, v12;
	v13 =	vsel vm0, $0x1, v0  }
0x1dd: {  	v11 =	vadd.s32 v13, v11  }
0x1de: {  	_ =	sdelay $0x1  }
0x1df: {  	vm0 =	vlt.s32 v10, v7;
	v10 =	vimm.s32 $0x0  }
0x1e0: {  	v12 =	vsel vm0, $0x1, v0  }
0x1e1: {  	v11 =	vadd.s32 v12, v11  }
0x1e2: {  	v11 =	vadd.s32 $0xFFFFFFFF, v11  }
0x1e3: {  	[tilespmem:$0x23A0] =	vst v11  }
0x1e4: {  	v12 =	vadd.s32 $0x1, v10;
	v11 =	vld.idx.msk [tilespmem:v10+s6+$0x0], $0xffff  }
0x1e5: {  	s0 =	simm.s32 $0x3F  }
.LBB2_39:
0x1e6: {  	p2 =	sne.s32 s0, $0x1  }
.Ltmp25:
0x1e7: {  	_ = 	snop;
	(pc) =	sbr.rel @p2 .LBB2_39-.Ltmp25, $4  }
0x1e8: {  	_ = 	snop  }
0x1e9: {  	s0 =	sadd.s32 $0xFFFFFFFF, s0;
	vm0 =	vlt.s32 v11, v8;
	v11 =	vld.idx.msk [tilespmem:v12+s6+$0x0], $0xffff  }
0x1ea: {  	v12 =	vadd.s32 $0x1, v12;
	v13 =	vsel vm0, $0x1, v0  }
0x1eb: {  	v10 =	vadd.s32 v13, v10  }
0x1ec: {  	_ =	sdelay $0x1  }
0x1ed: {  	vm0 =	vlt.s32 v11, v8  }
0x1ee: {  	v11 =	vsel vm0, $0x1, v0  }
0x1ef: {  	v10 =	vadd.s32 v11, v10  }
0x1f0: {  	v10 =	vadd.s32 $0xFFFFFFFF, v10  }
0x1f1: {  	[tilespmem:$0x23B0] =	vst v10  }
0x1f2: {  	s0 =	simm.s32 $0x2040;
	v10 =	vld.idx.msk [tilespmem:v9+s6+$0x0], $0xffff  }
0x1f3: {  	v11 =	vld.idx.msk [tilespmem:v9+s0+$0x0], $0xffff;
	_ =	sdelay $0x4  }
0x1f4: {  	v10 =	vadd.s32 v10, v11  }
0x1f5: {  	s20 =	rddreg [dreg:$0x5];
	s4 =	simm.s32 $0x2340;
	[tilespmem:$0x23C0] =	vst v10  }
0x1f6: {  	[hbm4b:s20+s2] =	stream.linear.scatter [tilespmem:s4], [sflag:$0x2], $0x80, $0x38;
	[tilespmem:$0x23D0] =	vst v63  }
0x1f7: {  	_ =	swait.ge [sflag:s17], $0x80  }
0x1f8: {  	s31 =	simm.s32 $0x23C0;
	[sflag:s17] =	ssyncset.done $0x0  }
.Ltmp26:
0x1f9: {  	s21 =	rddreg [dreg:$0x6];
	[sflag:s17] =	ssyncadd.s32 $0xFFFFFF80;
	(pc) =	sbr.rel .LBB2_41-.Ltmp26, $4  }
0x1fa: {  	[hbm4b:s21+s2] =	stream.linear.scatter [tilespmem:s31], [sflag:$0x2], $0x10, $0x38;
	[tilespmem:$0x23D0] =	vst v63  }
0x1fb: {  	_ =	swait.ge [sflag:s17], $0x10  }
0x1fc: {  	[sflag:s17] =	ssyncset.done $0x0  }
0x1fd: {  	[sflag:s17] =	ssyncadd.s32 $0xFFFFFFF0  }
.LBB2_42:
0x1fe: {  	_ =	sfence.sel $0x180000  }
0x1ff: {  	[bflag:$0x0] =	sbarrier.arrive $0xFFFF  }
0x200: {  	_ =	strace $0x9000004A  }
0x201: {  	s0 =	stileid.u32;
	[bflag:$0x2] =	sbarrier.arrive $0xFFFF  }
0x202: {  	p0 =	sne.s32 s0, $0x0;
	s0 =	rddreg [dreg:$0x3]  }
0x203: {  	s0 =	sadd.s32 @!p0 $0x100000, s0  }
0x204: {  	[sflag:s0] =	ssyncadd.tile.s32 @!p0 $0x1;
	_ =	shalt  }
.Lfunc_end2:
_tile_overlayer_lowered:
.L_overlay_start_2:
0x205: {  	(tag) =	ssettag $0x2  }
0x206: {  	s0 =	rddreg [dreg:$0x0];
	s2 =	stileid.u32  }
0x207: {  	s1 =	rddreg [dreg:$0x1];
	p0 =	sne.s32 s2, $0x0  }
0x208: {  	s3 =	rddreg [dreg:$0x2];
	[bflag:$0x3] =	sbarrier.arrive $0xFFFF;
	s2 =	simm.s32 @!p0 $0x1C02  }
0x209: {  	[timem:s3], [sflag:s2] =	dma.local @!p0 [hbm:s0], s1  }
0x20a: {  	s0 =	simm.s32 @!p0 $0x2  }
0x20b: {  	_ =	swait.ge @!p0 [sflag:s0], s1  }
0x20c: {  	s1 =	ssub.s32 @!p0 $0x0, s1;
	[sflag:s0] =	ssyncset.done @!p0 $0x0  }
0x20d: {  	[sflag:s0] =	ssyncadd.s32 @!p0 s1  }
0x20e: {  	[bflag:$0x3] =	sbarrier.arrive $0xFFFF  }
0x20f: {  	_ =	shalt  }

</sc_bundles>
